<compile_context>
chip_gen: v7x
topology: tpu7x:2x2x1
jax: 0.10.2.dev20260603
libtpu: 0.0.44.dev20260713+nightly
codegen_flags: <defaults>
</compile_context>

<pallas_src>
import functools

import jax
import jax.numpy as jnp
from jax import lax
from jax.experimental import pallas as pl
from jax.experimental.pallas import tpu as pltpu
from jax.experimental.pallas import tpu_sc as plsc

N = 10000
E = 320000
D = 128
DE = 16
DOUT = 128

NC = 2
NS = 16
L = 16
NW = NC * NS
EPW = E // NW
C = 64
NCH = 156
PAIRS = NCH // 2
TAILE = EPW - NCH * C
TBASE = NCH * C
NBLK = N // C
AGG_TAIL0 = NBLK * C
AGG_TAILR = N - AGG_TAIL0



def _proj_body(x_ref, w1_ref, w2_ref, o1_ref, o2_ref):
    xb = x_ref[...]
    o1_ref[...] = jnp.dot(xb, w1_ref[...], preferred_element_type=jnp.float32)
    o2_ref[...] = jnp.dot(xb, w2_ref[...], preferred_element_type=jnp.float32)


def _proj(x, w1, w2):
    bn = 2000
    grid = N // bn
    return pl.pallas_call(
        _proj_body,
        grid=(grid,),
        in_specs=[
            pl.BlockSpec((bn, D), lambda i: (i, 0)),
            pl.BlockSpec((D, D), lambda i: (0, 0)),
            pl.BlockSpec((D, D), lambda i: (0, 0)),
        ],
        out_specs=[
            pl.BlockSpec((bn, D), lambda i: (i, 0)),
            pl.BlockSpec((bn, D), lambda i: (i, 0)),
        ],
        out_shape=[
            jax.ShapeDtypeStruct((N, D), jnp.float32),
            jax.ShapeDtypeStruct((N, D), jnp.float32),
        ],
    )(x, w1, w2)


def _patt_body(at_ref, w_ref, b_ref, o_ref):
    o_ref[...] = lax.dot_general(
        at_ref[...], w_ref[...],
        dimension_numbers=(((0,), (0,)), ((), ())),
        preferred_element_type=jnp.float32) + b_ref[...]


def _patt(edge_attr_t, w3, b_e):
    be = 16000
    grid = E // be
    return pl.pallas_call(
        _patt_body,
        grid=(grid,),
        in_specs=[
            pl.BlockSpec((DE, be), lambda i: (0, i)),
            pl.BlockSpec((DE, DOUT), lambda i: (0, 0)),
            pl.BlockSpec((1, DOUT), lambda i: (0, 0)),
        ],
        out_specs=pl.BlockSpec((be, DOUT), lambda i: (i, 0)),
        out_shape=jax.ShapeDtypeStruct((E, DOUT), jnp.float32),
    )(edge_attr_t, w3, b_e)


def _node_body(x_ref, a_ref, w1_ref, w2_ref, b_ref, o_ref):
    acc = jnp.dot(x_ref[...], w1_ref[...], preferred_element_type=jnp.float32)
    acc += jnp.dot(a_ref[0] + a_ref[1], w2_ref[...],
                   preferred_element_type=jnp.float32)
    o_ref[...] = jnp.maximum(acc + b_ref[...], 0.0)


def _node(x, aggs, wn1, wn2, b_n):
    bn = 2000
    grid = N // bn
    return pl.pallas_call(
        _node_body,
        grid=(grid,),
        in_specs=[
            pl.BlockSpec((bn, D), lambda i: (i, 0)),
            pl.BlockSpec((NC, bn, DOUT), lambda i: (0, i, 0)),
            pl.BlockSpec((D, D), lambda i: (0, 0)),
            pl.BlockSpec((DOUT, D), lambda i: (0, 0)),
            pl.BlockSpec((1, D), lambda i: (0, 0)),
        ],
        out_specs=pl.BlockSpec((bn, D), lambda i: (i, 0)),
        out_shape=jax.ShapeDtypeStruct((N, D), jnp.float32),
    )(x, aggs, wn1, wn2, b_n)



_sc_mesh = plsc.VectorSubcoreMesh(core_axis_name="c", subcore_axis_name="s")


@functools.partial(
    pl.kernel,
    out_type=(
        jax.ShapeDtypeStruct((E, DOUT), jnp.float32),
        jax.ShapeDtypeStruct((NC, N, DOUT), jnp.float32),
    ),
    mesh=_sc_mesh,
    scratch_types=[
        pltpu.VMEM((C,), jnp.int32),
        pltpu.VMEM((C,), jnp.int32),
        pltpu.VMEM((C,), jnp.int32),
        pltpu.VMEM((C,), jnp.int32),
        pltpu.VMEM((C,), jnp.int32),
        pltpu.VMEM((C,), jnp.int32),
        pltpu.VMEM((TAILE,), jnp.int32),
        pltpu.VMEM((TAILE,), jnp.int32),
        pltpu.VMEM((C, DOUT), jnp.float32),
        pltpu.VMEM((C, DOUT), jnp.float32),
        pltpu.VMEM((C, DOUT), jnp.float32),
        pltpu.VMEM((C, DOUT), jnp.float32),
        pltpu.VMEM((C, DOUT), jnp.float32),
        pltpu.VMEM((C, DOUT), jnp.float32),
        pltpu.VMEM_SHARED((N, DOUT), jnp.float32),
        pltpu.SemaphoreType.DMA,
        pltpu.SemaphoreType.DMA,
        pltpu.SemaphoreType.DMA,
        pltpu.SemaphoreType.DMA,
        pltpu.SemaphoreType.DMA,
        pltpu.SemaphoreType.DMA,
        pltpu.SemaphoreType.DMA,
        pltpu.SemaphoreType.DMA,
        pltpu.SemaphoreType.DMA,
        pltpu.SemaphoreType.DMA,
        pltpu.SemaphoreType.DMA,
        pltpu.SemaphoreType.DMA,
    ],
)
def _edge_kernel(src_hbm, dst_hbm, psrc_hbm, pdst_hbm, patt_hbm,
                 eout_hbm, agg_hbm,
                 idx_s0, idx_d0, idx_s1, idx_d1, sidx0, sidx1,
                 idx_st, idx_dt,
                 a0, b0, c0, a1, b1, c1, agg_sh,
                 ga_sem0, gb_sem0, pc_sem0, ga_sem1, gb_sem1, pc_sem1,
                 eo_sem0, sc_sem0, eo_sem1, sc_sem1, ix_sem0, ix_sem1):
    cid = lax.axis_index("c")
    sid = lax.axis_index("s")
    wid = sid * NC + cid
    base_w = wid * EPW

    sets = (
        dict(idx_s=idx_s0, idx_d=idx_d0, a=a0, b=b0, c=c0, sidx=sidx0,
             ga=ga_sem0, gb=gb_sem0, pc=pc_sem0, eo=eo_sem0, sc=sc_sem0,
             ix=ix_sem0),
        dict(idx_s=idx_s1, idx_d=idx_d1, a=a1, b=b1, c=c1, sidx=sidx1,
             ga=ga_sem1, gb=gb_sem1, pc=pc_sem1, eo=eo_sem1, sc=sc_sem1,
             ix=ix_sem1),
    )

    def idx_descs(base, s):
        t = sets[s]
        return (pltpu.make_async_copy(src_hbm.at[pl.ds(base, C)],
                                      t["idx_s"], t["ix"]),
                pltpu.make_async_copy(dst_hbm.at[pl.ds(base, C)],
                                      t["idx_d"], t["ix"]))

    def in_descs(base, s):
        t = sets[s]
        return (pltpu.make_async_copy(psrc_hbm.at[t["idx_s"]],
                                      t["a"], t["ga"]),
                pltpu.make_async_copy(pdst_hbm.at[t["idx_d"]],
                                      t["b"], t["gb"]),
                pltpu.make_async_copy(patt_hbm.at[pl.ds(base, C)],
                                      t["c"], t["pc"]))

    def out_descs(base, s):
        t = sets[s]
        return (pltpu.make_async_copy(t["a"],
                                      eout_hbm.at[pl.ds(base, C)],
                                      t["eo"]),
                pltpu.make_async_copy(t["a"],
                                      agg_sh.at[t["sidx"]], t["sc"]))

    def snap_idx(s):
        t = sets[s]
        for g in range(C // L):
            sl = pl.ds(g * L, L)
            t["sidx"][sl] = t["idx_d"][sl]

    def fire_out(base, s):
        d = out_descs(base, s)
        d[0].start()
        d[1].start(add=True)

    def _compute(a, b, c, nrows):
        def _row(i, rcarry):
            for u in range(2):
                for g in range(DOUT // L):
                    sl = pl.ds(g * L, L)
                    r = 2 * i + u
                    a[r, sl] = jnp.maximum(
                        a[r, sl] + b[r, sl] + c[r, sl], 0.0)
            return rcarry

        lax.fori_loop(0, nrows // 2, _row, 0)

    for d in idx_descs(base_w, 0):
        d.start()

    def _zrow(i, carry):
        for g in range(DOUT // L):
            c1[i, pl.ds(g * L, L)] = jnp.zeros((L,), jnp.float32)
        return carry

    lax.fori_loop(0, C, _zrow, 0)
    for d in idx_descs(base_w, 0):
        d.wait()
    for d in in_descs(base_w, 0):
        d.start()
    for d in idx_descs(base_w + C, 1):
        d.start()

    nblk_me = jnp.where(sid < NBLK - 9 * NS, 10, 9)

    def _zblk(k, carry):
        pltpu.sync_copy(c1, agg_sh.at[pl.ds((sid + NS * k) * C, C)])
        return carry

    lax.fori_loop(0, nblk_me, _zblk, 0)

    @pl.when(sid == NS - 1)
    def _zero_tail():
        pltpu.sync_copy(c1.at[pl.ds(0, AGG_TAILR)],
                        agg_sh.at[pl.ds(AGG_TAIL0, AGG_TAILR)])

    plsc.subcore_barrier()

    def _pair(p, carry):
        base_a = base_w + 2 * p * C

        @pl.when(p > 0)
        def _():
            for d in out_descs(base_a - C, 1):
                d.wait()

        for d in idx_descs(base_a + C, 1):
            d.wait()
        for d in in_descs(base_a + C, 1):
            d.start()
        for d in in_descs(base_a, 0):
            d.wait()
        snap_idx(0)

        @pl.when(p < PAIRS - 1)
        def _():
            for d in idx_descs(base_a + 2 * C, 0):
                d.start()

        _compute(a0, b0, c0, C)
        fire_out(base_a, 0)

        base_b = base_a + C
        for d in out_descs(base_a, 0):
            d.wait()

        @pl.when(p < PAIRS - 1)
        def _():
            for d in idx_descs(base_b + C, 0):
                d.wait()
            for d in in_descs(base_b + C, 0):
                d.start()

        for d in in_descs(base_b, 1):
            d.wait()
        snap_idx(1)

        @pl.when(p < PAIRS - 1)
        def _():
            for d in idx_descs(base_b + 2 * C, 1):
                d.start()

        _compute(a1, b1, c1, C)
        fire_out(base_b, 1)
        return carry

    lax.fori_loop(0, PAIRS, _pair, 0)
    for d in out_descs(base_w + (NCH - 1) * C, 1):
        d.wait()

    tb = base_w + TBASE
    pltpu.sync_copy(src_hbm.at[pl.ds(tb, TAILE)], idx_st)
    pltpu.sync_copy(dst_hbm.at[pl.ds(tb, TAILE)], idx_dt)
    cp1 = pltpu.async_copy(psrc_hbm.at[idx_st], a0.at[pl.ds(0, TAILE)],
                           ga_sem0)
    cp2 = pltpu.async_copy(pdst_hbm.at[idx_dt], b0.at[pl.ds(0, TAILE)],
                           gb_sem0)
    cp3 = pltpu.async_copy(patt_hbm.at[pl.ds(tb, TAILE)],
                           c0.at[pl.ds(0, TAILE)], pc_sem0)
    cp1.wait()
    cp2.wait()
    cp3.wait()
    _compute(a0, b0, c0, TAILE)
    tr = a0.at[pl.ds(0, TAILE)]
    pltpu.sync_copy(tr, eout_hbm.at[pl.ds(tb, TAILE)])
    pltpu.sync_copy(tr, agg_sh.at[idx_dt], add=True)

    plsc.subcore_barrier()

    def _dblk(k, carry):
        off = (sid + NS * k) * C
        pltpu.sync_copy(agg_sh.at[pl.ds(off, C)], a0)
        pltpu.sync_copy(a0, agg_hbm.at[cid, pl.ds(off, C)])
        return carry

    lax.fori_loop(0, nblk_me, _dblk, 0)

    @pl.when(sid == NS - 1)
    def _drain_tail():
        pltpu.sync_copy(agg_sh.at[pl.ds(AGG_TAIL0, AGG_TAILR)],
                        a0.at[pl.ds(0, AGG_TAILR)])
        pltpu.sync_copy(a0.at[pl.ds(0, AGG_TAILR)],
                        agg_hbm.at[cid, pl.ds(AGG_TAIL0, AGG_TAILR)])



@jax.jit
def kernel(x, edge_index, edge_attr, W_e, b_e, W_n, b_n):
    src = edge_index[0]
    dst = edge_index[1]
    psrc, pdst = _proj(x, W_e[:D], W_e[D:2 * D])
    patt = _patt(edge_attr.T, W_e[2 * D:], b_e.reshape(1, DOUT))
    edge_out, aggs = _edge_kernel(src, dst, psrc, pdst, patt)
    x_out = _node(x, aggs, W_n[:D], W_n[D:], b_n.reshape(1, D))
    return (x_out, edge_out)

# --- scband reference (transcript-rebuilt; emitter-appended) ---
"""Pipeline reference for scband-meta-layer-22728966930795 (READ-ONLY COPY).

The authoritative reference and input builder live on the scoring server;
editing this copy changes nothing except your own understanding.
"""

import jax, jax.numpy as jnp
import numpy as np

N = 10000
E = 320000
D = 128
DE = 16
D_EDGE_OUT = 128


def setup_inputs(seed: int = 0) -> dict:
    key = jax.random.key(seed)
    ks = jax.random.split(key, 8)
    x = jax.random.normal(ks[0], (N, D), dtype=jnp.float32)
    edge_index = jax.random.randint(ks[1], (2, E), 0, N, dtype=jnp.int32)
    edge_attr = jax.random.normal(ks[2], (E, DE), dtype=jnp.float32)
    # EdgeModel params: MLP over [x_src, x_dst, edge_attr] -> D_EDGE_OUT
    W_e = jax.random.normal(ks[3], (2 * D + DE, D_EDGE_OUT), dtype=jnp.float32) * (1.0 / np.sqrt(2 * D + DE))
    b_e = jnp.zeros((D_EDGE_OUT,), dtype=jnp.float32)
    # NodeModel params: MLP over [x, aggregated_edge_messages] -> D
    W_n = jax.random.normal(ks[4], (D + D_EDGE_OUT, D), dtype=jnp.float32) * (1.0 / np.sqrt(D + D_EDGE_OUT))
    b_n = jnp.zeros((D,), dtype=jnp.float32)
    return {"x": x, "edge_index": edge_index, "edge_attr": edge_attr, "W_e": W_e, "b_e": b_e, "W_n": W_n, "b_n": b_n}


def reference(x, edge_index, edge_attr, W_e, b_e, W_n, b_n):
    src = edge_index[0]
    dst = edge_index[1]
    # edge_model: edge_attr' = MLP([x_src, x_dst, edge_attr])
    h_e = jnp.concatenate([jnp.take(x, src, axis=0), jnp.take(x, dst, axis=0), edge_attr], axis=-1)
    edge_out = jax.nn.relu(h_e @ W_e + b_e)
    # node_model: x' = MLP([x, scatter_add(edge_attr', dst)])
    agg = jax.ops.segment_sum(edge_out, dst, num_segments=N)
    h_n = jnp.concatenate([x, agg], axis=-1)
    x_out = jax.nn.relu(h_n @ W_n + b_n)
    return (x_out, edge_out)

if __name__ == "__main__":
    import jax
    _d = setup_inputs()
    print(jax.jit(kernel)(*tuple(_d.values())))

</pallas_src>

<mosaic_0001>
#map = affine_map<(d0, d1) -> (0)>
#map1 = affine_map<(d0, d1) -> (0, 0)>
#map2 = affine_map<(d0, d1) -> (0, 0, 0)>
module attributes {stable_mosaic.version = 14 : i64} {
  func.func @_edge_kernel(%arg0: i32, %arg1: i32, %arg2: memref<320000xi32, #tpu.memory_space<hbm>>, %arg3: memref<320000xi32, #tpu.memory_space<hbm>>, %arg4: memref<10000x128xf32, #tpu.memory_space<hbm>>, %arg5: memref<10000x128xf32, #tpu.memory_space<hbm>>, %arg6: memref<320000x128xf32, #tpu.memory_space<hbm>>, %arg7: memref<320000x128xf32, #tpu.memory_space<hbm>>, %arg8: memref<2x10000x128xf32, #tpu.memory_space<hbm>>, %arg9: memref<64xi32, #tpu.memory_space<vmem>>, %arg10: memref<64xi32, #tpu.memory_space<vmem>>, %arg11: memref<64xi32, #tpu.memory_space<vmem>>, %arg12: memref<64xi32, #tpu.memory_space<vmem>>, %arg13: memref<64xi32, #tpu.memory_space<vmem>>, %arg14: memref<64xi32, #tpu.memory_space<vmem>>, %arg15: memref<16xi32, #tpu.memory_space<vmem>>, %arg16: memref<16xi32, #tpu.memory_space<vmem>>, %arg17: memref<64x128xf32, #tpu.memory_space<vmem>>, %arg18: memref<64x128xf32, #tpu.memory_space<vmem>>, %arg19: memref<64x128xf32, #tpu.memory_space<vmem>>, %arg20: memref<64x128xf32, #tpu.memory_space<vmem>>, %arg21: memref<64x128xf32, #tpu.memory_space<vmem>>, %arg22: memref<64x128xf32, #tpu.memory_space<vmem>>, %arg23: memref<10000x128xf32, #tpu.memory_space<vmem_shared>>, %arg24: memref<!tpu.dma_semaphore, #tpu.memory_space<semaphore_mem>>, %arg25: memref<!tpu.dma_semaphore, #tpu.memory_space<semaphore_mem>>, %arg26: memref<!tpu.dma_semaphore, #tpu.memory_space<semaphore_mem>>, %arg27: memref<!tpu.dma_semaphore, #tpu.memory_space<semaphore_mem>>, %arg28: memref<!tpu.dma_semaphore, #tpu.memory_space<semaphore_mem>>, %arg29: memref<!tpu.dma_semaphore, #tpu.memory_space<semaphore_mem>>, %arg30: memref<!tpu.dma_semaphore, #tpu.memory_space<semaphore_mem>>, %arg31: memref<!tpu.dma_semaphore, #tpu.memory_space<semaphore_mem>>, %arg32: memref<!tpu.dma_semaphore, #tpu.memory_space<semaphore_mem>>, %arg33: memref<!tpu.dma_semaphore, #tpu.memory_space<semaphore_mem>>, %arg34: memref<!tpu.dma_semaphore, #tpu.memory_space<semaphore_mem>>, %arg35: memref<!tpu.dma_semaphore, #tpu.memory_space<semaphore_mem>>) attributes {dimension_semantics = [#tpu.dimension_semantics<core_parallel>, #tpu.dimension_semantics<subcore_parallel>], iteration_bounds = array<i64: 2, 16>, scalar_prefetch = 0 : i64, scratch_operands = 27 : i64, tpu.core_type = #tpu.core_type<sc_vector_subcore>, window_params = [{transform_indices = #map}, {transform_indices = #map}, {transform_indices = #map1}, {transform_indices = #map1}, {transform_indices = #map1}, {transform_indices = #map1}, {transform_indices = #map2}]} {
    %mul3A = arith.constant 2 : i32
    %mul3A_0 = arith.muli %arg1, %mul3A : i32
    %add3A = arith.addi %mul3A_0, %arg0 : i32
    %mul3A_1 = arith.constant 10000 : i32
    %mul3A_2 = arith.muli %add3A, %mul3A_1 : i32
    %dma_start3A = tpu.memref_slice %arg2[%mul3A_2] : memref<320000xi32, #tpu.memory_space<hbm>> -> memref<64xi32, #tpu.memory_space<hbm>>
    %dma_start3A_3 = tpu.memref_slice %arg2[%mul3A_2] : memref<320000xi32, #tpu.memory_space<hbm>> -> memref<64xi32, #tpu.memory_space<hbm>>
    tpu.enqueue_dma source(%dma_start3A_3 : memref<64xi32, #tpu.memory_space<hbm>>) target(%arg9 : memref<64xi32, #tpu.memory_space<vmem>>) target_semaphore(%arg34 : memref<!tpu.dma_semaphore, #tpu.memory_space<semaphore_mem>>)
    %dma_start3A_4 = tpu.memref_slice %arg3[%mul3A_2] : memref<320000xi32, #tpu.memory_space<hbm>> -> memref<64xi32, #tpu.memory_space<hbm>>
    %dma_start3A_5 = tpu.memref_slice %arg3[%mul3A_2] : memref<320000xi32, #tpu.memory_space<hbm>> -> memref<64xi32, #tpu.memory_space<hbm>>
    tpu.enqueue_dma source(%dma_start3A_5 : memref<64xi32, #tpu.memory_space<hbm>>) target(%arg10 : memref<64xi32, #tpu.memory_space<vmem>>) target_semaphore(%arg34 : memref<!tpu.dma_semaphore, #tpu.memory_space<semaphore_mem>>)
    %scan3A = arith.constant 0 : i32
    %scan3A_6 = arith.constant 0 : i32
    %scan3A_7 = arith.constant 64 : i32
    %scan3A_8 = arith.addi %scan3A_6, %scan3A_7 : i32
    %scan3A_9 = arith.constant 1 : i32
    scf.for %scan3A_126 = %scan3A_6 to %scan3A_8 step %scan3A_9  : i32 {
      %broadcast_in_dim3A = arith.constant 0.000000e+00 : f32
      %broadcast_in_dim3A_127 = vector.broadcast %broadcast_in_dim3A : f32 to vector<16xf32>
      %swap3A = arith.index_cast %scan3A_126 : i32 to index
      %swap3A_128 = arith.constant 0 : index
      %swap3A_129 = tpu.vector_load %arg22[%swap3A, %swap3A_128] {strides = array<i32>} : memref<64x128xf32, #tpu.memory_space<vmem>>, vector<1x16xf32>,
      %swap3A_130 = vector.shape_cast %swap3A_129 : vector<1x16xf32> to vector<16xf32>
      %swap3A_131 = vector.shape_cast %broadcast_in_dim3A_127 : vector<16xf32> to vector<1x16xf32>
      tpu.vector_store %arg22[%swap3A, %swap3A_128], %swap3A_131 {strides = array<i32>} : memref<64x128xf32, #tpu.memory_space<vmem>>, vector<1x16xf32>,
      %broadcast_in_dim3A_132 = arith.constant 0.000000e+00 : f32
      %broadcast_in_dim3A_133 = vector.broadcast %broadcast_in_dim3A_132 : f32 to vector<16xf32>
      %swap3A_134 = arith.index_cast %scan3A_126 : i32 to index
      %swap3A_135 = arith.constant 16 : index
      %swap3A_136 = tpu.vector_load %arg22[%swap3A_134, %swap3A_135] {strides = array<i32>} : memref<64x128xf32, #tpu.memory_space<vmem>>, vector<1x16xf32>,
      %swap3A_137 = vector.shape_cast %swap3A_136 : vector<1x16xf32> to vector<16xf32>
      %swap3A_138 = vector.shape_cast %broadcast_in_dim3A_133 : vector<16xf32> to vector<1x16xf32>
      tpu.vector_store %arg22[%swap3A_134, %swap3A_135], %swap3A_138 {strides = array<i32>} : memref<64x128xf32, #tpu.memory_space<vmem>>, vector<1x16xf32>,
      %broadcast_in_dim3A_139 = arith.constant 0.000000e+00 : f32
      %broadcast_in_dim3A_140 = vector.broadcast %broadcast_in_dim3A_139 : f32 to vector<16xf32>
      %swap3A_141 = arith.index_cast %scan3A_126 : i32 to index
      %swap3A_142 = arith.constant 32 : index
      %swap3A_143 = tpu.vector_load %arg22[%swap3A_141, %swap3A_142] {strides = array<i32>} : memref<64x128xf32, #tpu.memory_space<vmem>>, vector<1x16xf32>,
      %swap3A_144 = vector.shape_cast %swap3A_143 : vector<1x16xf32> to vector<16xf32>
      %swap3A_145 = vector.shape_cast %broadcast_in_dim3A_140 : vector<16xf32> to vector<1x16xf32>
      tpu.vector_store %arg22[%swap3A_141, %swap3A_142], %swap3A_145 {strides = array<i32>} : memref<64x128xf32, #tpu.memory_space<vmem>>, vector<1x16xf32>,
      %broadcast_in_dim3A_146 = arith.constant 0.000000e+00 : f32
      %broadcast_in_dim3A_147 = vector.broadcast %broadcast_in_dim3A_146 : f32 to vector<16xf32>
      %swap3A_148 = arith.index_cast %scan3A_126 : i32 to index
      %swap3A_149 = arith.constant 48 : index
      %swap3A_150 = tpu.vector_load %arg22[%swap3A_148, %swap3A_149] {strides = array<i32>} : memref<64x128xf32, #tpu.memory_space<vmem>>, vector<1x16xf32>,
      %swap3A_151 = vector.shape_cast %swap3A_150 : vector<1x16xf32> to vector<16xf32>
      %swap3A_152 = vector.shape_cast %broadcast_in_dim3A_147 : vector<16xf32> to vector<1x16xf32>
      tpu.vector_store %arg22[%swap3A_148, %swap3A_149], %swap3A_152 {strides = array<i32>} : memref<64x128xf32, #tpu.memory_space<vmem>>, vector<1x16xf32>,
      %broadcast_in_dim3A_153 = arith.constant 0.000000e+00 : f32
      %broadcast_in_dim3A_154 = vector.broadcast %broadcast_in_dim3A_153 : f32 to vector<16xf32>
      %swap3A_155 = arith.index_cast %scan3A_126 : i32 to index
      %swap3A_156 = arith.constant 64 : index
      %swap3A_157 = tpu.vector_load %arg22[%swap3A_155, %swap3A_156] {strides = array<i32>} : memref<64x128xf32, #tpu.memory_space<vmem>>, vector<1x16xf32>,
      %swap3A_158 = vector.shape_cast %swap3A_157 : vector<1x16xf32> to vector<16xf32>
      %swap3A_159 = vector.shape_cast %broadcast_in_dim3A_154 : vector<16xf32> to vector<1x16xf32>
      tpu.vector_store %arg22[%swap3A_155, %swap3A_156], %swap3A_159 {strides = array<i32>} : memref<64x128xf32, #tpu.memory_space<vmem>>, vector<1x16xf32>,
      %broadcast_in_dim3A_160 = arith.constant 0.000000e+00 : f32
      %broadcast_in_dim3A_161 = vector.broadcast %broadcast_in_dim3A_160 : f32 to vector<16xf32>
      %swap3A_162 = arith.index_cast %scan3A_126 : i32 to index
      %swap3A_163 = arith.constant 80 : index
      %swap3A_164 = tpu.vector_load %arg22[%swap3A_162, %swap3A_163] {strides = array<i32>} : memref<64x128xf32, #tpu.memory_space<vmem>>, vector<1x16xf32>,
      %swap3A_165 = vector.shape_cast %swap3A_164 : vector<1x16xf32> to vector<16xf32>
      %swap3A_166 = vector.shape_cast %broadcast_in_dim3A_161 : vector<16xf32> to vector<1x16xf32>
      tpu.vector_store %arg22[%swap3A_162, %swap3A_163], %swap3A_166 {strides = array<i32>} : memref<64x128xf32, #tpu.memory_space<vmem>>, vector<1x16xf32>,
      %broadcast_in_dim3A_167 = arith.constant 0.000000e+00 : f32
      %broadcast_in_dim3A_168 = vector.broadcast %broadcast_in_dim3A_167 : f32 to vector<16xf32>
      %swap3A_169 = arith.index_cast %scan3A_126 : i32 to index
      %swap3A_170 = arith.constant 96 : index
      %swap3A_171 = tpu.vector_load %arg22[%swap3A_169, %swap3A_170] {strides = array<i32>} : memref<64x128xf32, #tpu.memory_space<vmem>>, vector<1x16xf32>,
      %swap3A_172 = vector.shape_cast %swap3A_171 : vector<1x16xf32> to vector<16xf32>
      %swap3A_173 = vector.shape_cast %broadcast_in_dim3A_168 : vector<16xf32> to vector<1x16xf32>
      tpu.vector_store %arg22[%swap3A_169, %swap3A_170], %swap3A_173 {strides = array<i32>} : memref<64x128xf32, #tpu.memory_space<vmem>>, vector<1x16xf32>,
      %broadcast_in_dim3A_174 = arith.constant 0.000000e+00 : f32
      %broadcast_in_dim3A_175 = vector.broadcast %broadcast_in_dim3A_174 : f32 to vector<16xf32>
      %swap3A_176 = arith.index_cast %scan3A_126 : i32 to index
      %swap3A_177 = arith.constant 112 : index
      %swap3A_178 = tpu.vector_load %arg22[%swap3A_176, %swap3A_177] {strides = array<i32>} : memref<64x128xf32, #tpu.memory_space<vmem>>, vector<1x16xf32>,
      %swap3A_179 = vector.shape_cast %swap3A_178 : vector<1x16xf32> to vector<16xf32>
      %swap3A_180 = vector.shape_cast %broadcast_in_dim3A_175 : vector<16xf32> to vector<1x16xf32>
      tpu.vector_store %arg22[%swap3A_176, %swap3A_177], %swap3A_180 {strides = array<i32>} : memref<64x128xf32, #tpu.memory_space<vmem>>, vector<1x16xf32>,
    }
    %scan3A_10 = arith.constant 64 : i32
    %dma_wait3A = tpu.memref_slice %arg2[%mul3A_2] : memref<320000xi32, #tpu.memory_space<hbm>> -> memref<64xi32, #tpu.memory_space<hbm>>
    %dma_wait3A_11 = tpu.memref_slice %arg2[%mul3A_2] : memref<320000xi32, #tpu.memory_space<hbm>> -> memref<64xi32, #tpu.memory_space<hbm>>
    tpu.wait_dma2 semaphore(%arg34 : memref<!tpu.dma_semaphore, #tpu.memory_space<semaphore_mem>>) src(%dma_wait3A_11 : memref<64xi32, #tpu.memory_space<hbm>>) dst(%arg9 : memref<64xi32, #tpu.memory_space<vmem>>)
    %dma_wait3A_12 = tpu.memref_slice %arg3[%mul3A_2] : memref<320000xi32, #tpu.memory_space<hbm>> -> memref<64xi32, #tpu.memory_space<hbm>>
    %dma_wait3A_13 = tpu.memref_slice %arg3[%mul3A_2] : memref<320000xi32, #tpu.memory_space<hbm>> -> memref<64xi32, #tpu.memory_space<hbm>>
    tpu.wait_dma2 semaphore(%arg34 : memref<!tpu.dma_semaphore, #tpu.memory_space<semaphore_mem>>) src(%dma_wait3A_13 : memref<64xi32, #tpu.memory_space<hbm>>) dst(%arg10 : memref<64xi32, #tpu.memory_space<vmem>>)
    %dma_start3A_14 = arith.constant 0 : i32
    %dma_start3A_15 = arith.constant 0 : i32
    %dma_start3A_16 = tpu.memref_slice %arg4[%dma_start3A_14, %dma_start3A_15] : memref<10000x128xf32, #tpu.memory_space<hbm>> -> memref<10000x128xf32, #tpu.memory_space<hbm>>
    tpu.enqueue_indirect_dma source(%dma_start3A_16 : memref<10000x128xf32, #tpu.memory_space<hbm>>) target(%arg17 : memref<64x128xf32, #tpu.memory_space<vmem>>) offsets(%arg9 : memref<64xi32, #tpu.memory_space<vmem>>) semaphore(%arg24 : memref<!tpu.dma_semaphore, #tpu.memory_space<semaphore_mem>>)
    %dma_start3A_17 = arith.constant 0 : i32
    %dma_start3A_18 = arith.constant 0 : i32
    %dma_start3A_19 = tpu.memref_slice %arg5[%dma_start3A_17, %dma_start3A_18] : memref<10000x128xf32, #tpu.memory_space<hbm>> -> memref<10000x128xf32, #tpu.memory_space<hbm>>
    tpu.enqueue_indirect_dma source(%dma_start3A_19 : memref<10000x128xf32, #tpu.memory_space<hbm>>) target(%arg18 : memref<64x128xf32, #tpu.memory_space<vmem>>) offsets(%arg10 : memref<64xi32, #tpu.memory_space<vmem>>) semaphore(%arg25 : memref<!tpu.dma_semaphore, #tpu.memory_space<semaphore_mem>>)
    %dma_start3A_20 = arith.constant 0 : i32
    %dma_start3A_21 = tpu.memref_slice %arg6[%mul3A_2, %dma_start3A_20] : memref<320000x128xf32, #tpu.memory_space<hbm>> -> memref<64x128xf32, #tpu.memory_space<hbm>>
    %dma_start3A_22 = arith.constant 0 : i32
    %dma_start3A_23 = tpu.memref_slice %arg6[%mul3A_2, %dma_start3A_22] : memref<320000x128xf32, #tpu.memory_space<hbm>> -> memref<64x128xf32, #tpu.memory_space<hbm>>
    tpu.enqueue_dma source(%dma_start3A_23 : memref<64x128xf32, #tpu.memory_space<hbm>>) target(%arg19 : memref<64x128xf32, #tpu.memory_space<vmem>>) target_semaphore(%arg26 : memref<!tpu.dma_semaphore, #tpu.memory_space<semaphore_mem>>)
    %add3A_24 = arith.constant 64 : i32
    %add3A_25 = arith.addi %mul3A_2, %add3A_24 : i32
    %dma_start3A_26 = tpu.memref_slice %arg2[%add3A_25] : memref<320000xi32, #tpu.memory_space<hbm>> -> memref<64xi32, #tpu.memory_space<hbm>>
    %dma_start3A_27 = tpu.memref_slice %arg2[%add3A_25] : memref<320000xi32, #tpu.memory_space<hbm>> -> memref<64xi32, #tpu.memory_space<hbm>>
    tpu.enqueue_dma source(%dma_start3A_27 : memref<64xi32, #tpu.memory_space<hbm>>) target(%arg11 : memref<64xi32, #tpu.memory_space<vmem>>) target_semaphore(%arg35 : memref<!tpu.dma_semaphore, #tpu.memory_space<semaphore_mem>>)
    %dma_start3A_28 = tpu.memref_slice %arg3[%add3A_25] : memref<320000xi32, #tpu.memory_space<hbm>> -> memref<64xi32, #tpu.memory_space<hbm>>
    %dma_start3A_29 = tpu.memref_slice %arg3[%add3A_25] : memref<320000xi32, #tpu.memory_space<hbm>> -> memref<64xi32, #tpu.memory_space<hbm>>
    tpu.enqueue_dma source(%dma_start3A_29 : memref<64xi32, #tpu.memory_space<hbm>>) target(%arg12 : memref<64xi32, #tpu.memory_space<vmem>>) target_semaphore(%arg35 : memref<!tpu.dma_semaphore, #tpu.memory_space<semaphore_mem>>)
    %lt3A = arith.constant 12 : i32
    %lt3A_30 = arith.cmpi slt, %arg1, %lt3A : i32
    %jit3A = arith.constant 10 : i32
    %jit3A_31 = arith.constant 9 : i32
    %select_n3A = arith.select %lt3A_30, %jit3A, %jit3A_31 : i32
    %while3A = arith.constant 0 : i32
    %while3A_32 = arith.constant 0 : i32
    %while3A_33 = arith.subi %select_n3A, %while3A_32 : i32
    %while3A_34 = arith.addi %while3A_32, %while3A_33 : i32
    %while3A_35 = arith.constant 1 : i32
    %while3A_36 = arith.divsi %while3A_33, %while3A_35 : i32
    %while3A_37 = arith.muli %while3A_36, %while3A_35 : i32
    %while3A_38 = arith.addi %while3A_32, %while3A_37 : i32
    %while3A_39 = arith.constant 1 : i32
    scf.for %while3A_126 = %while3A_32 to %while3A_38 step %while3A_39  : i32 {
      %mul3A_127 = arith.constant 16 : i32
      %mul3A_128 = arith.muli %mul3A_127, %while3A_126 : i32
      %add3A_129 = arith.addi %arg1, %mul3A_128 : i32
      %mul3A_130 = arith.constant 64 : i32
      %mul3A_131 = arith.muli %add3A_129, %mul3A_130 : i32
      "tpu.region"() ({
        %run_scoped3A = tpu.sem_alloc : memref<!tpu.dma_semaphore, #tpu.memory_space<semaphore_mem>>
        %dma_start3A_132 = arith.constant 0 : i32
        %dma_start3A_133 = tpu.memref_slice %arg23[%mul3A_131, %dma_start3A_132] : memref<10000x128xf32, #tpu.memory_space<vmem_shared>> -> memref<64x128xf32, #tpu.memory_space<vmem_shared>>
        %dma_start3A_134 = arith.constant 0 : i32
        %dma_start3A_135 = tpu.memref_slice %arg23[%mul3A_131, %dma_start3A_134] : memref<10000x128xf32, #tpu.memory_space<vmem_shared>> -> memref<64x128xf32, #tpu.memory_space<vmem_shared>>
        tpu.enqueue_dma source(%arg22 : memref<64x128xf32, #tpu.memory_space<vmem>>) target(%dma_start3A_135 : memref<64x128xf32, #tpu.memory_space<vmem_shared>>) target_semaphore(%run_scoped3A : memref<!tpu.dma_semaphore, #tpu.memory_space<semaphore_mem>>)
        %dma_wait3A_136 = arith.constant 0 : i32
        %dma_wait3A_137 = tpu.memref_slice %arg23[%mul3A_131, %dma_wait3A_136] : memref<10000x128xf32, #tpu.memory_space<vmem_shared>> -> memref<64x128xf32, #tpu.memory_space<vmem_shared>>
        %dma_wait3A_138 = arith.constant 0 : i32
        %dma_wait3A_139 = tpu.memref_slice %arg23[%mul3A_131, %dma_wait3A_138] : memref<10000x128xf32, #tpu.memory_space<vmem_shared>> -> memref<64x128xf32, #tpu.memory_space<vmem_shared>>
        tpu.wait_dma2 semaphore(%run_scoped3A : memref<!tpu.dma_semaphore, #tpu.memory_space<semaphore_mem>>) src(%arg22 : memref<64x128xf32, #tpu.memory_space<vmem>>) dst(%dma_wait3A_139 : memref<64x128xf32, #tpu.memory_space<vmem_shared>>)
        tpu.yield
      }) : () -> ()
    }
    %while3A_40 = arith.constant 1 : i32
    scf.for %while3A_126 = %while3A_38 to %while3A_34 step %while3A_40  : i32 {
      %mul3A_127 = arith.constant 16 : i32
      %mul3A_128 = arith.muli %mul3A_127, %while3A_126 : i32
      %add3A_129 = arith.addi %arg1, %mul3A_128 : i32
      %mul3A_130 = arith.constant 64 : i32
      %mul3A_131 = arith.muli %add3A_129, %mul3A_130 : i32
      "tpu.region"() ({
        %run_scoped3A = tpu.sem_alloc : memref<!tpu.dma_semaphore, #tpu.memory_space<semaphore_mem>>
        %dma_start3A_132 = arith.constant 0 : i32
        %dma_start3A_133 = tpu.memref_slice %arg23[%mul3A_131, %dma_start3A_132] : memref<10000x128xf32, #tpu.memory_space<vmem_shared>> -> memref<64x128xf32, #tpu.memory_space<vmem_shared>>
        %dma_start3A_134 = arith.constant 0 : i32
        %dma_start3A_135 = tpu.memref_slice %arg23[%mul3A_131, %dma_start3A_134] : memref<10000x128xf32, #tpu.memory_space<vmem_shared>> -> memref<64x128xf32, #tpu.memory_space<vmem_shared>>
        tpu.enqueue_dma source(%arg22 : memref<64x128xf32, #tpu.memory_space<vmem>>) target(%dma_start3A_135 : memref<64x128xf32, #tpu.memory_space<vmem_shared>>) target_semaphore(%run_scoped3A : memref<!tpu.dma_semaphore, #tpu.memory_space<semaphore_mem>>)
        %dma_wait3A_136 = arith.constant 0 : i32
        %dma_wait3A_137 = tpu.memref_slice %arg23[%mul3A_131, %dma_wait3A_136] : memref<10000x128xf32, #tpu.memory_space<vmem_shared>> -> memref<64x128xf32, #tpu.memory_space<vmem_shared>>
        %dma_wait3A_138 = arith.constant 0 : i32
        %dma_wait3A_139 = tpu.memref_slice %arg23[%mul3A_131, %dma_wait3A_138] : memref<10000x128xf32, #tpu.memory_space<vmem_shared>> -> memref<64x128xf32, #tpu.memory_space<vmem_shared>>
        tpu.wait_dma2 semaphore(%run_scoped3A : memref<!tpu.dma_semaphore, #tpu.memory_space<semaphore_mem>>) src(%arg22 : memref<64x128xf32, #tpu.memory_space<vmem>>) dst(%dma_wait3A_139 : memref<64x128xf32, #tpu.memory_space<vmem_shared>>)
        tpu.yield
      }) : () -> ()
    }
    %eq3A = arith.constant 15 : i32
    %eq3A_41 = arith.cmpi eq, %arg1, %eq3A : i32
    %convert_element_type3A = arith.extui %eq3A_41 : i1 to i32
    %cond3A = arith.constant 0 : i32
    %cond3A_42 = arith.cmpi ne, %convert_element_type3A, %cond3A : i32
    scf.if %cond3A_42 {
      "tpu.region"() ({
        %run_scoped3A = tpu.sem_alloc : memref<!tpu.dma_semaphore, #tpu.memory_space<semaphore_mem>>
        %dma_start3A_126 = arith.constant 0 : i32
        %dma_start3A_127 = arith.constant 0 : i32
        %dma_start3A_128 = tpu.memref_slice %arg22[%dma_start3A_126, %dma_start3A_127] : memref<64x128xf32, #tpu.memory_space<vmem>> -> memref<16x128xf32, #tpu.memory_space<vmem>>
        %dma_start3A_129 = arith.constant 9984 : i32
        %dma_start3A_130 = arith.constant 0 : i32
        %dma_start3A_131 = tpu.memref_slice %arg23[%dma_start3A_129, %dma_start3A_130] : memref<10000x128xf32, #tpu.memory_space<vmem_shared>> -> memref<16x128xf32, #tpu.memory_space<vmem_shared>>
        %dma_start3A_132 = arith.constant 9984 : i32
        %dma_start3A_133 = arith.constant 0 : i32
        %dma_start3A_134 = tpu.memref_slice %arg23[%dma_start3A_132, %dma_start3A_133] : memref<10000x128xf32, #tpu.memory_space<vmem_shared>> -> memref<16x128xf32, #tpu.memory_space<vmem_shared>>
        %dma_start3A_135 = arith.constant 0 : i32
        %dma_start3A_136 = arith.constant 0 : i32
        %dma_start3A_137 = tpu.memref_slice %arg22[%dma_start3A_135, %dma_start3A_136] : memref<64x128xf32, #tpu.memory_space<vmem>> -> memref<16x128xf32, #tpu.memory_space<vmem>>
        tpu.enqueue_dma source(%dma_start3A_137 : memref<16x128xf32, #tpu.memory_space<vmem>>) target(%dma_start3A_134 : memref<16x128xf32, #tpu.memory_space<vmem_shared>>) target_semaphore(%run_scoped3A : memref<!tpu.dma_semaphore, #tpu.memory_space<semaphore_mem>>)
        %dma_wait3A_138 = arith.constant 0 : i32
        %dma_wait3A_139 = arith.constant 0 : i32
        %dma_wait3A_140 = tpu.memref_slice %arg22[%dma_wait3A_138, %dma_wait3A_139] : memref<64x128xf32, #tpu.memory_space<vmem>> -> memref<16x128xf32, #tpu.memory_space<vmem>>
        %dma_wait3A_141 = arith.constant 9984 : i32
        %dma_wait3A_142 = arith.constant 0 : i32
        %dma_wait3A_143 = tpu.memref_slice %arg23[%dma_wait3A_141, %dma_wait3A_142] : memref<10000x128xf32, #tpu.memory_space<vmem_shared>> -> memref<16x128xf32, #tpu.memory_space<vmem_shared>>
        %dma_wait3A_144 = arith.constant 9984 : i32
        %dma_wait3A_145 = arith.constant 0 : i32
        %dma_wait3A_146 = tpu.memref_slice %arg23[%dma_wait3A_144, %dma_wait3A_145] : memref<10000x128xf32, #tpu.memory_space<vmem_shared>> -> memref<16x128xf32, #tpu.memory_space<vmem_shared>>
        %dma_wait3A_147 = arith.constant 0 : i32
        %dma_wait3A_148 = arith.constant 0 : i32
        %dma_wait3A_149 = tpu.memref_slice %arg22[%dma_wait3A_147, %dma_wait3A_148] : memref<64x128xf32, #tpu.memory_space<vmem>> -> memref<16x128xf32, #tpu.memory_space<vmem>>
        tpu.wait_dma2 semaphore(%run_scoped3A : memref<!tpu.dma_semaphore, #tpu.memory_space<semaphore_mem>>) src(%dma_wait3A_149 : memref<16x128xf32, #tpu.memory_space<vmem>>) dst(%dma_wait3A_146 : memref<16x128xf32, #tpu.memory_space<vmem_shared>>)
        tpu.yield
      }) : () -> ()
    } else {
    }
    %barrier3A = arith.constant 0 : index
    tpu.barrier barrier_id(%barrier3A)
    %scan3A_43 = arith.constant 0 : i32
    %scan3A_44 = arith.constant 0 : i32
    %scan3A_45 = arith.constant 78 : i32
    %scan3A_46 = arith.addi %scan3A_44, %scan3A_45 : i32
    %scan3A_47 = arith.constant 1 : i32
    scf.for %scan3A_126 = %scan3A_44 to %scan3A_46 step %scan3A_47  : i32 {
      %mul3A_127 = arith.constant 2 : i32
      %mul3A_128 = arith.muli %mul3A_127, %scan3A_126 : i32
      %mul3A_129 = arith.constant 64 : i32
      %mul3A_130 = arith.muli %mul3A_128, %mul3A_129 : i32
      %add3A_131 = arith.addi %mul3A_2, %mul3A_130 : i32
      %gt3A = arith.constant 0 : i32
      %gt3A_132 = arith.cmpi sgt, %scan3A_126, %gt3A : i32
      %convert_element_type3A_133 = arith.extui %gt3A_132 : i1 to i32
      %cond3A_134 = arith.constant 0 : i32
      %cond3A_135 = arith.cmpi ne, %convert_element_type3A_133, %cond3A_134 : i32
      scf.if %cond3A_135 {
        %sub3A = arith.constant 64 : i32
        %sub3A_278 = arith.subi %add3A_131, %sub3A : i32
        %dma_wait3A_279 = arith.constant 0 : i32
        %dma_wait3A_280 = tpu.memref_slice %arg7[%sub3A_278, %dma_wait3A_279] : memref<320000x128xf32, #tpu.memory_space<hbm>> -> memref<64x128xf32, #tpu.memory_space<hbm>>
        %dma_wait3A_281 = arith.constant 0 : i32
        %dma_wait3A_282 = tpu.memref_slice %arg7[%sub3A_278, %dma_wait3A_281] : memref<320000x128xf32, #tpu.memory_space<hbm>> -> memref<64x128xf32, #tpu.memory_space<hbm>>
        tpu.wait_dma2 semaphore(%arg32 : memref<!tpu.dma_semaphore, #tpu.memory_space<semaphore_mem>>) src(%arg20 : memref<64x128xf32, #tpu.memory_space<vmem>>) dst(%dma_wait3A_282 : memref<64x128xf32, #tpu.memory_space<hbm>>)
        %dma_wait3A_283 = arith.constant 0 : i32
        %dma_wait3A_284 = arith.constant 0 : i32
        %dma_wait3A_285 = tpu.memref_slice %arg23[%dma_wait3A_283, %dma_wait3A_284] : memref<10000x128xf32, #tpu.memory_space<vmem_shared>> -> memref<10000x128xf32, #tpu.memory_space<vmem_shared>>
        tpu.wait_indirect_dma semaphore(%arg33 : memref<!tpu.dma_semaphore, #tpu.memory_space<semaphore_mem>>) src(%arg20 : memref<64x128xf32, #tpu.memory_space<vmem>>) dst(%dma_wait3A_285 : memref<10000x128xf32, #tpu.memory_space<vmem_shared>>)
      } else {
      }
      %add3A_136 = arith.constant 64 : i32
      %add3A_137 = arith.addi %add3A_131, %add3A_136 : i32
      %dma_wait3A_138 = tpu.memref_slice %arg2[%add3A_137] : memref<320000xi32, #tpu.memory_space<hbm>> -> memref<64xi32, #tpu.memory_space<hbm>>
      %dma_wait3A_139 = tpu.memref_slice %arg2[%add3A_137] : memref<320000xi32, #tpu.memory_space<hbm>> -> memref<64xi32, #tpu.memory_space<hbm>>
      tpu.wait_dma2 semaphore(%arg35 : memref<!tpu.dma_semaphore, #tpu.memory_space<semaphore_mem>>) src(%dma_wait3A_139 : memref<64xi32, #tpu.memory_space<hbm>>) dst(%arg11 : memref<64xi32, #tpu.memory_space<vmem>>)
      %dma_wait3A_140 = tpu.memref_slice %arg3[%add3A_137] : memref<320000xi32, #tpu.memory_space<hbm>> -> memref<64xi32, #tpu.memory_space<hbm>>
      %dma_wait3A_141 = tpu.memref_slice %arg3[%add3A_137] : memref<320000xi32, #tpu.memory_space<hbm>> -> memref<64xi32, #tpu.memory_space<hbm>>
      tpu.wait_dma2 semaphore(%arg35 : memref<!tpu.dma_semaphore, #tpu.memory_space<semaphore_mem>>) src(%dma_wait3A_141 : memref<64xi32, #tpu.memory_space<hbm>>) dst(%arg12 : memref<64xi32, #tpu.memory_space<vmem>>)
      %add3A_142 = arith.constant 64 : i32
      %add3A_143 = arith.addi %add3A_131, %add3A_142 : i32
      %dma_start3A_144 = arith.constant 0 : i32
      %dma_start3A_145 = arith.constant 0 : i32
      %dma_start3A_146 = tpu.memref_slice %arg4[%dma_start3A_144, %dma_start3A_145] : memref<10000x128xf32, #tpu.memory_space<hbm>> -> memref<10000x128xf32, #tpu.memory_space<hbm>>
      tpu.enqueue_indirect_dma source(%dma_start3A_146 : memref<10000x128xf32, #tpu.memory_space<hbm>>) target(%arg20 : memref<64x128xf32, #tpu.memory_space<vmem>>) offsets(%arg11 : memref<64xi32, #tpu.memory_space<vmem>>) semaphore(%arg27 : memref<!tpu.dma_semaphore, #tpu.memory_space<semaphore_mem>>)
      %dma_start3A_147 = arith.constant 0 : i32
      %dma_start3A_148 = arith.constant 0 : i32
      %dma_start3A_149 = tpu.memref_slice %arg5[%dma_start3A_147, %dma_start3A_148] : memref<10000x128xf32, #tpu.memory_space<hbm>> -> memref<10000x128xf32, #tpu.memory_space<hbm>>
      tpu.enqueue_indirect_dma source(%dma_start3A_149 : memref<10000x128xf32, #tpu.memory_space<hbm>>) target(%arg21 : memref<64x128xf32, #tpu.memory_space<vmem>>) offsets(%arg12 : memref<64xi32, #tpu.memory_space<vmem>>) semaphore(%arg28 : memref<!tpu.dma_semaphore, #tpu.memory_space<semaphore_mem>>)
      %dma_start3A_150 = arith.constant 0 : i32
      %dma_start3A_151 = tpu.memref_slice %arg6[%add3A_143, %dma_start3A_150] : memref<320000x128xf32, #tpu.memory_space<hbm>> -> memref<64x128xf32, #tpu.memory_space<hbm>>
      %dma_start3A_152 = arith.constant 0 : i32
      %dma_start3A_153 = tpu.memref_slice %arg6[%add3A_143, %dma_start3A_152] : memref<320000x128xf32, #tpu.memory_space<hbm>> -> memref<64x128xf32, #tpu.memory_space<hbm>>
      tpu.enqueue_dma source(%dma_start3A_153 : memref<64x128xf32, #tpu.memory_space<hbm>>) target(%arg22 : memref<64x128xf32, #tpu.memory_space<vmem>>) target_semaphore(%arg29 : memref<!tpu.dma_semaphore, #tpu.memory_space<semaphore_mem>>)
      %dma_wait3A_154 = arith.constant 0 : i32
      %dma_wait3A_155 = arith.constant 0 : i32
      %dma_wait3A_156 = tpu.memref_slice %arg4[%dma_wait3A_154, %dma_wait3A_155] : memref<10000x128xf32, #tpu.memory_space<hbm>> -> memref<10000x128xf32, #tpu.memory_space<hbm>>
      tpu.wait_indirect_dma semaphore(%arg24 : memref<!tpu.dma_semaphore, #tpu.memory_space<semaphore_mem>>) src(%dma_wait3A_156 : memref<10000x128xf32, #tpu.memory_space<hbm>>) dst(%arg17 : memref<64x128xf32, #tpu.memory_space<vmem>>)
      %dma_wait3A_157 = arith.constant 0 : i32
      %dma_wait3A_158 = arith.constant 0 : i32
      %dma_wait3A_159 = tpu.memref_slice %arg5[%dma_wait3A_157, %dma_wait3A_158] : memref<10000x128xf32, #tpu.memory_space<hbm>> -> memref<10000x128xf32, #tpu.memory_space<hbm>>
      tpu.wait_indirect_dma semaphore(%arg25 : memref<!tpu.dma_semaphore, #tpu.memory_space<semaphore_mem>>) src(%dma_wait3A_159 : memref<10000x128xf32, #tpu.memory_space<hbm>>) dst(%arg18 : memref<64x128xf32, #tpu.memory_space<vmem>>)
      %dma_wait3A_160 = arith.constant 0 : i32
      %dma_wait3A_161 = tpu.memref_slice %arg6[%add3A_131, %dma_wait3A_160] : memref<320000x128xf32, #tpu.memory_space<hbm>> -> memref<64x128xf32, #tpu.memory_space<hbm>>
      %dma_wait3A_162 = arith.constant 0 : i32
      %dma_wait3A_163 = tpu.memref_slice %arg6[%add3A_131, %dma_wait3A_162] : memref<320000x128xf32, #tpu.memory_space<hbm>> -> memref<64x128xf32, #tpu.memory_space<hbm>>
      tpu.wait_dma2 semaphore(%arg26 : memref<!tpu.dma_semaphore, #tpu.memory_space<semaphore_mem>>) src(%dma_wait3A_163 : memref<64x128xf32, #tpu.memory_space<hbm>>) dst(%arg19 : memref<64x128xf32, #tpu.memory_space<vmem>>)
      %get3A = arith.constant 0 : index
      %get3A_164 = tpu.vector_load %arg10[%get3A] {strides = array<i32>} : memref<64xi32, #tpu.memory_space<vmem>>, vector<16xi32>,
      %get3A_165 = vector.shape_cast %get3A_164 : vector<16xi32> to vector<16xi32>
      %swap3A = arith.constant 0 : index
      %swap3A_166 = tpu.vector_load %arg13[%swap3A] {strides = array<i32>} : memref<64xi32, #tpu.memory_space<vmem>>, vector<16xi32>,
      %swap3A_167 = vector.shape_cast %swap3A_166 : vector<16xi32> to vector<16xi32>
      %swap3A_168 = vector.shape_cast %get3A_165 : vector<16xi32> to vector<16xi32>
      tpu.vector_store %arg13[%swap3A], %swap3A_168 {strides = array<i32>} : memref<64xi32, #tpu.memory_space<vmem>>, vector<16xi32>,
      %get3A_169 = arith.constant 16 : index
      %get3A_170 = tpu.vector_load %arg10[%get3A_169] {strides = array<i32>} : memref<64xi32, #tpu.memory_space<vmem>>, vector<16xi32>,
      %get3A_171 = vector.shape_cast %get3A_170 : vector<16xi32> to vector<16xi32>
      %swap3A_172 = arith.constant 16 : index
      %swap3A_173 = tpu.vector_load %arg13[%swap3A_172] {strides = array<i32>} : memref<64xi32, #tpu.memory_space<vmem>>, vector<16xi32>,
      %swap3A_174 = vector.shape_cast %swap3A_173 : vector<16xi32> to vector<16xi32>
      %swap3A_175 = vector.shape_cast %get3A_171 : vector<16xi32> to vector<16xi32>
      tpu.vector_store %arg13[%swap3A_172], %swap3A_175 {strides = array<i32>} : memref<64xi32, #tpu.memory_space<vmem>>, vector<16xi32>,
      %get3A_176 = arith.constant 32 : index
      %get3A_177 = tpu.vector_load %arg10[%get3A_176] {strides = array<i32>} : memref<64xi32, #tpu.memory_space<vmem>>, vector<16xi32>,
      %get3A_178 = vector.shape_cast %get3A_177 : vector<16xi32> to vector<16xi32>
      %swap3A_179 = arith.constant 32 : index
      %swap3A_180 = tpu.vector_load %arg13[%swap3A_179] {strides = array<i32>} : memref<64xi32, #tpu.memory_space<vmem>>, vector<16xi32>,
      %swap3A_181 = vector.shape_cast %swap3A_180 : vector<16xi32> to vector<16xi32>
      %swap3A_182 = vector.shape_cast %get3A_178 : vector<16xi32> to vector<16xi32>
      tpu.vector_store %arg13[%swap3A_179], %swap3A_182 {strides = array<i32>} : memref<64xi32, #tpu.memory_space<vmem>>, vector<16xi32>,
      %get3A_183 = arith.constant 48 : index
      %get3A_184 = tpu.vector_load %arg10[%get3A_183] {strides = array<i32>} : memref<64xi32, #tpu.memory_space<vmem>>, vector<16xi32>,
      %get3A_185 = vector.shape_cast %get3A_184 : vector<16xi32> to vector<16xi32>
      %swap3A_186 = arith.constant 48 : index
      %swap3A_187 = tpu.vector_load %arg13[%swap3A_186] {strides = array<i32>} : memref<64xi32, #tpu.memory_space<vmem>>, vector<16xi32>,
      %swap3A_188 = vector.shape_cast %swap3A_187 : vector<16xi32> to vector<16xi32>
      %swap3A_189 = vector.shape_cast %get3A_185 : vector<16xi32> to vector<16xi32>
      tpu.vector_store %arg13[%swap3A_186], %swap3A_189 {strides = array<i32>} : memref<64xi32, #tpu.memory_space<vmem>>, vector<16xi32>,
      %lt3A_190 = arith.constant 77 : i32
      %lt3A_191 = arith.cmpi slt, %scan3A_126, %lt3A_190 : i32
      %convert_element_type3A_192 = arith.extui %lt3A_191 : i1 to i32
      %cond3A_193 = arith.constant 0 : i32
      %cond3A_194 = arith.cmpi ne, %convert_element_type3A_192, %cond3A_193 : i32
      scf.if %cond3A_194 {
        %add3A_278 = arith.constant 128 : i32
        %add3A_279 = arith.addi %add3A_131, %add3A_278 : i32
        %dma_start3A_280 = tpu.memref_slice %arg2[%add3A_279] : memref<320000xi32, #tpu.memory_space<hbm>> -> memref<64xi32, #tpu.memory_space<hbm>>
        %dma_start3A_281 = tpu.memref_slice %arg2[%add3A_279] : memref<320000xi32, #tpu.memory_space<hbm>> -> memref<64xi32, #tpu.memory_space<hbm>>
        tpu.enqueue_dma source(%dma_start3A_281 : memref<64xi32, #tpu.memory_space<hbm>>) target(%arg9 : memref<64xi32, #tpu.memory_space<vmem>>) target_semaphore(%arg34 : memref<!tpu.dma_semaphore, #tpu.memory_space<semaphore_mem>>)
        %dma_start3A_282 = tpu.memref_slice %arg3[%add3A_279] : memref<320000xi32, #tpu.memory_space<hbm>> -> memref<64xi32, #tpu.memory_space<hbm>>
        %dma_start3A_283 = tpu.memref_slice %arg3[%add3A_279] : memref<320000xi32, #tpu.memory_space<hbm>> -> memref<64xi32, #tpu.memory_space<hbm>>
        tpu.enqueue_dma source(%dma_start3A_283 : memref<64xi32, #tpu.memory_space<hbm>>) target(%arg10 : memref<64xi32, #tpu.memory_space<vmem>>) target_semaphore(%arg34 : memref<!tpu.dma_semaphore, #tpu.memory_space<semaphore_mem>>)
      } else {
      }
      %scan3A_195 = arith.constant 0 : i32
      %scan3A_196 = arith.constant 0 : i32
      %scan3A_197 = arith.constant 32 : i32
      %scan3A_198 = arith.addi %scan3A_196, %scan3A_197 : i32
      %scan3A_199 = arith.constant 1 : i32
      scf.for %scan3A_278 = %scan3A_196 to %scan3A_198 step %scan3A_199  : i32 {
        %mul3A_279 = arith.constant 2 : i32
        %mul3A_280 = arith.muli %mul3A_279, %scan3A_278 : i32
        %add3A_281 = arith.constant 0 : i32
        %add3A_282 = arith.addi %mul3A_280, %add3A_281 : i32
        %get3A_283 = arith.index_cast %add3A_282 : i32 to index
        %get3A_284 = arith.constant 0 : index
        %get3A_285 = tpu.vector_load %arg17[%get3A_283, %get3A_284] {strides = array<i32>} : memref<64x128xf32, #tpu.memory_space<vmem>>, vector<1x16xf32>,
        %get3A_286 = vector.shape_cast %get3A_285 : vector<1x16xf32> to vector<16xf32>
        %get3A_287 = arith.index_cast %add3A_282 : i32 to index
        %get3A_288 = arith.constant 0 : index
        %get3A_289 = tpu.vector_load %arg18[%get3A_287, %get3A_288] {strides = array<i32>} : memref<64x128xf32, #tpu.memory_space<vmem>>, vector<1x16xf32>,
        %get3A_290 = vector.shape_cast %get3A_289 : vector<1x16xf32> to vector<16xf32>
        %add3A_291 = arith.addf %get3A_286, %get3A_290 : vector<16xf32>
        %get3A_292 = arith.index_cast %add3A_282 : i32 to index
        %get3A_293 = arith.constant 0 : index
        %get3A_294 = tpu.vector_load %arg19[%get3A_292, %get3A_293] {strides = array<i32>} : memref<64x128xf32, #tpu.memory_space<vmem>>, vector<1x16xf32>,
        %get3A_295 = vector.shape_cast %get3A_294 : vector<1x16xf32> to vector<16xf32>
        %add3A_296 = arith.addf %add3A_291, %get3A_295 : vector<16xf32>
        %max3A = arith.constant 0.000000e+00 : f32
        %max3A_297 = vector.broadcast %max3A : f32 to vector<16xf32>
        %max3A_298 = arith.maximumf %add3A_296, %max3A_297 : vector<16xf32>
        %swap3A_299 = arith.index_cast %add3A_282 : i32 to index
        %swap3A_300 = arith.constant 0 : index
        %swap3A_301 = tpu.vector_load %arg17[%swap3A_299, %swap3A_300] {strides = array<i32>} : memref<64x128xf32, #tpu.memory_space<vmem>>, vector<1x16xf32>,
        %swap3A_302 = vector.shape_cast %swap3A_301 : vector<1x16xf32> to vector<16xf32>
        %swap3A_303 = vector.shape_cast %max3A_298 : vector<16xf32> to vector<1x16xf32>
        tpu.vector_store %arg17[%swap3A_299, %swap3A_300], %swap3A_303 {strides = array<i32>} : memref<64x128xf32, #tpu.memory_space<vmem>>, vector<1x16xf32>,
        %mul3A_304 = arith.constant 2 : i32
        %mul3A_305 = arith.muli %mul3A_304, %scan3A_278 : i32
        %add3A_306 = arith.constant 0 : i32
        %add3A_307 = arith.addi %mul3A_305, %add3A_306 : i32
        %get3A_308 = arith.index_cast %add3A_307 : i32 to index
        %get3A_309 = arith.constant 16 : index
        %get3A_310 = tpu.vector_load %arg17[%get3A_308, %get3A_309] {strides = array<i32>} : memref<64x128xf32, #tpu.memory_space<vmem>>, vector<1x16xf32>,
        %get3A_311 = vector.shape_cast %get3A_310 : vector<1x16xf32> to vector<16xf32>
        %get3A_312 = arith.index_cast %add3A_307 : i32 to index
        %get3A_313 = arith.constant 16 : index
        %get3A_314 = tpu.vector_load %arg18[%get3A_312, %get3A_313] {strides = array<i32>} : memref<64x128xf32, #tpu.memory_space<vmem>>, vector<1x16xf32>,
        %get3A_315 = vector.shape_cast %get3A_314 : vector<1x16xf32> to vector<16xf32>
        %add3A_316 = arith.addf %get3A_311, %get3A_315 : vector<16xf32>
        %get3A_317 = arith.index_cast %add3A_307 : i32 to index
        %get3A_318 = arith.constant 16 : index
        %get3A_319 = tpu.vector_load %arg19[%get3A_317, %get3A_318] {strides = array<i32>} : memref<64x128xf32, #tpu.memory_space<vmem>>, vector<1x16xf32>,
        %get3A_320 = vector.shape_cast %get3A_319 : vector<1x16xf32> to vector<16xf32>
        %add3A_321 = arith.addf %add3A_316, %get3A_320 : vector<16xf32>
        %max3A_322 = arith.constant 0.000000e+00 : f32
        %max3A_323 = vector.broadcast %max3A_322 : f32 to vector<16xf32>
        %max3A_324 = arith.maximumf %add3A_321, %max3A_323 : vector<16xf32>
        %swap3A_325 = arith.index_cast %add3A_307 : i32 to index
        %swap3A_326 = arith.constant 16 : index
        %swap3A_327 = tpu.vector_load %arg17[%swap3A_325, %swap3A_326] {strides = array<i32>} : memref<64x128xf32, #tpu.memory_space<vmem>>, vector<1x16xf32>,
        %swap3A_328 = vector.shape_cast %swap3A_327 : vector<1x16xf32> to vector<16xf32>
        %swap3A_329 = vector.shape_cast %max3A_324 : vector<16xf32> to vector<1x16xf32>
        tpu.vector_store %arg17[%swap3A_325, %swap3A_326], %swap3A_329 {strides = array<i32>} : memref<64x128xf32, #tpu.memory_space<vmem>>, vector<1x16xf32>,
        %mul3A_330 = arith.constant 2 : i32
        %mul3A_331 = arith.muli %mul3A_330, %scan3A_278 : i32
        %add3A_332 = arith.constant 0 : i32
        %add3A_333 = arith.addi %mul3A_331, %add3A_332 : i32
        %get3A_334 = arith.index_cast %add3A_333 : i32 to index
        %get3A_335 = arith.constant 32 : index
        %get3A_336 = tpu.vector_load %arg17[%get3A_334, %get3A_335] {strides = array<i32>} : memref<64x128xf32, #tpu.memory_space<vmem>>, vector<1x16xf32>,
        %get3A_337 = vector.shape_cast %get3A_336 : vector<1x16xf32> to vector<16xf32>
        %get3A_338 = arith.index_cast %add3A_333 : i32 to index
        %get3A_339 = arith.constant 32 : index
        %get3A_340 = tpu.vector_load %arg18[%get3A_338, %get3A_339] {strides = array<i32>} : memref<64x128xf32, #tpu.memory_space<vmem>>, vector<1x16xf32>,
        %get3A_341 = vector.shape_cast %get3A_340 : vector<1x16xf32> to vector<16xf32>
        %add3A_342 = arith.addf %get3A_337, %get3A_341 : vector<16xf32>
        %get3A_343 = arith.index_cast %add3A_333 : i32 to index
        %get3A_344 = arith.constant 32 : index
        %get3A_345 = tpu.vector_load %arg19[%get3A_343, %get3A_344] {strides = array<i32>} : memref<64x128xf32, #tpu.memory_space<vmem>>, vector<1x16xf32>,
        %get3A_346 = vector.shape_cast %get3A_345 : vector<1x16xf32> to vector<16xf32>
        %add3A_347 = arith.addf %add3A_342, %get3A_346 : vector<16xf32>
        %max3A_348 = arith.constant 0.000000e+00 : f32
        %max3A_349 = vector.broadcast %max3A_348 : f32 to vector<16xf32>
        %max3A_350 = arith.maximumf %add3A_347, %max3A_349 : vector<16xf32>
        %swap3A_351 = arith.index_cast %add3A_333 : i32 to index
        %swap3A_352 = arith.constant 32 : index
        %swap3A_353 = tpu.vector_load %arg17[%swap3A_351, %swap3A_352] {strides = array<i32>} : memref<64x128xf32, #tpu.memory_space<vmem>>, vector<1x16xf32>,
        %swap3A_354 = vector.shape_cast %swap3A_353 : vector<1x16xf32> to vector<16xf32>
        %swap3A_355 = vector.shape_cast %max3A_350 : vector<16xf32> to vector<1x16xf32>
        tpu.vector_store %arg17[%swap3A_351, %swap3A_352], %swap3A_355 {strides = array<i32>} : memref<64x128xf32, #tpu.memory_space<vmem>>, vector<1x16xf32>,
        %mul3A_356 = arith.constant 2 : i32
        %mul3A_357 = arith.muli %mul3A_356, %scan3A_278 : i32
        %add3A_358 = arith.constant 0 : i32
        %add3A_359 = arith.addi %mul3A_357, %add3A_358 : i32
        %get3A_360 = arith.index_cast %add3A_359 : i32 to index
        %get3A_361 = arith.constant 48 : index
        %get3A_362 = tpu.vector_load %arg17[%get3A_360, %get3A_361] {strides = array<i32>} : memref<64x128xf32, #tpu.memory_space<vmem>>, vector<1x16xf32>,
        %get3A_363 = vector.shape_cast %get3A_362 : vector<1x16xf32> to vector<16xf32>
        %get3A_364 = arith.index_cast %add3A_359 : i32 to index
        %get3A_365 = arith.constant 48 : index
        %get3A_366 = tpu.vector_load %arg18[%get3A_364, %get3A_365] {strides = array<i32>} : memref<64x128xf32, #tpu.memory_space<vmem>>, vector<1x16xf32>,
        %get3A_367 = vector.shape_cast %get3A_366 : vector<1x16xf32> to vector<16xf32>
        %add3A_368 = arith.addf %get3A_363, %get3A_367 : vector<16xf32>
        %get3A_369 = arith.index_cast %add3A_359 : i32 to index
        %get3A_370 = arith.constant 48 : index
        %get3A_371 = tpu.vector_load %arg19[%get3A_369, %get3A_370] {strides = array<i32>} : memref<64x128xf32, #tpu.memory_space<vmem>>, vector<1x16xf32>,
        %get3A_372 = vector.shape_cast %get3A_371 : vector<1x16xf32> to vector<16xf32>
        %add3A_373 = arith.addf %add3A_368, %get3A_372 : vector<16xf32>
        %max3A_374 = arith.constant 0.000000e+00 : f32
        %max3A_375 = vector.broadcast %max3A_374 : f32 to vector<16xf32>
        %max3A_376 = arith.maximumf %add3A_373, %max3A_375 : vector<16xf32>
        %swap3A_377 = arith.index_cast %add3A_359 : i32 to index
        %swap3A_378 = arith.constant 48 : index
        %swap3A_379 = tpu.vector_load %arg17[%swap3A_377, %swap3A_378] {strides = array<i32>} : memref<64x128xf32, #tpu.memory_space<vmem>>, vector<1x16xf32>,
        %swap3A_380 = vector.shape_cast %swap3A_379 : vector<1x16xf32> to vector<16xf32>
        %swap3A_381 = vector.shape_cast %max3A_376 : vector<16xf32> to vector<1x16xf32>
        tpu.vector_store %arg17[%swap3A_377, %swap3A_378], %swap3A_381 {strides = array<i32>} : memref<64x128xf32, #tpu.memory_space<vmem>>, vector<1x16xf32>,
        %mul3A_382 = arith.constant 2 : i32
        %mul3A_383 = arith.muli %mul3A_382, %scan3A_278 : i32
        %add3A_384 = arith.constant 0 : i32
        %add3A_385 = arith.addi %mul3A_383, %add3A_384 : i32
        %get3A_386 = arith.index_cast %add3A_385 : i32 to index
        %get3A_387 = arith.constant 64 : index
        %get3A_388 = tpu.vector_load %arg17[%get3A_386, %get3A_387] {strides = array<i32>} : memref<64x128xf32, #tpu.memory_space<vmem>>, vector<1x16xf32>,
        %get3A_389 = vector.shape_cast %get3A_388 : vector<1x16xf32> to vector<16xf32>
        %get3A_390 = arith.index_cast %add3A_385 : i32 to index
        %get3A_391 = arith.constant 64 : index
        %get3A_392 = tpu.vector_load %arg18[%get3A_390, %get3A_391] {strides = array<i32>} : memref<64x128xf32, #tpu.memory_space<vmem>>, vector<1x16xf32>,
        %get3A_393 = vector.shape_cast %get3A_392 : vector<1x16xf32> to vector<16xf32>
        %add3A_394 = arith.addf %get3A_389, %get3A_393 : vector<16xf32>
        %get3A_395 = arith.index_cast %add3A_385 : i32 to index
        %get3A_396 = arith.constant 64 : index
        %get3A_397 = tpu.vector_load %arg19[%get3A_395, %get3A_396] {strides = array<i32>} : memref<64x128xf32, #tpu.memory_space<vmem>>, vector<1x16xf32>,
        %get3A_398 = vector.shape_cast %get3A_397 : vector<1x16xf32> to vector<16xf32>
        %add3A_399 = arith.addf %add3A_394, %get3A_398 : vector<16xf32>
        %max3A_400 = arith.constant 0.000000e+00 : f32
        %max3A_401 = vector.broadcast %max3A_400 : f32 to vector<16xf32>
        %max3A_402 = arith.maximumf %add3A_399, %max3A_401 : vector<16xf32>
        %swap3A_403 = arith.index_cast %add3A_385 : i32 to index
        %swap3A_404 = arith.constant 64 : index
        %swap3A_405 = tpu.vector_load %arg17[%swap3A_403, %swap3A_404] {strides = array<i32>} : memref<64x128xf32, #tpu.memory_space<vmem>>, vector<1x16xf32>,
        %swap3A_406 = vector.shape_cast %swap3A_405 : vector<1x16xf32> to vector<16xf32>
        %swap3A_407 = vector.shape_cast %max3A_402 : vector<16xf32> to vector<1x16xf32>
        tpu.vector_store %arg17[%swap3A_403, %swap3A_404], %swap3A_407 {strides = array<i32>} : memref<64x128xf32, #tpu.memory_space<vmem>>, vector<1x16xf32>,
        %mul3A_408 = arith.constant 2 : i32
        %mul3A_409 = arith.muli %mul3A_408, %scan3A_278 : i32
        %add3A_410 = arith.constant 0 : i32
        %add3A_411 = arith.addi %mul3A_409, %add3A_410 : i32
        %get3A_412 = arith.index_cast %add3A_411 : i32 to index
        %get3A_413 = arith.constant 80 : index
        %get3A_414 = tpu.vector_load %arg17[%get3A_412, %get3A_413] {strides = array<i32>} : memref<64x128xf32, #tpu.memory_space<vmem>>, vector<1x16xf32>,
        %get3A_415 = vector.shape_cast %get3A_414 : vector<1x16xf32> to vector<16xf32>
        %get3A_416 = arith.index_cast %add3A_411 : i32 to index
        %get3A_417 = arith.constant 80 : index
        %get3A_418 = tpu.vector_load %arg18[%get3A_416, %get3A_417] {strides = array<i32>} : memref<64x128xf32, #tpu.memory_space<vmem>>, vector<1x16xf32>,
        %get3A_419 = vector.shape_cast %get3A_418 : vector<1x16xf32> to vector<16xf32>
        %add3A_420 = arith.addf %get3A_415, %get3A_419 : vector<16xf32>
        %get3A_421 = arith.index_cast %add3A_411 : i32 to index
        %get3A_422 = arith.constant 80 : index
        %get3A_423 = tpu.vector_load %arg19[%get3A_421, %get3A_422] {strides = array<i32>} : memref<64x128xf32, #tpu.memory_space<vmem>>, vector<1x16xf32>,
        %get3A_424 = vector.shape_cast %get3A_423 : vector<1x16xf32> to vector<16xf32>
        %add3A_425 = arith.addf %add3A_420, %get3A_424 : vector<16xf32>
        %max3A_426 = arith.constant 0.000000e+00 : f32
        %max3A_427 = vector.broadcast %max3A_426 : f32 to vector<16xf32>
        %max3A_428 = arith.maximumf %add3A_425, %max3A_427 : vector<16xf32>
        %swap3A_429 = arith.index_cast %add3A_411 : i32 to index
        %swap3A_430 = arith.constant 80 : index
        %swap3A_431 = tpu.vector_load %arg17[%swap3A_429, %swap3A_430] {strides = array<i32>} : memref<64x128xf32, #tpu.memory_space<vmem>>, vector<1x16xf32>,
        %swap3A_432 = vector.shape_cast %swap3A_431 : vector<1x16xf32> to vector<16xf32>
        %swap3A_433 = vector.shape_cast %max3A_428 : vector<16xf32> to vector<1x16xf32>
        tpu.vector_store %arg17[%swap3A_429, %swap3A_430], %swap3A_433 {strides = array<i32>} : memref<64x128xf32, #tpu.memory_space<vmem>>, vector<1x16xf32>,
        %mul3A_434 = arith.constant 2 : i32
        %mul3A_435 = arith.muli %mul3A_434, %scan3A_278 : i32
        %add3A_436 = arith.constant 0 : i32
        %add3A_437 = arith.addi %mul3A_435, %add3A_436 : i32
        %get3A_438 = arith.index_cast %add3A_437 : i32 to index
        %get3A_439 = arith.constant 96 : index
        %get3A_440 = tpu.vector_load %arg17[%get3A_438, %get3A_439] {strides = array<i32>} : memref<64x128xf32, #tpu.memory_space<vmem>>, vector<1x16xf32>,
        %get3A_441 = vector.shape_cast %get3A_440 : vector<1x16xf32> to vector<16xf32>
        %get3A_442 = arith.index_cast %add3A_437 : i32 to index
        %get3A_443 = arith.constant 96 : index
        %get3A_444 = tpu.vector_load %arg18[%get3A_442, %get3A_443] {strides = array<i32>} : memref<64x128xf32, #tpu.memory_space<vmem>>, vector<1x16xf32>,
        %get3A_445 = vector.shape_cast %get3A_444 : vector<1x16xf32> to vector<16xf32>
        %add3A_446 = arith.addf %get3A_441, %get3A_445 : vector<16xf32>
        %get3A_447 = arith.index_cast %add3A_437 : i32 to index
        %get3A_448 = arith.constant 96 : index
        %get3A_449 = tpu.vector_load %arg19[%get3A_447, %get3A_448] {strides = array<i32>} : memref<64x128xf32, #tpu.memory_space<vmem>>, vector<1x16xf32>,
        %get3A_450 = vector.shape_cast %get3A_449 : vector<1x16xf32> to vector<16xf32>
        %add3A_451 = arith.addf %add3A_446, %get3A_450 : vector<16xf32>
        %max3A_452 = arith.constant 0.000000e+00 : f32
        %max3A_453 = vector.broadcast %max3A_452 : f32 to vector<16xf32>
        %max3A_454 = arith.maximumf %add3A_451, %max3A_453 : vector<16xf32>
        %swap3A_455 = arith.index_cast %add3A_437 : i32 to index
        %swap3A_456 = arith.constant 96 : index
        %swap3A_457 = tpu.vector_load %arg17[%swap3A_455, %swap3A_456] {strides = array<i32>} : memref<64x128xf32, #tpu.memory_space<vmem>>, vector<1x16xf32>,
        %swap3A_458 = vector.shape_cast %swap3A_457 : vector<1x16xf32> to vector<16xf32>
        %swap3A_459 = vector.shape_cast %max3A_454 : vector<16xf32> to vector<1x16xf32>
        tpu.vector_store %arg17[%swap3A_455, %swap3A_456], %swap3A_459 {strides = array<i32>} : memref<64x128xf32, #tpu.memory_space<vmem>>, vector<1x16xf32>,
        %mul3A_460 = arith.constant 2 : i32
        %mul3A_461 = arith.muli %mul3A_460, %scan3A_278 : i32
        %add3A_462 = arith.constant 0 : i32
        %add3A_463 = arith.addi %mul3A_461, %add3A_462 : i32
        %get3A_464 = arith.index_cast %add3A_463 : i32 to index
        %get3A_465 = arith.constant 112 : index
        %get3A_466 = tpu.vector_load %arg17[%get3A_464, %get3A_465] {strides = array<i32>} : memref<64x128xf32, #tpu.memory_space<vmem>>, vector<1x16xf32>,
        %get3A_467 = vector.shape_cast %get3A_466 : vector<1x16xf32> to vector<16xf32>
        %get3A_468 = arith.index_cast %add3A_463 : i32 to index
        %get3A_469 = arith.constant 112 : index
        %get3A_470 = tpu.vector_load %arg18[%get3A_468, %get3A_469] {strides = array<i32>} : memref<64x128xf32, #tpu.memory_space<vmem>>, vector<1x16xf32>,
        %get3A_471 = vector.shape_cast %get3A_470 : vector<1x16xf32> to vector<16xf32>
        %add3A_472 = arith.addf %get3A_467, %get3A_471 : vector<16xf32>
        %get3A_473 = arith.index_cast %add3A_463 : i32 to index
        %get3A_474 = arith.constant 112 : index
        %get3A_475 = tpu.vector_load %arg19[%get3A_473, %get3A_474] {strides = array<i32>} : memref<64x128xf32, #tpu.memory_space<vmem>>, vector<1x16xf32>,
        %get3A_476 = vector.shape_cast %get3A_475 : vector<1x16xf32> to vector<16xf32>
        %add3A_477 = arith.addf %add3A_472, %get3A_476 : vector<16xf32>
        %max3A_478 = arith.constant 0.000000e+00 : f32
        %max3A_479 = vector.broadcast %max3A_478 : f32 to vector<16xf32>
        %max3A_480 = arith.maximumf %add3A_477, %max3A_479 : vector<16xf32>
        %swap3A_481 = arith.index_cast %add3A_463 : i32 to index
        %swap3A_482 = arith.constant 112 : index
        %swap3A_483 = tpu.vector_load %arg17[%swap3A_481, %swap3A_482] {strides = array<i32>} : memref<64x128xf32, #tpu.memory_space<vmem>>, vector<1x16xf32>,
        %swap3A_484 = vector.shape_cast %swap3A_483 : vector<1x16xf32> to vector<16xf32>
        %swap3A_485 = vector.shape_cast %max3A_480 : vector<16xf32> to vector<1x16xf32>
        tpu.vector_store %arg17[%swap3A_481, %swap3A_482], %swap3A_485 {strides = array<i32>} : memref<64x128xf32, #tpu.memory_space<vmem>>, vector<1x16xf32>,
        %mul3A_486 = arith.constant 2 : i32
        %mul3A_487 = arith.muli %mul3A_486, %scan3A_278 : i32
        %add3A_488 = arith.constant 1 : i32
        %add3A_489 = arith.addi %mul3A_487, %add3A_488 : i32
        %get3A_490 = arith.index_cast %add3A_489 : i32 to index
        %get3A_491 = arith.constant 0 : index
        %get3A_492 = tpu.vector_load %arg17[%get3A_490, %get3A_491] {strides = array<i32>} : memref<64x128xf32, #tpu.memory_space<vmem>>, vector<1x16xf32>,
        %get3A_493 = vector.shape_cast %get3A_492 : vector<1x16xf32> to vector<16xf32>
        %get3A_494 = arith.index_cast %add3A_489 : i32 to index
        %get3A_495 = arith.constant 0 : index
        %get3A_496 = tpu.vector_load %arg18[%get3A_494, %get3A_495] {strides = array<i32>} : memref<64x128xf32, #tpu.memory_space<vmem>>, vector<1x16xf32>,
        %get3A_497 = vector.shape_cast %get3A_496 : vector<1x16xf32> to vector<16xf32>
        %add3A_498 = arith.addf %get3A_493, %get3A_497 : vector<16xf32>
        %get3A_499 = arith.index_cast %add3A_489 : i32 to index
        %get3A_500 = arith.constant 0 : index
        %get3A_501 = tpu.vector_load %arg19[%get3A_499, %get3A_500] {strides = array<i32>} : memref<64x128xf32, #tpu.memory_space<vmem>>, vector<1x16xf32>,
        %get3A_502 = vector.shape_cast %get3A_501 : vector<1x16xf32> to vector<16xf32>
        %add3A_503 = arith.addf %add3A_498, %get3A_502 : vector<16xf32>
        %max3A_504 = arith.constant 0.000000e+00 : f32
        %max3A_505 = vector.broadcast %max3A_504 : f32 to vector<16xf32>
        %max3A_506 = arith.maximumf %add3A_503, %max3A_505 : vector<16xf32>
        %swap3A_507 = arith.index_cast %add3A_489 : i32 to index
        %swap3A_508 = arith.constant 0 : index
        %swap3A_509 = tpu.vector_load %arg17[%swap3A_507, %swap3A_508] {strides = array<i32>} : memref<64x128xf32, #tpu.memory_space<vmem>>, vector<1x16xf32>,
        %swap3A_510 = vector.shape_cast %swap3A_509 : vector<1x16xf32> to vector<16xf32>
        %swap3A_511 = vector.shape_cast %max3A_506 : vector<16xf32> to vector<1x16xf32>
        tpu.vector_store %arg17[%swap3A_507, %swap3A_508], %swap3A_511 {strides = array<i32>} : memref<64x128xf32, #tpu.memory_space<vmem>>, vector<1x16xf32>,
        %mul3A_512 = arith.constant 2 : i32
        %mul3A_513 = arith.muli %mul3A_512, %scan3A_278 : i32
        %add3A_514 = arith.constant 1 : i32
        %add3A_515 = arith.addi %mul3A_513, %add3A_514 : i32
        %get3A_516 = arith.index_cast %add3A_515 : i32 to index
        %get3A_517 = arith.constant 16 : index
        %get3A_518 = tpu.vector_load %arg17[%get3A_516, %get3A_517] {strides = array<i32>} : memref<64x128xf32, #tpu.memory_space<vmem>>, vector<1x16xf32>,
        %get3A_519 = vector.shape_cast %get3A_518 : vector<1x16xf32> to vector<16xf32>
        %get3A_520 = arith.index_cast %add3A_515 : i32 to index
        %get3A_521 = arith.constant 16 : index
        %get3A_522 = tpu.vector_load %arg18[%get3A_520, %get3A_521] {strides = array<i32>} : memref<64x128xf32, #tpu.memory_space<vmem>>, vector<1x16xf32>,
        %get3A_523 = vector.shape_cast %get3A_522 : vector<1x16xf32> to vector<16xf32>
        %add3A_524 = arith.addf %get3A_519, %get3A_523 : vector<16xf32>
        %get3A_525 = arith.index_cast %add3A_515 : i32 to index
        %get3A_526 = arith.constant 16 : index
        %get3A_527 = tpu.vector_load %arg19[%get3A_525, %get3A_526] {strides = array<i32>} : memref<64x128xf32, #tpu.memory_space<vmem>>, vector<1x16xf32>,
        %get3A_528 = vector.shape_cast %get3A_527 : vector<1x16xf32> to vector<16xf32>
        %add3A_529 = arith.addf %add3A_524, %get3A_528 : vector<16xf32>
        %max3A_530 = arith.constant 0.000000e+00 : f32
        %max3A_531 = vector.broadcast %max3A_530 : f32 to vector<16xf32>
        %max3A_532 = arith.maximumf %add3A_529, %max3A_531 : vector<16xf32>
        %swap3A_533 = arith.index_cast %add3A_515 : i32 to index
        %swap3A_534 = arith.constant 16 : index
        %swap3A_535 = tpu.vector_load %arg17[%swap3A_533, %swap3A_534] {strides = array<i32>} : memref<64x128xf32, #tpu.memory_space<vmem>>, vector<1x16xf32>,
        %swap3A_536 = vector.shape_cast %swap3A_535 : vector<1x16xf32> to vector<16xf32>
        %swap3A_537 = vector.shape_cast %max3A_532 : vector<16xf32> to vector<1x16xf32>
        tpu.vector_store %arg17[%swap3A_533, %swap3A_534], %swap3A_537 {strides = array<i32>} : memref<64x128xf32, #tpu.memory_space<vmem>>, vector<1x16xf32>,
        %mul3A_538 = arith.constant 2 : i32
        %mul3A_539 = arith.muli %mul3A_538, %scan3A_278 : i32
        %add3A_540 = arith.constant 1 : i32
        %add3A_541 = arith.addi %mul3A_539, %add3A_540 : i32
        %get3A_542 = arith.index_cast %add3A_541 : i32 to index
        %get3A_543 = arith.constant 32 : index
        %get3A_544 = tpu.vector_load %arg17[%get3A_542, %get3A_543] {strides = array<i32>} : memref<64x128xf32, #tpu.memory_space<vmem>>, vector<1x16xf32>,
        %get3A_545 = vector.shape_cast %get3A_544 : vector<1x16xf32> to vector<16xf32>
        %get3A_546 = arith.index_cast %add3A_541 : i32 to index
        %get3A_547 = arith.constant 32 : index
        %get3A_548 = tpu.vector_load %arg18[%get3A_546, %get3A_547] {strides = array<i32>} : memref<64x128xf32, #tpu.memory_space<vmem>>, vector<1x16xf32>,
        %get3A_549 = vector.shape_cast %get3A_548 : vector<1x16xf32> to vector<16xf32>
        %add3A_550 = arith.addf %get3A_545, %get3A_549 : vector<16xf32>
        %get3A_551 = arith.index_cast %add3A_541 : i32 to index
        %get3A_552 = arith.constant 32 : index
        %get3A_553 = tpu.vector_load %arg19[%get3A_551, %get3A_552] {strides = array<i32>} : memref<64x128xf32, #tpu.memory_space<vmem>>, vector<1x16xf32>,
        %get3A_554 = vector.shape_cast %get3A_553 : vector<1x16xf32> to vector<16xf32>
        %add3A_555 = arith.addf %add3A_550, %get3A_554 : vector<16xf32>
        %max3A_556 = arith.constant 0.000000e+00 : f32
        %max3A_557 = vector.broadcast %max3A_556 : f32 to vector<16xf32>
        %max3A_558 = arith.maximumf %add3A_555, %max3A_557 : vector<16xf32>
        %swap3A_559 = arith.index_cast %add3A_541 : i32 to index
        %swap3A_560 = arith.constant 32 : index
        %swap3A_561 = tpu.vector_load %arg17[%swap3A_559, %swap3A_560] {strides = array<i32>} : memref<64x128xf32, #tpu.memory_space<vmem>>, vector<1x16xf32>,
        %swap3A_562 = vector.shape_cast %swap3A_561 : vector<1x16xf32> to vector<16xf32>
        %swap3A_563 = vector.shape_cast %max3A_558 : vector<16xf32> to vector<1x16xf32>
        tpu.vector_store %arg17[%swap3A_559, %swap3A_560], %swap3A_563 {strides = array<i32>} : memref<64x128xf32, #tpu.memory_space<vmem>>, vector<1x16xf32>,
        %mul3A_564 = arith.constant 2 : i32
        %mul3A_565 = arith.muli %mul3A_564, %scan3A_278 : i32
        %add3A_566 = arith.constant 1 : i32
        %add3A_567 = arith.addi %mul3A_565, %add3A_566 : i32
        %get3A_568 = arith.index_cast %add3A_567 : i32 to index
        %get3A_569 = arith.constant 48 : index
        %get3A_570 = tpu.vector_load %arg17[%get3A_568, %get3A_569] {strides = array<i32>} : memref<64x128xf32, #tpu.memory_space<vmem>>, vector<1x16xf32>,
        %get3A_571 = vector.shape_cast %get3A_570 : vector<1x16xf32> to vector<16xf32>
        %get3A_572 = arith.index_cast %add3A_567 : i32 to index
        %get3A_573 = arith.constant 48 : index
        %get3A_574 = tpu.vector_load %arg18[%get3A_572, %get3A_573] {strides = array<i32>} : memref<64x128xf32, #tpu.memory_space<vmem>>, vector<1x16xf32>,
        %get3A_575 = vector.shape_cast %get3A_574 : vector<1x16xf32> to vector<16xf32>
        %add3A_576 = arith.addf %get3A_571, %get3A_575 : vector<16xf32>
        %get3A_577 = arith.index_cast %add3A_567 : i32 to index
        %get3A_578 = arith.constant 48 : index
        %get3A_579 = tpu.vector_load %arg19[%get3A_577, %get3A_578] {strides = array<i32>} : memref<64x128xf32, #tpu.memory_space<vmem>>, vector<1x16xf32>,
        %get3A_580 = vector.shape_cast %get3A_579 : vector<1x16xf32> to vector<16xf32>
        %add3A_581 = arith.addf %add3A_576, %get3A_580 : vector<16xf32>
        %max3A_582 = arith.constant 0.000000e+00 : f32
        %max3A_583 = vector.broadcast %max3A_582 : f32 to vector<16xf32>
        %max3A_584 = arith.maximumf %add3A_581, %max3A_583 : vector<16xf32>
        %swap3A_585 = arith.index_cast %add3A_567 : i32 to index
        %swap3A_586 = arith.constant 48 : index
        %swap3A_587 = tpu.vector_load %arg17[%swap3A_585, %swap3A_586] {strides = array<i32>} : memref<64x128xf32, #tpu.memory_space<vmem>>, vector<1x16xf32>,
        %swap3A_588 = vector.shape_cast %swap3A_587 : vector<1x16xf32> to vector<16xf32>
        %swap3A_589 = vector.shape_cast %max3A_584 : vector<16xf32> to vector<1x16xf32>
        tpu.vector_store %arg17[%swap3A_585, %swap3A_586], %swap3A_589 {strides = array<i32>} : memref<64x128xf32, #tpu.memory_space<vmem>>, vector<1x16xf32>,
        %mul3A_590 = arith.constant 2 : i32
        %mul3A_591 = arith.muli %mul3A_590, %scan3A_278 : i32
        %add3A_592 = arith.constant 1 : i32
        %add3A_593 = arith.addi %mul3A_591, %add3A_592 : i32
        %get3A_594 = arith.index_cast %add3A_593 : i32 to index
        %get3A_595 = arith.constant 64 : index
        %get3A_596 = tpu.vector_load %arg17[%get3A_594, %get3A_595] {strides = array<i32>} : memref<64x128xf32, #tpu.memory_space<vmem>>, vector<1x16xf32>,
        %get3A_597 = vector.shape_cast %get3A_596 : vector<1x16xf32> to vector<16xf32>
        %get3A_598 = arith.index_cast %add3A_593 : i32 to index
        %get3A_599 = arith.constant 64 : index
        %get3A_600 = tpu.vector_load %arg18[%get3A_598, %get3A_599] {strides = array<i32>} : memref<64x128xf32, #tpu.memory_space<vmem>>, vector<1x16xf32>,
        %get3A_601 = vector.shape_cast %get3A_600 : vector<1x16xf32> to vector<16xf32>
        %add3A_602 = arith.addf %get3A_597, %get3A_601 : vector<16xf32>
        %get3A_603 = arith.index_cast %add3A_593 : i32 to index
        %get3A_604 = arith.constant 64 : index
        %get3A_605 = tpu.vector_load %arg19[%get3A_603, %get3A_604] {strides = array<i32>} : memref<64x128xf32, #tpu.memory_space<vmem>>, vector<1x16xf32>,
        %get3A_606 = vector.shape_cast %get3A_605 : vector<1x16xf32> to vector<16xf32>
        %add3A_607 = arith.addf %add3A_602, %get3A_606 : vector<16xf32>
        %max3A_608 = arith.constant 0.000000e+00 : f32
        %max3A_609 = vector.broadcast %max3A_608 : f32 to vector<16xf32>
        %max3A_610 = arith.maximumf %add3A_607, %max3A_609 : vector<16xf32>
        %swap3A_611 = arith.index_cast %add3A_593 : i32 to index
        %swap3A_612 = arith.constant 64 : index
        %swap3A_613 = tpu.vector_load %arg17[%swap3A_611, %swap3A_612] {strides = array<i32>} : memref<64x128xf32, #tpu.memory_space<vmem>>, vector<1x16xf32>,
        %swap3A_614 = vector.shape_cast %swap3A_613 : vector<1x16xf32> to vector<16xf32>
        %swap3A_615 = vector.shape_cast %max3A_610 : vector<16xf32> to vector<1x16xf32>
        tpu.vector_store %arg17[%swap3A_611, %swap3A_612], %swap3A_615 {strides = array<i32>} : memref<64x128xf32, #tpu.memory_space<vmem>>, vector<1x16xf32>,
        %mul3A_616 = arith.constant 2 : i32
        %mul3A_617 = arith.muli %mul3A_616, %scan3A_278 : i32
        %add3A_618 = arith.constant 1 : i32
        %add3A_619 = arith.addi %mul3A_617, %add3A_618 : i32
        %get3A_620 = arith.index_cast %add3A_619 : i32 to index
        %get3A_621 = arith.constant 80 : index
        %get3A_622 = tpu.vector_load %arg17[%get3A_620, %get3A_621] {strides = array<i32>} : memref<64x128xf32, #tpu.memory_space<vmem>>, vector<1x16xf32>,
        %get3A_623 = vector.shape_cast %get3A_622 : vector<1x16xf32> to vector<16xf32>
        %get3A_624 = arith.index_cast %add3A_619 : i32 to index
        %get3A_625 = arith.constant 80 : index
        %get3A_626 = tpu.vector_load %arg18[%get3A_624, %get3A_625] {strides = array<i32>} : memref<64x128xf32, #tpu.memory_space<vmem>>, vector<1x16xf32>,
        %get3A_627 = vector.shape_cast %get3A_626 : vector<1x16xf32> to vector<16xf32>
        %add3A_628 = arith.addf %get3A_623, %get3A_627 : vector<16xf32>
        %get3A_629 = arith.index_cast %add3A_619 : i32 to index
        %get3A_630 = arith.constant 80 : index
        %get3A_631 = tpu.vector_load %arg19[%get3A_629, %get3A_630] {strides = array<i32>} : memref<64x128xf32, #tpu.memory_space<vmem>>, vector<1x16xf32>,
        %get3A_632 = vector.shape_cast %get3A_631 : vector<1x16xf32> to vector<16xf32>
        %add3A_633 = arith.addf %add3A_628, %get3A_632 : vector<16xf32>
        %max3A_634 = arith.constant 0.000000e+00 : f32
        %max3A_635 = vector.broadcast %max3A_634 : f32 to vector<16xf32>
        %max3A_636 = arith.maximumf %add3A_633, %max3A_635 : vector<16xf32>
        %swap3A_637 = arith.index_cast %add3A_619 : i32 to index
        %swap3A_638 = arith.constant 80 : index
        %swap3A_639 = tpu.vector_load %arg17[%swap3A_637, %swap3A_638] {strides = array<i32>} : memref<64x128xf32, #tpu.memory_space<vmem>>, vector<1x16xf32>,
        %swap3A_640 = vector.shape_cast %swap3A_639 : vector<1x16xf32> to vector<16xf32>
        %swap3A_641 = vector.shape_cast %max3A_636 : vector<16xf32> to vector<1x16xf32>
        tpu.vector_store %arg17[%swap3A_637, %swap3A_638], %swap3A_641 {strides = array<i32>} : memref<64x128xf32, #tpu.memory_space<vmem>>, vector<1x16xf32>,
        %mul3A_642 = arith.constant 2 : i32
        %mul3A_643 = arith.muli %mul3A_642, %scan3A_278 : i32
        %add3A_644 = arith.constant 1 : i32
        %add3A_645 = arith.addi %mul3A_643, %add3A_644 : i32
        %get3A_646 = arith.index_cast %add3A_645 : i32 to index
        %get3A_647 = arith.constant 96 : index
        %get3A_648 = tpu.vector_load %arg17[%get3A_646, %get3A_647] {strides = array<i32>} : memref<64x128xf32, #tpu.memory_space<vmem>>, vector<1x16xf32>,
        %get3A_649 = vector.shape_cast %get3A_648 : vector<1x16xf32> to vector<16xf32>
        %get3A_650 = arith.index_cast %add3A_645 : i32 to index
        %get3A_651 = arith.constant 96 : index
        %get3A_652 = tpu.vector_load %arg18[%get3A_650, %get3A_651] {strides = array<i32>} : memref<64x128xf32, #tpu.memory_space<vmem>>, vector<1x16xf32>,
        %get3A_653 = vector.shape_cast %get3A_652 : vector<1x16xf32> to vector<16xf32>
        %add3A_654 = arith.addf %get3A_649, %get3A_653 : vector<16xf32>
        %get3A_655 = arith.index_cast %add3A_645 : i32 to index
        %get3A_656 = arith.constant 96 : index
        %get3A_657 = tpu.vector_load %arg19[%get3A_655, %get3A_656] {strides = array<i32>} : memref<64x128xf32, #tpu.memory_space<vmem>>, vector<1x16xf32>,
        %get3A_658 = vector.shape_cast %get3A_657 : vector<1x16xf32> to vector<16xf32>
        %add3A_659 = arith.addf %add3A_654, %get3A_658 : vector<16xf32>
        %max3A_660 = arith.constant 0.000000e+00 : f32
        %max3A_661 = vector.broadcast %max3A_660 : f32 to vector<16xf32>
        %max3A_662 = arith.maximumf %add3A_659, %max3A_661 : vector<16xf32>
        %swap3A_663 = arith.index_cast %add3A_645 : i32 to index
        %swap3A_664 = arith.constant 96 : index
        %swap3A_665 = tpu.vector_load %arg17[%swap3A_663, %swap3A_664] {strides = array<i32>} : memref<64x128xf32, #tpu.memory_space<vmem>>, vector<1x16xf32>,
        %swap3A_666 = vector.shape_cast %swap3A_665 : vector<1x16xf32> to vector<16xf32>
        %swap3A_667 = vector.shape_cast %max3A_662 : vector<16xf32> to vector<1x16xf32>
        tpu.vector_store %arg17[%swap3A_663, %swap3A_664], %swap3A_667 {strides = array<i32>} : memref<64x128xf32, #tpu.memory_space<vmem>>, vector<1x16xf32>,
        %mul3A_668 = arith.constant 2 : i32
        %mul3A_669 = arith.muli %mul3A_668, %scan3A_278 : i32
        %add3A_670 = arith.constant 1 : i32
        %add3A_671 = arith.addi %mul3A_669, %add3A_670 : i32
        %get3A_672 = arith.index_cast %add3A_671 : i32 to index
        %get3A_673 = arith.constant 112 : index
        %get3A_674 = tpu.vector_load %arg17[%get3A_672, %get3A_673] {strides = array<i32>} : memref<64x128xf32, #tpu.memory_space<vmem>>, vector<1x16xf32>,
        %get3A_675 = vector.shape_cast %get3A_674 : vector<1x16xf32> to vector<16xf32>
        %get3A_676 = arith.index_cast %add3A_671 : i32 to index
        %get3A_677 = arith.constant 112 : index
        %get3A_678 = tpu.vector_load %arg18[%get3A_676, %get3A_677] {strides = array<i32>} : memref<64x128xf32, #tpu.memory_space<vmem>>, vector<1x16xf32>,
        %get3A_679 = vector.shape_cast %get3A_678 : vector<1x16xf32> to vector<16xf32>
        %add3A_680 = arith.addf %get3A_675, %get3A_679 : vector<16xf32>
        %get3A_681 = arith.index_cast %add3A_671 : i32 to index
        %get3A_682 = arith.constant 112 : index
        %get3A_683 = tpu.vector_load %arg19[%get3A_681, %get3A_682] {strides = array<i32>} : memref<64x128xf32, #tpu.memory_space<vmem>>, vector<1x16xf32>,
        %get3A_684 = vector.shape_cast %get3A_683 : vector<1x16xf32> to vector<16xf32>
        %add3A_685 = arith.addf %add3A_680, %get3A_684 : vector<16xf32>
        %max3A_686 = arith.constant 0.000000e+00 : f32
        %max3A_687 = vector.broadcast %max3A_686 : f32 to vector<16xf32>
        %max3A_688 = arith.maximumf %add3A_685, %max3A_687 : vector<16xf32>
        %swap3A_689 = arith.index_cast %add3A_671 : i32 to index
        %swap3A_690 = arith.constant 112 : index
        %swap3A_691 = tpu.vector_load %arg17[%swap3A_689, %swap3A_690] {strides = array<i32>} : memref<64x128xf32, #tpu.memory_space<vmem>>, vector<1x16xf32>,
        %swap3A_692 = vector.shape_cast %swap3A_691 : vector<1x16xf32> to vector<16xf32>
        %swap3A_693 = vector.shape_cast %max3A_688 : vector<16xf32> to vector<1x16xf32>
        tpu.vector_store %arg17[%swap3A_689, %swap3A_690], %swap3A_693 {strides = array<i32>} : memref<64x128xf32, #tpu.memory_space<vmem>>, vector<1x16xf32>,
      }
      %scan3A_200 = arith.constant 32 : i32
      %dma_start3A_201 = arith.constant 0 : i32
      %dma_start3A_202 = tpu.memref_slice %arg7[%add3A_131, %dma_start3A_201] : memref<320000x128xf32, #tpu.memory_space<hbm>> -> memref<64x128xf32, #tpu.memory_space<hbm>>
      %dma_start3A_203 = arith.constant 0 : i32
      %dma_start3A_204 = tpu.memref_slice %arg7[%add3A_131, %dma_start3A_203] : memref<320000x128xf32, #tpu.memory_space<hbm>> -> memref<64x128xf32, #tpu.memory_space<hbm>>
      tpu.enqueue_dma source(%arg17 : memref<64x128xf32, #tpu.memory_space<vmem>>) target(%dma_start3A_204 : memref<64x128xf32, #tpu.memory_space<hbm>>) target_semaphore(%arg30 : memref<!tpu.dma_semaphore, #tpu.memory_space<semaphore_mem>>)
      %dma_start3A_205 = arith.constant 0 : i32
      %dma_start3A_206 = arith.constant 0 : i32
      %dma_start3A_207 = tpu.memref_slice %arg23[%dma_start3A_205, %dma_start3A_206] : memref<10000x128xf32, #tpu.memory_space<vmem_shared>> -> memref<10000x128xf32, #tpu.memory_space<vmem_shared>>
      tpu.enqueue_indirect_dma source(%arg17 : memref<64x128xf32, #tpu.memory_space<vmem>>) target(%dma_start3A_207 : memref<10000x128xf32, #tpu.memory_space<vmem_shared>>) offsets(%arg13 : memref<64xi32, #tpu.memory_space<vmem>>) semaphore(%arg31 : memref<!tpu.dma_semaphore, #tpu.memory_space<semaphore_mem>>) {add = true}
      %add3A_208 = arith.constant 64 : i32
      %add3A_209 = arith.addi %add3A_131, %add3A_208 : i32
      %dma_wait3A_210 = arith.constant 0 : i32
      %dma_wait3A_211 = tpu.memref_slice %arg7[%add3A_131, %dma_wait3A_210] : memref<320000x128xf32, #tpu.memory_space<hbm>> -> memref<64x128xf32, #tpu.memory_space<hbm>>
      %dma_wait3A_212 = arith.constant 0 : i32
      %dma_wait3A_213 = tpu.memref_slice %arg7[%add3A_131, %dma_wait3A_212] : memref<320000x128xf32, #tpu.memory_space<hbm>> -> memref<64x128xf32, #tpu.memory_space<hbm>>
      tpu.wait_dma2 semaphore(%arg30 : memref<!tpu.dma_semaphore, #tpu.memory_space<semaphore_mem>>) src(%arg17 : memref<64x128xf32, #tpu.memory_space<vmem>>) dst(%dma_wait3A_213 : memref<64x128xf32, #tpu.memory_space<hbm>>)
      %dma_wait3A_214 = arith.constant 0 : i32
      %dma_wait3A_215 = arith.constant 0 : i32
      %dma_wait3A_216 = tpu.memref_slice %arg23[%dma_wait3A_214, %dma_wait3A_215] : memref<10000x128xf32, #tpu.memory_space<vmem_shared>> -> memref<10000x128xf32, #tpu.memory_space<vmem_shared>>
      tpu.wait_indirect_dma semaphore(%arg31 : memref<!tpu.dma_semaphore, #tpu.memory_space<semaphore_mem>>) src(%arg17 : memref<64x128xf32, #tpu.memory_space<vmem>>) dst(%dma_wait3A_216 : memref<10000x128xf32, #tpu.memory_space<vmem_shared>>)
      %lt3A_217 = arith.constant 77 : i32
      %lt3A_218 = arith.cmpi slt, %scan3A_126, %lt3A_217 : i32
      %convert_element_type3A_219 = arith.extui %lt3A_218 : i1 to i32
      %cond3A_220 = arith.constant 0 : i32
      %cond3A_221 = arith.cmpi ne, %convert_element_type3A_219, %cond3A_220 : i32
      scf.if %cond3A_221 {
        %add3A_278 = arith.constant 64 : i32
        %add3A_279 = arith.addi %add3A_209, %add3A_278 : i32
        %dma_wait3A_280 = tpu.memref_slice %arg2[%add3A_279] : memref<320000xi32, #tpu.memory_space<hbm>> -> memref<64xi32, #tpu.memory_space<hbm>>
        %dma_wait3A_281 = tpu.memref_slice %arg2[%add3A_279] : memref<320000xi32, #tpu.memory_space<hbm>> -> memref<64xi32, #tpu.memory_space<hbm>>
        tpu.wait_dma2 semaphore(%arg34 : memref<!tpu.dma_semaphore, #tpu.memory_space<semaphore_mem>>) src(%dma_wait3A_281 : memref<64xi32, #tpu.memory_space<hbm>>) dst(%arg9 : memref<64xi32, #tpu.memory_space<vmem>>)
        %dma_wait3A_282 = tpu.memref_slice %arg3[%add3A_279] : memref<320000xi32, #tpu.memory_space<hbm>> -> memref<64xi32, #tpu.memory_space<hbm>>
        %dma_wait3A_283 = tpu.memref_slice %arg3[%add3A_279] : memref<320000xi32, #tpu.memory_space<hbm>> -> memref<64xi32, #tpu.memory_space<hbm>>
        tpu.wait_dma2 semaphore(%arg34 : memref<!tpu.dma_semaphore, #tpu.memory_space<semaphore_mem>>) src(%dma_wait3A_283 : memref<64xi32, #tpu.memory_space<hbm>>) dst(%arg10 : memref<64xi32, #tpu.memory_space<vmem>>)
        %add3A_284 = arith.constant 64 : i32
        %add3A_285 = arith.addi %add3A_209, %add3A_284 : i32
        %dma_start3A_286 = arith.constant 0 : i32
        %dma_start3A_287 = arith.constant 0 : i32
        %dma_start3A_288 = tpu.memref_slice %arg4[%dma_start3A_286, %dma_start3A_287] : memref<10000x128xf32, #tpu.memory_space<hbm>> -> memref<10000x128xf32, #tpu.memory_space<hbm>>
        tpu.enqueue_indirect_dma source(%dma_start3A_288 : memref<10000x128xf32, #tpu.memory_space<hbm>>) target(%arg17 : memref<64x128xf32, #tpu.memory_space<vmem>>) offsets(%arg9 : memref<64xi32, #tpu.memory_space<vmem>>) semaphore(%arg24 : memref<!tpu.dma_semaphore, #tpu.memory_space<semaphore_mem>>)
        %dma_start3A_289 = arith.constant 0 : i32
        %dma_start3A_290 = arith.constant 0 : i32
        %dma_start3A_291 = tpu.memref_slice %arg5[%dma_start3A_289, %dma_start3A_290] : memref<10000x128xf32, #tpu.memory_space<hbm>> -> memref<10000x128xf32, #tpu.memory_space<hbm>>
        tpu.enqueue_indirect_dma source(%dma_start3A_291 : memref<10000x128xf32, #tpu.memory_space<hbm>>) target(%arg18 : memref<64x128xf32, #tpu.memory_space<vmem>>) offsets(%arg10 : memref<64xi32, #tpu.memory_space<vmem>>) semaphore(%arg25 : memref<!tpu.dma_semaphore, #tpu.memory_space<semaphore_mem>>)
        %dma_start3A_292 = arith.constant 0 : i32
        %dma_start3A_293 = tpu.memref_slice %arg6[%add3A_285, %dma_start3A_292] : memref<320000x128xf32, #tpu.memory_space<hbm>> -> memref<64x128xf32, #tpu.memory_space<hbm>>
        %dma_start3A_294 = arith.constant 0 : i32
        %dma_start3A_295 = tpu.memref_slice %arg6[%add3A_285, %dma_start3A_294] : memref<320000x128xf32, #tpu.memory_space<hbm>> -> memref<64x128xf32, #tpu.memory_space<hbm>>
        tpu.enqueue_dma source(%dma_start3A_295 : memref<64x128xf32, #tpu.memory_space<hbm>>) target(%arg19 : memref<64x128xf32, #tpu.memory_space<vmem>>) target_semaphore(%arg26 : memref<!tpu.dma_semaphore, #tpu.memory_space<semaphore_mem>>)
      } else {
      }
      %dma_wait3A_222 = arith.constant 0 : i32
      %dma_wait3A_223 = arith.constant 0 : i32
      %dma_wait3A_224 = tpu.memref_slice %arg4[%dma_wait3A_222, %dma_wait3A_223] : memref<10000x128xf32, #tpu.memory_space<hbm>> -> memref<10000x128xf32, #tpu.memory_space<hbm>>
      tpu.wait_indirect_dma semaphore(%arg27 : memref<!tpu.dma_semaphore, #tpu.memory_space<semaphore_mem>>) src(%dma_wait3A_224 : memref<10000x128xf32, #tpu.memory_space<hbm>>) dst(%arg20 : memref<64x128xf32, #tpu.memory_space<vmem>>)
      %dma_wait3A_225 = arith.constant 0 : i32
      %dma_wait3A_226 = arith.constant 0 : i32
      %dma_wait3A_227 = tpu.memref_slice %arg5[%dma_wait3A_225, %dma_wait3A_226] : memref<10000x128xf32, #tpu.memory_space<hbm>> -> memref<10000x128xf32, #tpu.memory_space<hbm>>
      tpu.wait_indirect_dma semaphore(%arg28 : memref<!tpu.dma_semaphore, #tpu.memory_space<semaphore_mem>>) src(%dma_wait3A_227 : memref<10000x128xf32, #tpu.memory_space<hbm>>) dst(%arg21 : memref<64x128xf32, #tpu.memory_space<vmem>>)
      %dma_wait3A_228 = arith.constant 0 : i32
      %dma_wait3A_229 = tpu.memref_slice %arg6[%add3A_209, %dma_wait3A_228] : memref<320000x128xf32, #tpu.memory_space<hbm>> -> memref<64x128xf32, #tpu.memory_space<hbm>>
      %dma_wait3A_230 = arith.constant 0 : i32
      %dma_wait3A_231 = tpu.memref_slice %arg6[%add3A_209, %dma_wait3A_230] : memref<320000x128xf32, #tpu.memory_space<hbm>> -> memref<64x128xf32, #tpu.memory_space<hbm>>
      tpu.wait_dma2 semaphore(%arg29 : memref<!tpu.dma_semaphore, #tpu.memory_space<semaphore_mem>>) src(%dma_wait3A_231 : memref<64x128xf32, #tpu.memory_space<hbm>>) dst(%arg22 : memref<64x128xf32, #tpu.memory_space<vmem>>)
      %get3A_232 = arith.constant 0 : index
      %get3A_233 = tpu.vector_load %arg12[%get3A_232] {strides = array<i32>} : memref<64xi32, #tpu.memory_space<vmem>>, vector<16xi32>,
      %get3A_234 = vector.shape_cast %get3A_233 : vector<16xi32> to vector<16xi32>
      %swap3A_235 = arith.constant 0 : index
      %swap3A_236 = tpu.vector_load %arg14[%swap3A_235] {strides = array<i32>} : memref<64xi32, #tpu.memory_space<vmem>>, vector<16xi32>,
      %swap3A_237 = vector.shape_cast %swap3A_236 : vector<16xi32> to vector<16xi32>
      %swap3A_238 = vector.shape_cast %get3A_234 : vector<16xi32> to vector<16xi32>
      tpu.vector_store %arg14[%swap3A_235], %swap3A_238 {strides = array<i32>} : memref<64xi32, #tpu.memory_space<vmem>>, vector<16xi32>,
      %get3A_239 = arith.constant 16 : index
      %get3A_240 = tpu.vector_load %arg12[%get3A_239] {strides = array<i32>} : memref<64xi32, #tpu.memory_space<vmem>>, vector<16xi32>,
      %get3A_241 = vector.shape_cast %get3A_240 : vector<16xi32> to vector<16xi32>
      %swap3A_242 = arith.constant 16 : index
      %swap3A_243 = tpu.vector_load %arg14[%swap3A_242] {strides = array<i32>} : memref<64xi32, #tpu.memory_space<vmem>>, vector<16xi32>,
      %swap3A_244 = vector.shape_cast %swap3A_243 : vector<16xi32> to vector<16xi32>
      %swap3A_245 = vector.shape_cast %get3A_241 : vector<16xi32> to vector<16xi32>
      tpu.vector_store %arg14[%swap3A_242], %swap3A_245 {strides = array<i32>} : memref<64xi32, #tpu.memory_space<vmem>>, vector<16xi32>,
      %get3A_246 = arith.constant 32 : index
      %get3A_247 = tpu.vector_load %arg12[%get3A_246] {strides = array<i32>} : memref<64xi32, #tpu.memory_space<vmem>>, vector<16xi32>,
      %get3A_248 = vector.shape_cast %get3A_247 : vector<16xi32> to vector<16xi32>
      %swap3A_249 = arith.constant 32 : index
      %swap3A_250 = tpu.vector_load %arg14[%swap3A_249] {strides = array<i32>} : memref<64xi32, #tpu.memory_space<vmem>>, vector<16xi32>,
      %swap3A_251 = vector.shape_cast %swap3A_250 : vector<16xi32> to vector<16xi32>
      %swap3A_252 = vector.shape_cast %get3A_248 : vector<16xi32> to vector<16xi32>
      tpu.vector_store %arg14[%swap3A_249], %swap3A_252 {strides = array<i32>} : memref<64xi32, #tpu.memory_space<vmem>>, vector<16xi32>,
      %get3A_253 = arith.constant 48 : index
      %get3A_254 = tpu.vector_load %arg12[%get3A_253] {strides = array<i32>} : memref<64xi32, #tpu.memory_space<vmem>>, vector<16xi32>,
      %get3A_255 = vector.shape_cast %get3A_254 : vector<16xi32> to vector<16xi32>
      %swap3A_256 = arith.constant 48 : index
      %swap3A_257 = tpu.vector_load %arg14[%swap3A_256] {strides = array<i32>} : memref<64xi32, #tpu.memory_space<vmem>>, vector<16xi32>,
      %swap3A_258 = vector.shape_cast %swap3A_257 : vector<16xi32> to vector<16xi32>
      %swap3A_259 = vector.shape_cast %get3A_255 : vector<16xi32> to vector<16xi32>
      tpu.vector_store %arg14[%swap3A_256], %swap3A_259 {strides = array<i32>} : memref<64xi32, #tpu.memory_space<vmem>>, vector<16xi32>,
      %lt3A_260 = arith.constant 77 : i32
      %lt3A_261 = arith.cmpi slt, %scan3A_126, %lt3A_260 : i32
      %convert_element_type3A_262 = arith.extui %lt3A_261 : i1 to i32
      %cond3A_263 = arith.constant 0 : i32
      %cond3A_264 = arith.cmpi ne, %convert_element_type3A_262, %cond3A_263 : i32
      scf.if %cond3A_264 {
        %add3A_278 = arith.constant 128 : i32
        %add3A_279 = arith.addi %add3A_209, %add3A_278 : i32
        %dma_start3A_280 = tpu.memref_slice %arg2[%add3A_279] : memref<320000xi32, #tpu.memory_space<hbm>> -> memref<64xi32, #tpu.memory_space<hbm>>
        %dma_start3A_281 = tpu.memref_slice %arg2[%add3A_279] : memref<320000xi32, #tpu.memory_space<hbm>> -> memref<64xi32, #tpu.memory_space<hbm>>
        tpu.enqueue_dma source(%dma_start3A_281 : memref<64xi32, #tpu.memory_space<hbm>>) target(%arg11 : memref<64xi32, #tpu.memory_space<vmem>>) target_semaphore(%arg35 : memref<!tpu.dma_semaphore, #tpu.memory_space<semaphore_mem>>)
        %dma_start3A_282 = tpu.memref_slice %arg3[%add3A_279] : memref<320000xi32, #tpu.memory_space<hbm>> -> memref<64xi32, #tpu.memory_space<hbm>>
        %dma_start3A_283 = tpu.memref_slice %arg3[%add3A_279] : memref<320000xi32, #tpu.memory_space<hbm>> -> memref<64xi32, #tpu.memory_space<hbm>>
        tpu.enqueue_dma source(%dma_start3A_283 : memref<64xi32, #tpu.memory_space<hbm>>) target(%arg12 : memref<64xi32, #tpu.memory_space<vmem>>) target_semaphore(%arg35 : memref<!tpu.dma_semaphore, #tpu.memory_space<semaphore_mem>>)
      } else {
      }
      %scan3A_265 = arith.constant 0 : i32
      %scan3A_266 = arith.constant 0 : i32
      %scan3A_267 = arith.constant 32 : i32
      %scan3A_268 = arith.addi %scan3A_266, %scan3A_267 : i32
      %scan3A_269 = arith.constant 1 : i32
      scf.for %scan3A_278 = %scan3A_266 to %scan3A_268 step %scan3A_269  : i32 {
        %mul3A_279 = arith.constant 2 : i32
        %mul3A_280 = arith.muli %mul3A_279, %scan3A_278 : i32
        %add3A_281 = arith.constant 0 : i32
        %add3A_282 = arith.addi %mul3A_280, %add3A_281 : i32
        %get3A_283 = arith.index_cast %add3A_282 : i32 to index
        %get3A_284 = arith.constant 0 : index
        %get3A_285 = tpu.vector_load %arg20[%get3A_283, %get3A_284] {strides = array<i32>} : memref<64x128xf32, #tpu.memory_space<vmem>>, vector<1x16xf32>,
        %get3A_286 = vector.shape_cast %get3A_285 : vector<1x16xf32> to vector<16xf32>
        %get3A_287 = arith.index_cast %add3A_282 : i32 to index
        %get3A_288 = arith.constant 0 : index
        %get3A_289 = tpu.vector_load %arg21[%get3A_287, %get3A_288] {strides = array<i32>} : memref<64x128xf32, #tpu.memory_space<vmem>>, vector<1x16xf32>,
        %get3A_290 = vector.shape_cast %get3A_289 : vector<1x16xf32> to vector<16xf32>
        %add3A_291 = arith.addf %get3A_286, %get3A_290 : vector<16xf32>
        %get3A_292 = arith.index_cast %add3A_282 : i32 to index
        %get3A_293 = arith.constant 0 : index
        %get3A_294 = tpu.vector_load %arg22[%get3A_292, %get3A_293] {strides = array<i32>} : memref<64x128xf32, #tpu.memory_space<vmem>>, vector<1x16xf32>,
        %get3A_295 = vector.shape_cast %get3A_294 : vector<1x16xf32> to vector<16xf32>
        %add3A_296 = arith.addf %add3A_291, %get3A_295 : vector<16xf32>
        %max3A = arith.constant 0.000000e+00 : f32
        %max3A_297 = vector.broadcast %max3A : f32 to vector<16xf32>
        %max3A_298 = arith.maximumf %add3A_296, %max3A_297 : vector<16xf32>
        %swap3A_299 = arith.index_cast %add3A_282 : i32 to index
        %swap3A_300 = arith.constant 0 : index
        %swap3A_301 = tpu.vector_load %arg20[%swap3A_299, %swap3A_300] {strides = array<i32>} : memref<64x128xf32, #tpu.memory_space<vmem>>, vector<1x16xf32>,
        %swap3A_302 = vector.shape_cast %swap3A_301 : vector<1x16xf32> to vector<16xf32>
        %swap3A_303 = vector.shape_cast %max3A_298 : vector<16xf32> to vector<1x16xf32>
        tpu.vector_store %arg20[%swap3A_299, %swap3A_300], %swap3A_303 {strides = array<i32>} : memref<64x128xf32, #tpu.memory_space<vmem>>, vector<1x16xf32>,
        %mul3A_304 = arith.constant 2 : i32
        %mul3A_305 = arith.muli %mul3A_304, %scan3A_278 : i32
        %add3A_306 = arith.constant 0 : i32
        %add3A_307 = arith.addi %mul3A_305, %add3A_306 : i32
        %get3A_308 = arith.index_cast %add3A_307 : i32 to index
        %get3A_309 = arith.constant 16 : index
        %get3A_310 = tpu.vector_load %arg20[%get3A_308, %get3A_309] {strides = array<i32>} : memref<64x128xf32, #tpu.memory_space<vmem>>, vector<1x16xf32>,
        %get3A_311 = vector.shape_cast %get3A_310 : vector<1x16xf32> to vector<16xf32>
        %get3A_312 = arith.index_cast %add3A_307 : i32 to index
        %get3A_313 = arith.constant 16 : index
        %get3A_314 = tpu.vector_load %arg21[%get3A_312, %get3A_313] {strides = array<i32>} : memref<64x128xf32, #tpu.memory_space<vmem>>, vector<1x16xf32>,
        %get3A_315 = vector.shape_cast %get3A_314 : vector<1x16xf32> to vector<16xf32>
        %add3A_316 = arith.addf %get3A_311, %get3A_315 : vector<16xf32>
        %get3A_317 = arith.index_cast %add3A_307 : i32 to index
        %get3A_318 = arith.constant 16 : index
        %get3A_319 = tpu.vector_load %arg22[%get3A_317, %get3A_318] {strides = array<i32>} : memref<64x128xf32, #tpu.memory_space<vmem>>, vector<1x16xf32>,
        %get3A_320 = vector.shape_cast %get3A_319 : vector<1x16xf32> to vector<16xf32>
        %add3A_321 = arith.addf %add3A_316, %get3A_320 : vector<16xf32>
        %max3A_322 = arith.constant 0.000000e+00 : f32
        %max3A_323 = vector.broadcast %max3A_322 : f32 to vector<16xf32>
        %max3A_324 = arith.maximumf %add3A_321, %max3A_323 : vector<16xf32>
        %swap3A_325 = arith.index_cast %add3A_307 : i32 to index
        %swap3A_326 = arith.constant 16 : index
        %swap3A_327 = tpu.vector_load %arg20[%swap3A_325, %swap3A_326] {strides = array<i32>} : memref<64x128xf32, #tpu.memory_space<vmem>>, vector<1x16xf32>,
        %swap3A_328 = vector.shape_cast %swap3A_327 : vector<1x16xf32> to vector<16xf32>
        %swap3A_329 = vector.shape_cast %max3A_324 : vector<16xf32> to vector<1x16xf32>
        tpu.vector_store %arg20[%swap3A_325, %swap3A_326], %swap3A_329 {strides = array<i32>} : memref<64x128xf32, #tpu.memory_space<vmem>>, vector<1x16xf32>,
        %mul3A_330 = arith.constant 2 : i32
        %mul3A_331 = arith.muli %mul3A_330, %scan3A_278 : i32
        %add3A_332 = arith.constant 0 : i32
        %add3A_333 = arith.addi %mul3A_331, %add3A_332 : i32
        %get3A_334 = arith.index_cast %add3A_333 : i32 to index
        %get3A_335 = arith.constant 32 : index
        %get3A_336 = tpu.vector_load %arg20[%get3A_334, %get3A_335] {strides = array<i32>} : memref<64x128xf32, #tpu.memory_space<vmem>>, vector<1x16xf32>,
        %get3A_337 = vector.shape_cast %get3A_336 : vector<1x16xf32> to vector<16xf32>
        %get3A_338 = arith.index_cast %add3A_333 : i32 to index
        %get3A_339 = arith.constant 32 : index
        %get3A_340 = tpu.vector_load %arg21[%get3A_338, %get3A_339] {strides = array<i32>} : memref<64x128xf32, #tpu.memory_space<vmem>>, vector<1x16xf32>,
        %get3A_341 = vector.shape_cast %get3A_340 : vector<1x16xf32> to vector<16xf32>
        %add3A_342 = arith.addf %get3A_337, %get3A_341 : vector<16xf32>
        %get3A_343 = arith.index_cast %add3A_333 : i32 to index
        %get3A_344 = arith.constant 32 : index
        %get3A_345 = tpu.vector_load %arg22[%get3A_343, %get3A_344] {strides = array<i32>} : memref<64x128xf32, #tpu.memory_space<vmem>>, vector<1x16xf32>,
        %get3A_346 = vector.shape_cast %get3A_345 : vector<1x16xf32> to vector<16xf32>
        %add3A_347 = arith.addf %add3A_342, %get3A_346 : vector<16xf32>
        %max3A_348 = arith.constant 0.000000e+00 : f32
        %max3A_349 = vector.broadcast %max3A_348 : f32 to vector<16xf32>
        %max3A_350 = arith.maximumf %add3A_347, %max3A_349 : vector<16xf32>
        %swap3A_351 = arith.index_cast %add3A_333 : i32 to index
        %swap3A_352 = arith.constant 32 : index
        %swap3A_353 = tpu.vector_load %arg20[%swap3A_351, %swap3A_352] {strides = array<i32>} : memref<64x128xf32, #tpu.memory_space<vmem>>, vector<1x16xf32>,
        %swap3A_354 = vector.shape_cast %swap3A_353 : vector<1x16xf32> to vector<16xf32>
        %swap3A_355 = vector.shape_cast %max3A_350 : vector<16xf32> to vector<1x16xf32>
        tpu.vector_store %arg20[%swap3A_351, %swap3A_352], %swap3A_355 {strides = array<i32>} : memref<64x128xf32, #tpu.memory_space<vmem>>, vector<1x16xf32>,
        %mul3A_356 = arith.constant 2 : i32
        %mul3A_357 = arith.muli %mul3A_356, %scan3A_278 : i32
        %add3A_358 = arith.constant 0 : i32
        %add3A_359 = arith.addi %mul3A_357, %add3A_358 : i32
        %get3A_360 = arith.index_cast %add3A_359 : i32 to index
        %get3A_361 = arith.constant 48 : index
        %get3A_362 = tpu.vector_load %arg20[%get3A_360, %get3A_361] {strides = array<i32>} : memref<64x128xf32, #tpu.memory_space<vmem>>, vector<1x16xf32>,
        %get3A_363 = vector.shape_cast %get3A_362 : vector<1x16xf32> to vector<16xf32>
        %get3A_364 = arith.index_cast %add3A_359 : i32 to index
        %get3A_365 = arith.constant 48 : index
        %get3A_366 = tpu.vector_load %arg21[%get3A_364, %get3A_365] {strides = array<i32>} : memref<64x128xf32, #tpu.memory_space<vmem>>, vector<1x16xf32>,
        %get3A_367 = vector.shape_cast %get3A_366 : vector<1x16xf32> to vector<16xf32>
        %add3A_368 = arith.addf %get3A_363, %get3A_367 : vector<16xf32>
        %get3A_369 = arith.index_cast %add3A_359 : i32 to index
        %get3A_370 = arith.constant 48 : index
        %get3A_371 = tpu.vector_load %arg22[%get3A_369, %get3A_370] {strides = array<i32>} : memref<64x128xf32, #tpu.memory_space<vmem>>, vector<1x16xf32>,
        %get3A_372 = vector.shape_cast %get3A_371 : vector<1x16xf32> to vector<16xf32>
        %add3A_373 = arith.addf %add3A_368, %get3A_372 : vector<16xf32>
        %max3A_374 = arith.constant 0.000000e+00 : f32
        %max3A_375 = vector.broadcast %max3A_374 : f32 to vector<16xf32>
        %max3A_376 = arith.maximumf %add3A_373, %max3A_375 : vector<16xf32>
        %swap3A_377 = arith.index_cast %add3A_359 : i32 to index
        %swap3A_378 = arith.constant 48 : index
        %swap3A_379 = tpu.vector_load %arg20[%swap3A_377, %swap3A_378] {strides = array<i32>} : memref<64x128xf32, #tpu.memory_space<vmem>>, vector<1x16xf32>,
        %swap3A_380 = vector.shape_cast %swap3A_379 : vector<1x16xf32> to vector<16xf32>
        %swap3A_381 = vector.shape_cast %max3A_376 : vector<16xf32> to vector<1x16xf32>
        tpu.vector_store %arg20[%swap3A_377, %swap3A_378], %swap3A_381 {strides = array<i32>} : memref<64x128xf32, #tpu.memory_space<vmem>>, vector<1x16xf32>,
        %mul3A_382 = arith.constant 2 : i32
        %mul3A_383 = arith.muli %mul3A_382, %scan3A_278 : i32
        %add3A_384 = arith.constant 0 : i32
        %add3A_385 = arith.addi %mul3A_383, %add3A_384 : i32
        %get3A_386 = arith.index_cast %add3A_385 : i32 to index
        %get3A_387 = arith.constant 64 : index
        %get3A_388 = tpu.vector_load %arg20[%get3A_386, %get3A_387] {strides = array<i32>} : memref<64x128xf32, #tpu.memory_space<vmem>>, vector<1x16xf32>,
        %get3A_389 = vector.shape_cast %get3A_388 : vector<1x16xf32> to vector<16xf32>
        %get3A_390 = arith.index_cast %add3A_385 : i32 to index
        %get3A_391 = arith.constant 64 : index
        %get3A_392 = tpu.vector_load %arg21[%get3A_390, %get3A_391] {strides = array<i32>} : memref<64x128xf32, #tpu.memory_space<vmem>>, vector<1x16xf32>,
        %get3A_393 = vector.shape_cast %get3A_392 : vector<1x16xf32> to vector<16xf32>
        %add3A_394 = arith.addf %get3A_389, %get3A_393 : vector<16xf32>
        %get3A_395 = arith.index_cast %add3A_385 : i32 to index
        %get3A_396 = arith.constant 64 : index
        %get3A_397 = tpu.vector_load %arg22[%get3A_395, %get3A_396] {strides = array<i32>} : memref<64x128xf32, #tpu.memory_space<vmem>>, vector<1x16xf32>,
        %get3A_398 = vector.shape_cast %get3A_397 : vector<1x16xf32> to vector<16xf32>
        %add3A_399 = arith.addf %add3A_394, %get3A_398 : vector<16xf32>
        %max3A_400 = arith.constant 0.000000e+00 : f32
        %max3A_401 = vector.broadcast %max3A_400 : f32 to vector<16xf32>
        %max3A_402 = arith.maximumf %add3A_399, %max3A_401 : vector<16xf32>
        %swap3A_403 = arith.index_cast %add3A_385 : i32 to index
        %swap3A_404 = arith.constant 64 : index
        %swap3A_405 = tpu.vector_load %arg20[%swap3A_403, %swap3A_404] {strides = array<i32>} : memref<64x128xf32, #tpu.memory_space<vmem>>, vector<1x16xf32>,
        %swap3A_406 = vector.shape_cast %swap3A_405 : vector<1x16xf32> to vector<16xf32>
        %swap3A_407 = vector.shape_cast %max3A_402 : vector<16xf32> to vector<1x16xf32>
        tpu.vector_store %arg20[%swap3A_403, %swap3A_404], %swap3A_407 {strides = array<i32>} : memref<64x128xf32, #tpu.memory_space<vmem>>, vector<1x16xf32>,
        %mul3A_408 = arith.constant 2 : i32
        %mul3A_409 = arith.muli %mul3A_408, %scan3A_278 : i32
        %add3A_410 = arith.constant 0 : i32
        %add3A_411 = arith.addi %mul3A_409, %add3A_410 : i32
        %get3A_412 = arith.index_cast %add3A_411 : i32 to index
        %get3A_413 = arith.constant 80 : index
        %get3A_414 = tpu.vector_load %arg20[%get3A_412, %get3A_413] {strides = array<i32>} : memref<64x128xf32, #tpu.memory_space<vmem>>, vector<1x16xf32>,
        %get3A_415 = vector.shape_cast %get3A_414 : vector<1x16xf32> to vector<16xf32>
        %get3A_416 = arith.index_cast %add3A_411 : i32 to index
        %get3A_417 = arith.constant 80 : index
        %get3A_418 = tpu.vector_load %arg21[%get3A_416, %get3A_417] {strides = array<i32>} : memref<64x128xf32, #tpu.memory_space<vmem>>, vector<1x16xf32>,
        %get3A_419 = vector.shape_cast %get3A_418 : vector<1x16xf32> to vector<16xf32>
        %add3A_420 = arith.addf %get3A_415, %get3A_419 : vector<16xf32>
        %get3A_421 = arith.index_cast %add3A_411 : i32 to index
        %get3A_422 = arith.constant 80 : index
        %get3A_423 = tpu.vector_load %arg22[%get3A_421, %get3A_422] {strides = array<i32>} : memref<64x128xf32, #tpu.memory_space<vmem>>, vector<1x16xf32>,
        %get3A_424 = vector.shape_cast %get3A_423 : vector<1x16xf32> to vector<16xf32>
        %add3A_425 = arith.addf %add3A_420, %get3A_424 : vector<16xf32>
        %max3A_426 = arith.constant 0.000000e+00 : f32
        %max3A_427 = vector.broadcast %max3A_426 : f32 to vector<16xf32>
        %max3A_428 = arith.maximumf %add3A_425, %max3A_427 : vector<16xf32>
        %swap3A_429 = arith.index_cast %add3A_411 : i32 to index
        %swap3A_430 = arith.constant 80 : index
        %swap3A_431 = tpu.vector_load %arg20[%swap3A_429, %swap3A_430] {strides = array<i32>} : memref<64x128xf32, #tpu.memory_space<vmem>>, vector<1x16xf32>,
        %swap3A_432 = vector.shape_cast %swap3A_431 : vector<1x16xf32> to vector<16xf32>
        %swap3A_433 = vector.shape_cast %max3A_428 : vector<16xf32> to vector<1x16xf32>
        tpu.vector_store %arg20[%swap3A_429, %swap3A_430], %swap3A_433 {strides = array<i32>} : memref<64x128xf32, #tpu.memory_space<vmem>>, vector<1x16xf32>,
        %mul3A_434 = arith.constant 2 : i32
        %mul3A_435 = arith.muli %mul3A_434, %scan3A_278 : i32
        %add3A_436 = arith.constant 0 : i32
        %add3A_437 = arith.addi %mul3A_435, %add3A_436 : i32
        %get3A_438 = arith.index_cast %add3A_437 : i32 to index
        %get3A_439 = arith.constant 96 : index
        %get3A_440 = tpu.vector_load %arg20[%get3A_438, %get3A_439] {strides = array<i32>} : memref<64x128xf32, #tpu.memory_space<vmem>>, vector<1x16xf32>,
        %get3A_441 = vector.shape_cast %get3A_440 : vector<1x16xf32> to vector<16xf32>
        %get3A_442 = arith.index_cast %add3A_437 : i32 to index
        %get3A_443 = arith.constant 96 : index
        %get3A_444 = tpu.vector_load %arg21[%get3A_442, %get3A_443] {strides = array<i32>} : memref<64x128xf32, #tpu.memory_space<vmem>>, vector<1x16xf32>,
        %get3A_445 = vector.shape_cast %get3A_444 : vector<1x16xf32> to vector<16xf32>
        %add3A_446 = arith.addf %get3A_441, %get3A_445 : vector<16xf32>
        %get3A_447 = arith.index_cast %add3A_437 : i32 to index
        %get3A_448 = arith.constant 96 : index
        %get3A_449 = tpu.vector_load %arg22[%get3A_447, %get3A_448] {strides = array<i32>} : memref<64x128xf32, #tpu.memory_space<vmem>>, vector<1x16xf32>,
        %get3A_450 = vector.shape_cast %get3A_449 : vector<1x16xf32> to vector<16xf32>
        %add3A_451 = arith.addf %add3A_446, %get3A_450 : vector<16xf32>
        %max3A_452 = arith.constant 0.000000e+00 : f32
        %max3A_453 = vector.broadcast %max3A_452 : f32 to vector<16xf32>
        %max3A_454 = arith.maximumf %add3A_451, %max3A_453 : vector<16xf32>
        %swap3A_455 = arith.index_cast %add3A_437 : i32 to index
        %swap3A_456 = arith.constant 96 : index
        %swap3A_457 = tpu.vector_load %arg20[%swap3A_455, %swap3A_456] {strides = array<i32>} : memref<64x128xf32, #tpu.memory_space<vmem>>, vector<1x16xf32>,
        %swap3A_458 = vector.shape_cast %swap3A_457 : vector<1x16xf32> to vector<16xf32>
        %swap3A_459 = vector.shape_cast %max3A_454 : vector<16xf32> to vector<1x16xf32>
        tpu.vector_store %arg20[%swap3A_455, %swap3A_456], %swap3A_459 {strides = array<i32>} : memref<64x128xf32, #tpu.memory_space<vmem>>, vector<1x16xf32>,
        %mul3A_460 = arith.constant 2 : i32
        %mul3A_461 = arith.muli %mul3A_460, %scan3A_278 : i32
        %add3A_462 = arith.constant 0 : i32
        %add3A_463 = arith.addi %mul3A_461, %add3A_462 : i32
        %get3A_464 = arith.index_cast %add3A_463 : i32 to index
        %get3A_465 = arith.constant 112 : index
        %get3A_466 = tpu.vector_load %arg20[%get3A_464, %get3A_465] {strides = array<i32>} : memref<64x128xf32, #tpu.memory_space<vmem>>, vector<1x16xf32>,
        %get3A_467 = vector.shape_cast %get3A_466 : vector<1x16xf32> to vector<16xf32>
        %get3A_468 = arith.index_cast %add3A_463 : i32 to index
        %get3A_469 = arith.constant 112 : index
        %get3A_470 = tpu.vector_load %arg21[%get3A_468, %get3A_469] {strides = array<i32>} : memref<64x128xf32, #tpu.memory_space<vmem>>, vector<1x16xf32>,
        %get3A_471 = vector.shape_cast %get3A_470 : vector<1x16xf32> to vector<16xf32>
        %add3A_472 = arith.addf %get3A_467, %get3A_471 : vector<16xf32>
        %get3A_473 = arith.index_cast %add3A_463 : i32 to index
        %get3A_474 = arith.constant 112 : index
        %get3A_475 = tpu.vector_load %arg22[%get3A_473, %get3A_474] {strides = array<i32>} : memref<64x128xf32, #tpu.memory_space<vmem>>, vector<1x16xf32>,
        %get3A_476 = vector.shape_cast %get3A_475 : vector<1x16xf32> to vector<16xf32>
        %add3A_477 = arith.addf %add3A_472, %get3A_476 : vector<16xf32>
        %max3A_478 = arith.constant 0.000000e+00 : f32
        %max3A_479 = vector.broadcast %max3A_478 : f32 to vector<16xf32>
        %max3A_480 = arith.maximumf %add3A_477, %max3A_479 : vector<16xf32>
        %swap3A_481 = arith.index_cast %add3A_463 : i32 to index
        %swap3A_482 = arith.constant 112 : index
        %swap3A_483 = tpu.vector_load %arg20[%swap3A_481, %swap3A_482] {strides = array<i32>} : memref<64x128xf32, #tpu.memory_space<vmem>>, vector<1x16xf32>,
        %swap3A_484 = vector.shape_cast %swap3A_483 : vector<1x16xf32> to vector<16xf32>
        %swap3A_485 = vector.shape_cast %max3A_480 : vector<16xf32> to vector<1x16xf32>
        tpu.vector_store %arg20[%swap3A_481, %swap3A_482], %swap3A_485 {strides = array<i32>} : memref<64x128xf32, #tpu.memory_space<vmem>>, vector<1x16xf32>,
        %mul3A_486 = arith.constant 2 : i32
        %mul3A_487 = arith.muli %mul3A_486, %scan3A_278 : i32
        %add3A_488 = arith.constant 1 : i32
        %add3A_489 = arith.addi %mul3A_487, %add3A_488 : i32
        %get3A_490 = arith.index_cast %add3A_489 : i32 to index
        %get3A_491 = arith.constant 0 : index
        %get3A_492 = tpu.vector_load %arg20[%get3A_490, %get3A_491] {strides = array<i32>} : memref<64x128xf32, #tpu.memory_space<vmem>>, vector<1x16xf32>,
        %get3A_493 = vector.shape_cast %get3A_492 : vector<1x16xf32> to vector<16xf32>
        %get3A_494 = arith.index_cast %add3A_489 : i32 to index
        %get3A_495 = arith.constant 0 : index
        %get3A_496 = tpu.vector_load %arg21[%get3A_494, %get3A_495] {strides = array<i32>} : memref<64x128xf32, #tpu.memory_space<vmem>>, vector<1x16xf32>,
        %get3A_497 = vector.shape_cast %get3A_496 : vector<1x16xf32> to vector<16xf32>
        %add3A_498 = arith.addf %get3A_493, %get3A_497 : vector<16xf32>
        %get3A_499 = arith.index_cast %add3A_489 : i32 to index
        %get3A_500 = arith.constant 0 : index
        %get3A_501 = tpu.vector_load %arg22[%get3A_499, %get3A_500] {strides = array<i32>} : memref<64x128xf32, #tpu.memory_space<vmem>>, vector<1x16xf32>,
        %get3A_502 = vector.shape_cast %get3A_501 : vector<1x16xf32> to vector<16xf32>
        %add3A_503 = arith.addf %add3A_498, %get3A_502 : vector<16xf32>
        %max3A_504 = arith.constant 0.000000e+00 : f32
        %max3A_505 = vector.broadcast %max3A_504 : f32 to vector<16xf32>
        %max3A_506 = arith.maximumf %add3A_503, %max3A_505 : vector<16xf32>
        %swap3A_507 = arith.index_cast %add3A_489 : i32 to index
        %swap3A_508 = arith.constant 0 : index
        %swap3A_509 = tpu.vector_load %arg20[%swap3A_507, %swap3A_508] {strides = array<i32>} : memref<64x128xf32, #tpu.memory_space<vmem>>, vector<1x16xf32>,
        %swap3A_510 = vector.shape_cast %swap3A_509 : vector<1x16xf32> to vector<16xf32>
        %swap3A_511 = vector.shape_cast %max3A_506 : vector<16xf32> to vector<1x16xf32>
        tpu.vector_store %arg20[%swap3A_507, %swap3A_508], %swap3A_511 {strides = array<i32>} : memref<64x128xf32, #tpu.memory_space<vmem>>, vector<1x16xf32>,
        %mul3A_512 = arith.constant 2 : i32
        %mul3A_513 = arith.muli %mul3A_512, %scan3A_278 : i32
        %add3A_514 = arith.constant 1 : i32
        %add3A_515 = arith.addi %mul3A_513, %add3A_514 : i32
        %get3A_516 = arith.index_cast %add3A_515 : i32 to index
        %get3A_517 = arith.constant 16 : index
        %get3A_518 = tpu.vector_load %arg20[%get3A_516, %get3A_517] {strides = array<i32>} : memref<64x128xf32, #tpu.memory_space<vmem>>, vector<1x16xf32>,
        %get3A_519 = vector.shape_cast %get3A_518 : vector<1x16xf32> to vector<16xf32>
        %get3A_520 = arith.index_cast %add3A_515 : i32 to index
        %get3A_521 = arith.constant 16 : index
        %get3A_522 = tpu.vector_load %arg21[%get3A_520, %get3A_521] {strides = array<i32>} : memref<64x128xf32, #tpu.memory_space<vmem>>, vector<1x16xf32>,
        %get3A_523 = vector.shape_cast %get3A_522 : vector<1x16xf32> to vector<16xf32>
        %add3A_524 = arith.addf %get3A_519, %get3A_523 : vector<16xf32>
        %get3A_525 = arith.index_cast %add3A_515 : i32 to index
        %get3A_526 = arith.constant 16 : index
        %get3A_527 = tpu.vector_load %arg22[%get3A_525, %get3A_526] {strides = array<i32>} : memref<64x128xf32, #tpu.memory_space<vmem>>, vector<1x16xf32>,
        %get3A_528 = vector.shape_cast %get3A_527 : vector<1x16xf32> to vector<16xf32>
        %add3A_529 = arith.addf %add3A_524, %get3A_528 : vector<16xf32>
        %max3A_530 = arith.constant 0.000000e+00 : f32
        %max3A_531 = vector.broadcast %max3A_530 : f32 to vector<16xf32>
        %max3A_532 = arith.maximumf %add3A_529, %max3A_531 : vector<16xf32>
        %swap3A_533 = arith.index_cast %add3A_515 : i32 to index
        %swap3A_534 = arith.constant 16 : index
        %swap3A_535 = tpu.vector_load %arg20[%swap3A_533, %swap3A_534] {strides = array<i32>} : memref<64x128xf32, #tpu.memory_space<vmem>>, vector<1x16xf32>,
        %swap3A_536 = vector.shape_cast %swap3A_535 : vector<1x16xf32> to vector<16xf32>
        %swap3A_537 = vector.shape_cast %max3A_532 : vector<16xf32> to vector<1x16xf32>
        tpu.vector_store %arg20[%swap3A_533, %swap3A_534], %swap3A_537 {strides = array<i32>} : memref<64x128xf32, #tpu.memory_space<vmem>>, vector<1x16xf32>,
        %mul3A_538 = arith.constant 2 : i32
        %mul3A_539 = arith.muli %mul3A_538, %scan3A_278 : i32
        %add3A_540 = arith.constant 1 : i32
        %add3A_541 = arith.addi %mul3A_539, %add3A_540 : i32
        %get3A_542 = arith.index_cast %add3A_541 : i32 to index
        %get3A_543 = arith.constant 32 : index
        %get3A_544 = tpu.vector_load %arg20[%get3A_542, %get3A_543] {strides = array<i32>} : memref<64x128xf32, #tpu.memory_space<vmem>>, vector<1x16xf32>,
        %get3A_545 = vector.shape_cast %get3A_544 : vector<1x16xf32> to vector<16xf32>
        %get3A_546 = arith.index_cast %add3A_541 : i32 to index
        %get3A_547 = arith.constant 32 : index
        %get3A_548 = tpu.vector_load %arg21[%get3A_546, %get3A_547] {strides = array<i32>} : memref<64x128xf32, #tpu.memory_space<vmem>>, vector<1x16xf32>,
        %get3A_549 = vector.shape_cast %get3A_548 : vector<1x16xf32> to vector<16xf32>
        %add3A_550 = arith.addf %get3A_545, %get3A_549 : vector<16xf32>
        %get3A_551 = arith.index_cast %add3A_541 : i32 to index
        %get3A_552 = arith.constant 32 : index
        %get3A_553 = tpu.vector_load %arg22[%get3A_551, %get3A_552] {strides = array<i32>} : memref<64x128xf32, #tpu.memory_space<vmem>>, vector<1x16xf32>,
        %get3A_554 = vector.shape_cast %get3A_553 : vector<1x16xf32> to vector<16xf32>
        %add3A_555 = arith.addf %add3A_550, %get3A_554 : vector<16xf32>
        %max3A_556 = arith.constant 0.000000e+00 : f32
        %max3A_557 = vector.broadcast %max3A_556 : f32 to vector<16xf32>
        %max3A_558 = arith.maximumf %add3A_555, %max3A_557 : vector<16xf32>
        %swap3A_559 = arith.index_cast %add3A_541 : i32 to index
        %swap3A_560 = arith.constant 32 : index
        %swap3A_561 = tpu.vector_load %arg20[%swap3A_559, %swap3A_560] {strides = array<i32>} : memref<64x128xf32, #tpu.memory_space<vmem>>, vector<1x16xf32>,
        %swap3A_562 = vector.shape_cast %swap3A_561 : vector<1x16xf32> to vector<16xf32>
        %swap3A_563 = vector.shape_cast %max3A_558 : vector<16xf32> to vector<1x16xf32>
        tpu.vector_store %arg20[%swap3A_559, %swap3A_560], %swap3A_563 {strides = array<i32>} : memref<64x128xf32, #tpu.memory_space<vmem>>, vector<1x16xf32>,
        %mul3A_564 = arith.constant 2 : i32
        %mul3A_565 = arith.muli %mul3A_564, %scan3A_278 : i32
        %add3A_566 = arith.constant 1 : i32
        %add3A_567 = arith.addi %mul3A_565, %add3A_566 : i32
        %get3A_568 = arith.index_cast %add3A_567 : i32 to index
        %get3A_569 = arith.constant 48 : index
        %get3A_570 = tpu.vector_load %arg20[%get3A_568, %get3A_569] {strides = array<i32>} : memref<64x128xf32, #tpu.memory_space<vmem>>, vector<1x16xf32>,
        %get3A_571 = vector.shape_cast %get3A_570 : vector<1x16xf32> to vector<16xf32>
        %get3A_572 = arith.index_cast %add3A_567 : i32 to index
        %get3A_573 = arith.constant 48 : index
        %get3A_574 = tpu.vector_load %arg21[%get3A_572, %get3A_573] {strides = array<i32>} : memref<64x128xf32, #tpu.memory_space<vmem>>, vector<1x16xf32>,
        %get3A_575 = vector.shape_cast %get3A_574 : vector<1x16xf32> to vector<16xf32>
        %add3A_576 = arith.addf %get3A_571, %get3A_575 : vector<16xf32>
        %get3A_577 = arith.index_cast %add3A_567 : i32 to index
        %get3A_578 = arith.constant 48 : index
        %get3A_579 = tpu.vector_load %arg22[%get3A_577, %get3A_578] {strides = array<i32>} : memref<64x128xf32, #tpu.memory_space<vmem>>, vector<1x16xf32>,
        %get3A_580 = vector.shape_cast %get3A_579 : vector<1x16xf32> to vector<16xf32>
        %add3A_581 = arith.addf %add3A_576, %get3A_580 : vector<16xf32>
        %max3A_582 = arith.constant 0.000000e+00 : f32
        %max3A_583 = vector.broadcast %max3A_582 : f32 to vector<16xf32>
        %max3A_584 = arith.maximumf %add3A_581, %max3A_583 : vector<16xf32>
        %swap3A_585 = arith.index_cast %add3A_567 : i32 to index
        %swap3A_586 = arith.constant 48 : index
        %swap3A_587 = tpu.vector_load %arg20[%swap3A_585, %swap3A_586] {strides = array<i32>} : memref<64x128xf32, #tpu.memory_space<vmem>>, vector<1x16xf32>,
        %swap3A_588 = vector.shape_cast %swap3A_587 : vector<1x16xf32> to vector<16xf32>
        %swap3A_589 = vector.shape_cast %max3A_584 : vector<16xf32> to vector<1x16xf32>
        tpu.vector_store %arg20[%swap3A_585, %swap3A_586], %swap3A_589 {strides = array<i32>} : memref<64x128xf32, #tpu.memory_space<vmem>>, vector<1x16xf32>,
        %mul3A_590 = arith.constant 2 : i32
        %mul3A_591 = arith.muli %mul3A_590, %scan3A_278 : i32
        %add3A_592 = arith.constant 1 : i32
        %add3A_593 = arith.addi %mul3A_591, %add3A_592 : i32
        %get3A_594 = arith.index_cast %add3A_593 : i32 to index
        %get3A_595 = arith.constant 64 : index
        %get3A_596 = tpu.vector_load %arg20[%get3A_594, %get3A_595] {strides = array<i32>} : memref<64x128xf32, #tpu.memory_space<vmem>>, vector<1x16xf32>,
        %get3A_597 = vector.shape_cast %get3A_596 : vector<1x16xf32> to vector<16xf32>
        %get3A_598 = arith.index_cast %add3A_593 : i32 to index
        %get3A_599 = arith.constant 64 : index
        %get3A_600 = tpu.vector_load %arg21[%get3A_598, %get3A_599] {strides = array<i32>} : memref<64x128xf32, #tpu.memory_space<vmem>>, vector<1x16xf32>,
        %get3A_601 = vector.shape_cast %get3A_600 : vector<1x16xf32> to vector<16xf32>
        %add3A_602 = arith.addf %get3A_597, %get3A_601 : vector<16xf32>
        %get3A_603 = arith.index_cast %add3A_593 : i32 to index
        %get3A_604 = arith.constant 64 : index
        %get3A_605 = tpu.vector_load %arg22[%get3A_603, %get3A_604] {strides = array<i32>} : memref<64x128xf32, #tpu.memory_space<vmem>>, vector<1x16xf32>,
        %get3A_606 = vector.shape_cast %get3A_605 : vector<1x16xf32> to vector<16xf32>
        %add3A_607 = arith.addf %add3A_602, %get3A_606 : vector<16xf32>
        %max3A_608 = arith.constant 0.000000e+00 : f32
        %max3A_609 = vector.broadcast %max3A_608 : f32 to vector<16xf32>
        %max3A_610 = arith.maximumf %add3A_607, %max3A_609 : vector<16xf32>
        %swap3A_611 = arith.index_cast %add3A_593 : i32 to index
        %swap3A_612 = arith.constant 64 : index
        %swap3A_613 = tpu.vector_load %arg20[%swap3A_611, %swap3A_612] {strides = array<i32>} : memref<64x128xf32, #tpu.memory_space<vmem>>, vector<1x16xf32>,
        %swap3A_614 = vector.shape_cast %swap3A_613 : vector<1x16xf32> to vector<16xf32>
        %swap3A_615 = vector.shape_cast %max3A_610 : vector<16xf32> to vector<1x16xf32>
        tpu.vector_store %arg20[%swap3A_611, %swap3A_612], %swap3A_615 {strides = array<i32>} : memref<64x128xf32, #tpu.memory_space<vmem>>, vector<1x16xf32>,
        %mul3A_616 = arith.constant 2 : i32
        %mul3A_617 = arith.muli %mul3A_616, %scan3A_278 : i32
        %add3A_618 = arith.constant 1 : i32
        %add3A_619 = arith.addi %mul3A_617, %add3A_618 : i32
        %get3A_620 = arith.index_cast %add3A_619 : i32 to index
        %get3A_621 = arith.constant 80 : index
        %get3A_622 = tpu.vector_load %arg20[%get3A_620, %get3A_621] {strides = array<i32>} : memref<64x128xf32, #tpu.memory_space<vmem>>, vector<1x16xf32>,
        %get3A_623 = vector.shape_cast %get3A_622 : vector<1x16xf32> to vector<16xf32>
        %get3A_624 = arith.index_cast %add3A_619 : i32 to index
        %get3A_625 = arith.constant 80 : index
        %get3A_626 = tpu.vector_load %arg21[%get3A_624, %get3A_625] {strides = array<i32>} : memref<64x128xf32, #tpu.memory_space<vmem>>, vector<1x16xf32>,
        %get3A_627 = vector.shape_cast %get3A_626 : vector<1x16xf32> to vector<16xf32>
        %add3A_628 = arith.addf %get3A_623, %get3A_627 : vector<16xf32>
        %get3A_629 = arith.index_cast %add3A_619 : i32 to index
        %get3A_630 = arith.constant 80 : index
        %get3A_631 = tpu.vector_load %arg22[%get3A_629, %get3A_630] {strides = array<i32>} : memref<64x128xf32, #tpu.memory_space<vmem>>, vector<1x16xf32>,
        %get3A_632 = vector.shape_cast %get3A_631 : vector<1x16xf32> to vector<16xf32>
        %add3A_633 = arith.addf %add3A_628, %get3A_632 : vector<16xf32>
        %max3A_634 = arith.constant 0.000000e+00 : f32
        %max3A_635 = vector.broadcast %max3A_634 : f32 to vector<16xf32>
        %max3A_636 = arith.maximumf %add3A_633, %max3A_635 : vector<16xf32>
        %swap3A_637 = arith.index_cast %add3A_619 : i32 to index
        %swap3A_638 = arith.constant 80 : index
        %swap3A_639 = tpu.vector_load %arg20[%swap3A_637, %swap3A_638] {strides = array<i32>} : memref<64x128xf32, #tpu.memory_space<vmem>>, vector<1x16xf32>,
        %swap3A_640 = vector.shape_cast %swap3A_639 : vector<1x16xf32> to vector<16xf32>
        %swap3A_641 = vector.shape_cast %max3A_636 : vector<16xf32> to vector<1x16xf32>
        tpu.vector_store %arg20[%swap3A_637, %swap3A_638], %swap3A_641 {strides = array<i32>} : memref<64x128xf32, #tpu.memory_space<vmem>>, vector<1x16xf32>,
        %mul3A_642 = arith.constant 2 : i32
        %mul3A_643 = arith.muli %mul3A_642, %scan3A_278 : i32
        %add3A_644 = arith.constant 1 : i32
        %add3A_645 = arith.addi %mul3A_643, %add3A_644 : i32
        %get3A_646 = arith.index_cast %add3A_645 : i32 to index
        %get3A_647 = arith.constant 96 : index
        %get3A_648 = tpu.vector_load %arg20[%get3A_646, %get3A_647] {strides = array<i32>} : memref<64x128xf32, #tpu.memory_space<vmem>>, vector<1x16xf32>,
        %get3A_649 = vector.shape_cast %get3A_648 : vector<1x16xf32> to vector<16xf32>
        %get3A_650 = arith.index_cast %add3A_645 : i32 to index
        %get3A_651 = arith.constant 96 : index
        %get3A_652 = tpu.vector_load %arg21[%get3A_650, %get3A_651] {strides = array<i32>} : memref<64x128xf32, #tpu.memory_space<vmem>>, vector<1x16xf32>,
        %get3A_653 = vector.shape_cast %get3A_652 : vector<1x16xf32> to vector<16xf32>
        %add3A_654 = arith.addf %get3A_649, %get3A_653 : vector<16xf32>
        %get3A_655 = arith.index_cast %add3A_645 : i32 to index
        %get3A_656 = arith.constant 96 : index
        %get3A_657 = tpu.vector_load %arg22[%get3A_655, %get3A_656] {strides = array<i32>} : memref<64x128xf32, #tpu.memory_space<vmem>>, vector<1x16xf32>,
        %get3A_658 = vector.shape_cast %get3A_657 : vector<1x16xf32> to vector<16xf32>
        %add3A_659 = arith.addf %add3A_654, %get3A_658 : vector<16xf32>
        %max3A_660 = arith.constant 0.000000e+00 : f32
        %max3A_661 = vector.broadcast %max3A_660 : f32 to vector<16xf32>
        %max3A_662 = arith.maximumf %add3A_659, %max3A_661 : vector<16xf32>
        %swap3A_663 = arith.index_cast %add3A_645 : i32 to index
        %swap3A_664 = arith.constant 96 : index
        %swap3A_665 = tpu.vector_load %arg20[%swap3A_663, %swap3A_664] {strides = array<i32>} : memref<64x128xf32, #tpu.memory_space<vmem>>, vector<1x16xf32>,
        %swap3A_666 = vector.shape_cast %swap3A_665 : vector<1x16xf32> to vector<16xf32>
        %swap3A_667 = vector.shape_cast %max3A_662 : vector<16xf32> to vector<1x16xf32>
        tpu.vector_store %arg20[%swap3A_663, %swap3A_664], %swap3A_667 {strides = array<i32>} : memref<64x128xf32, #tpu.memory_space<vmem>>, vector<1x16xf32>,
        %mul3A_668 = arith.constant 2 : i32
        %mul3A_669 = arith.muli %mul3A_668, %scan3A_278 : i32
        %add3A_670 = arith.constant 1 : i32
        %add3A_671 = arith.addi %mul3A_669, %add3A_670 : i32
        %get3A_672 = arith.index_cast %add3A_671 : i32 to index
        %get3A_673 = arith.constant 112 : index
        %get3A_674 = tpu.vector_load %arg20[%get3A_672, %get3A_673] {strides = array<i32>} : memref<64x128xf32, #tpu.memory_space<vmem>>, vector<1x16xf32>,
        %get3A_675 = vector.shape_cast %get3A_674 : vector<1x16xf32> to vector<16xf32>
        %get3A_676 = arith.index_cast %add3A_671 : i32 to index
        %get3A_677 = arith.constant 112 : index
        %get3A_678 = tpu.vector_load %arg21[%get3A_676, %get3A_677] {strides = array<i32>} : memref<64x128xf32, #tpu.memory_space<vmem>>, vector<1x16xf32>,
        %get3A_679 = vector.shape_cast %get3A_678 : vector<1x16xf32> to vector<16xf32>
        %add3A_680 = arith.addf %get3A_675, %get3A_679 : vector<16xf32>
        %get3A_681 = arith.index_cast %add3A_671 : i32 to index
        %get3A_682 = arith.constant 112 : index
        %get3A_683 = tpu.vector_load %arg22[%get3A_681, %get3A_682] {strides = array<i32>} : memref<64x128xf32, #tpu.memory_space<vmem>>, vector<1x16xf32>,
        %get3A_684 = vector.shape_cast %get3A_683 : vector<1x16xf32> to vector<16xf32>
        %add3A_685 = arith.addf %add3A_680, %get3A_684 : vector<16xf32>
        %max3A_686 = arith.constant 0.000000e+00 : f32
        %max3A_687 = vector.broadcast %max3A_686 : f32 to vector<16xf32>
        %max3A_688 = arith.maximumf %add3A_685, %max3A_687 : vector<16xf32>
        %swap3A_689 = arith.index_cast %add3A_671 : i32 to index
        %swap3A_690 = arith.constant 112 : index
        %swap3A_691 = tpu.vector_load %arg20[%swap3A_689, %swap3A_690] {strides = array<i32>} : memref<64x128xf32, #tpu.memory_space<vmem>>, vector<1x16xf32>,
        %swap3A_692 = vector.shape_cast %swap3A_691 : vector<1x16xf32> to vector<16xf32>
        %swap3A_693 = vector.shape_cast %max3A_688 : vector<16xf32> to vector<1x16xf32>
        tpu.vector_store %arg20[%swap3A_689, %swap3A_690], %swap3A_693 {strides = array<i32>} : memref<64x128xf32, #tpu.memory_space<vmem>>, vector<1x16xf32>,
      }
      %scan3A_270 = arith.constant 32 : i32
      %dma_start3A_271 = arith.constant 0 : i32
      %dma_start3A_272 = tpu.memref_slice %arg7[%add3A_209, %dma_start3A_271] : memref<320000x128xf32, #tpu.memory_space<hbm>> -> memref<64x128xf32, #tpu.memory_space<hbm>>
      %dma_start3A_273 = arith.constant 0 : i32
      %dma_start3A_274 = tpu.memref_slice %arg7[%add3A_209, %dma_start3A_273] : memref<320000x128xf32, #tpu.memory_space<hbm>> -> memref<64x128xf32, #tpu.memory_space<hbm>>
      tpu.enqueue_dma source(%arg20 : memref<64x128xf32, #tpu.memory_space<vmem>>) target(%dma_start3A_274 : memref<64x128xf32, #tpu.memory_space<hbm>>) target_semaphore(%arg32 : memref<!tpu.dma_semaphore, #tpu.memory_space<semaphore_mem>>)
      %dma_start3A_275 = arith.constant 0 : i32
      %dma_start3A_276 = arith.constant 0 : i32
      %dma_start3A_277 = tpu.memref_slice %arg23[%dma_start3A_275, %dma_start3A_276] : memref<10000x128xf32, #tpu.memory_space<vmem_shared>> -> memref<10000x128xf32, #tpu.memory_space<vmem_shared>>
      tpu.enqueue_indirect_dma source(%arg20 : memref<64x128xf32, #tpu.memory_space<vmem>>) target(%dma_start3A_277 : memref<10000x128xf32, #tpu.memory_space<vmem_shared>>) offsets(%arg14 : memref<64xi32, #tpu.memory_space<vmem>>) semaphore(%arg33 : memref<!tpu.dma_semaphore, #tpu.memory_space<semaphore_mem>>) {add = true}
    }
    %scan3A_48 = arith.constant 78 : i32
    %add3A_49 = arith.constant 9920 : i32
    %add3A_50 = arith.addi %mul3A_2, %add3A_49 : i32
    %dma_wait3A_51 = arith.constant 0 : i32
    %dma_wait3A_52 = tpu.memref_slice %arg7[%add3A_50, %dma_wait3A_51] : memref<320000x128xf32, #tpu.memory_space<hbm>> -> memref<64x128xf32, #tpu.memory_space<hbm>>
    %dma_wait3A_53 = arith.constant 0 : i32
    %dma_wait3A_54 = tpu.memref_slice %arg7[%add3A_50, %dma_wait3A_53] : memref<320000x128xf32, #tpu.memory_space<hbm>> -> memref<64x128xf32, #tpu.memory_space<hbm>>
    tpu.wait_dma2 semaphore(%arg32 : memref<!tpu.dma_semaphore, #tpu.memory_space<semaphore_mem>>) src(%arg20 : memref<64x128xf32, #tpu.memory_space<vmem>>) dst(%dma_wait3A_54 : memref<64x128xf32, #tpu.memory_space<hbm>>)
    %dma_wait3A_55 = arith.constant 0 : i32
    %dma_wait3A_56 = arith.constant 0 : i32
    %dma_wait3A_57 = tpu.memref_slice %arg23[%dma_wait3A_55, %dma_wait3A_56] : memref<10000x128xf32, #tpu.memory_space<vmem_shared>> -> memref<10000x128xf32, #tpu.memory_space<vmem_shared>>
    tpu.wait_indirect_dma semaphore(%arg33 : memref<!tpu.dma_semaphore, #tpu.memory_space<semaphore_mem>>) src(%arg20 : memref<64x128xf32, #tpu.memory_space<vmem>>) dst(%dma_wait3A_57 : memref<10000x128xf32, #tpu.memory_space<vmem_shared>>)
    %add3A_58 = arith.constant 9984 : i32
    %add3A_59 = arith.addi %mul3A_2, %add3A_58 : i32
    "tpu.region"() ({
      %run_scoped3A = tpu.sem_alloc : memref<!tpu.dma_semaphore, #tpu.memory_space<semaphore_mem>>
      %dma_start3A_126 = tpu.memref_slice %arg2[%add3A_59] : memref<320000xi32, #tpu.memory_space<hbm>> -> memref<16xi32, #tpu.memory_space<hbm>>
      %dma_start3A_127 = tpu.memref_slice %arg2[%add3A_59] : memref<320000xi32, #tpu.memory_space<hbm>> -> memref<16xi32, #tpu.memory_space<hbm>>
      tpu.enqueue_dma source(%dma_start3A_127 : memref<16xi32, #tpu.memory_space<hbm>>) target(%arg15 : memref<16xi32, #tpu.memory_space<vmem>>) target_semaphore(%run_scoped3A : memref<!tpu.dma_semaphore, #tpu.memory_space<semaphore_mem>>)
      %dma_wait3A_128 = tpu.memref_slice %arg2[%add3A_59] : memref<320000xi32, #tpu.memory_space<hbm>> -> memref<16xi32, #tpu.memory_space<hbm>>
      %dma_wait3A_129 = tpu.memref_slice %arg2[%add3A_59] : memref<320000xi32, #tpu.memory_space<hbm>> -> memref<16xi32, #tpu.memory_space<hbm>>
      tpu.wait_dma2 semaphore(%run_scoped3A : memref<!tpu.dma_semaphore, #tpu.memory_space<semaphore_mem>>) src(%dma_wait3A_129 : memref<16xi32, #tpu.memory_space<hbm>>) dst(%arg15 : memref<16xi32, #tpu.memory_space<vmem>>)
      tpu.yield
    }) : () -> ()
    "tpu.region"() ({
      %run_scoped3A = tpu.sem_alloc : memref<!tpu.dma_semaphore, #tpu.memory_space<semaphore_mem>>
      %dma_start3A_126 = tpu.memref_slice %arg3[%add3A_59] : memref<320000xi32, #tpu.memory_space<hbm>> -> memref<16xi32, #tpu.memory_space<hbm>>
      %dma_start3A_127 = tpu.memref_slice %arg3[%add3A_59] : memref<320000xi32, #tpu.memory_space<hbm>> -> memref<16xi32, #tpu.memory_space<hbm>>
      tpu.enqueue_dma source(%dma_start3A_127 : memref<16xi32, #tpu.memory_space<hbm>>) target(%arg16 : memref<16xi32, #tpu.memory_space<vmem>>) target_semaphore(%run_scoped3A : memref<!tpu.dma_semaphore, #tpu.memory_space<semaphore_mem>>)
      %dma_wait3A_128 = tpu.memref_slice %arg3[%add3A_59] : memref<320000xi32, #tpu.memory_space<hbm>> -> memref<16xi32, #tpu.memory_space<hbm>>
      %dma_wait3A_129 = tpu.memref_slice %arg3[%add3A_59] : memref<320000xi32, #tpu.memory_space<hbm>> -> memref<16xi32, #tpu.memory_space<hbm>>
      tpu.wait_dma2 semaphore(%run_scoped3A : memref<!tpu.dma_semaphore, #tpu.memory_space<semaphore_mem>>) src(%dma_wait3A_129 : memref<16xi32, #tpu.memory_space<hbm>>) dst(%arg16 : memref<16xi32, #tpu.memory_space<vmem>>)
      tpu.yield
    }) : () -> ()
    %dma_start3A_60 = arith.constant 0 : i32
    %dma_start3A_61 = arith.constant 0 : i32
    %dma_start3A_62 = tpu.memref_slice %arg17[%dma_start3A_60, %dma_start3A_61] : memref<64x128xf32, #tpu.memory_space<vmem>> -> memref<16x128xf32, #tpu.memory_space<vmem>>
    %dma_start3A_63 = arith.constant 0 : i32
    %dma_start3A_64 = arith.constant 0 : i32
    %dma_start3A_65 = tpu.memref_slice %arg4[%dma_start3A_63, %dma_start3A_64] : memref<10000x128xf32, #tpu.memory_space<hbm>> -> memref<10000x128xf32, #tpu.memory_space<hbm>>
    tpu.enqueue_indirect_dma source(%dma_start3A_65 : memref<10000x128xf32, #tpu.memory_space<hbm>>) target(%dma_start3A_62 : memref<16x128xf32, #tpu.memory_space<vmem>>) offsets(%arg15 : memref<16xi32, #tpu.memory_space<vmem>>) semaphore(%arg24 : memref<!tpu.dma_semaphore, #tpu.memory_space<semaphore_mem>>)
    %dma_start3A_66 = arith.constant 0 : i32
    %dma_start3A_67 = arith.constant 0 : i32
    %dma_start3A_68 = tpu.memref_slice %arg18[%dma_start3A_66, %dma_start3A_67] : memref<64x128xf32, #tpu.memory_space<vmem>> -> memref<16x128xf32, #tpu.memory_space<vmem>>
    %dma_start3A_69 = arith.constant 0 : i32
    %dma_start3A_70 = arith.constant 0 : i32
    %dma_start3A_71 = tpu.memref_slice %arg5[%dma_start3A_69, %dma_start3A_70] : memref<10000x128xf32, #tpu.memory_space<hbm>> -> memref<10000x128xf32, #tpu.memory_space<hbm>>
    tpu.enqueue_indirect_dma source(%dma_start3A_71 : memref<10000x128xf32, #tpu.memory_space<hbm>>) target(%dma_start3A_68 : memref<16x128xf32, #tpu.memory_space<vmem>>) offsets(%arg16 : memref<16xi32, #tpu.memory_space<vmem>>) semaphore(%arg25 : memref<!tpu.dma_semaphore, #tpu.memory_space<semaphore_mem>>)
    %dma_start3A_72 = arith.constant 0 : i32
    %dma_start3A_73 = arith.constant 0 : i32
    %dma_start3A_74 = tpu.memref_slice %arg19[%dma_start3A_72, %dma_start3A_73] : memref<64x128xf32, #tpu.memory_space<vmem>> -> memref<16x128xf32, #tpu.memory_space<vmem>>
    %dma_start3A_75 = arith.constant 0 : i32
    %dma_start3A_76 = tpu.memref_slice %arg6[%add3A_59, %dma_start3A_75] : memref<320000x128xf32, #tpu.memory_space<hbm>> -> memref<16x128xf32, #tpu.memory_space<hbm>>
    %dma_start3A_77 = arith.constant 0 : i32
    %dma_start3A_78 = arith.constant 0 : i32
    %dma_start3A_79 = tpu.memref_slice %arg19[%dma_start3A_77, %dma_start3A_78] : memref<64x128xf32, #tpu.memory_space<vmem>> -> memref<16x128xf32, #tpu.memory_space<vmem>>
    %dma_start3A_80 = arith.constant 0 : i32
    %dma_start3A_81 = tpu.memref_slice %arg6[%add3A_59, %dma_start3A_80] : memref<320000x128xf32, #tpu.memory_space<hbm>> -> memref<16x128xf32, #tpu.memory_space<hbm>>
    tpu.enqueue_dma source(%dma_start3A_81 : memref<16x128xf32, #tpu.memory_space<hbm>>) target(%dma_start3A_79 : memref<16x128xf32, #tpu.memory_space<vmem>>) target_semaphore(%arg26 : memref<!tpu.dma_semaphore, #tpu.memory_space<semaphore_mem>>)
    %dma_wait3A_82 = arith.constant 0 : i32
    %dma_wait3A_83 = arith.constant 0 : i32
    %dma_wait3A_84 = tpu.memref_slice %arg17[%dma_wait3A_82, %dma_wait3A_83] : memref<64x128xf32, #tpu.memory_space<vmem>> -> memref<16x128xf32, #tpu.memory_space<vmem>>
    %dma_wait3A_85 = arith.constant 0 : i32
    %dma_wait3A_86 = arith.constant 0 : i32
    %dma_wait3A_87 = tpu.memref_slice %arg4[%dma_wait3A_85, %dma_wait3A_86] : memref<10000x128xf32, #tpu.memory_space<hbm>> -> memref<10000x128xf32, #tpu.memory_space<hbm>>
    tpu.wait_indirect_dma semaphore(%arg24 : memref<!tpu.dma_semaphore, #tpu.memory_space<semaphore_mem>>) src(%dma_wait3A_87 : memref<10000x128xf32, #tpu.memory_space<hbm>>) dst(%dma_wait3A_84 : memref<16x128xf32, #tpu.memory_space<vmem>>)
    %dma_wait3A_88 = arith.constant 0 : i32
    %dma_wait3A_89 = arith.constant 0 : i32
    %dma_wait3A_90 = tpu.memref_slice %arg18[%dma_wait3A_88, %dma_wait3A_89] : memref<64x128xf32, #tpu.memory_space<vmem>> -> memref<16x128xf32, #tpu.memory_space<vmem>>
    %dma_wait3A_91 = arith.constant 0 : i32
    %dma_wait3A_92 = arith.constant 0 : i32
    %dma_wait3A_93 = tpu.memref_slice %arg5[%dma_wait3A_91, %dma_wait3A_92] : memref<10000x128xf32, #tpu.memory_space<hbm>> -> memref<10000x128xf32, #tpu.memory_space<hbm>>
    tpu.wait_indirect_dma semaphore(%arg25 : memref<!tpu.dma_semaphore, #tpu.memory_space<semaphore_mem>>) src(%dma_wait3A_93 : memref<10000x128xf32, #tpu.memory_space<hbm>>) dst(%dma_wait3A_90 : memref<16x128xf32, #tpu.memory_space<vmem>>)
    %dma_wait3A_94 = arith.constant 0 : i32
    %dma_wait3A_95 = arith.constant 0 : i32
    %dma_wait3A_96 = tpu.memref_slice %arg19[%dma_wait3A_94, %dma_wait3A_95] : memref<64x128xf32, #tpu.memory_space<vmem>> -> memref<16x128xf32, #tpu.memory_space<vmem>>
    %dma_wait3A_97 = arith.constant 0 : i32
    %dma_wait3A_98 = tpu.memref_slice %arg6[%add3A_59, %dma_wait3A_97] : memref<320000x128xf32, #tpu.memory_space<hbm>> -> memref<16x128xf32, #tpu.memory_space<hbm>>
    %dma_wait3A_99 = arith.constant 0 : i32
    %dma_wait3A_100 = arith.constant 0 : i32
    %dma_wait3A_101 = tpu.memref_slice %arg19[%dma_wait3A_99, %dma_wait3A_100] : memref<64x128xf32, #tpu.memory_space<vmem>> -> memref<16x128xf32, #tpu.memory_space<vmem>>
    %dma_wait3A_102 = arith.constant 0 : i32
    %dma_wait3A_103 = tpu.memref_slice %arg6[%add3A_59, %dma_wait3A_102] : memref<320000x128xf32, #tpu.memory_space<hbm>> -> memref<16x128xf32, #tpu.memory_space<hbm>>
    tpu.wait_dma2 semaphore(%arg26 : memref<!tpu.dma_semaphore, #tpu.memory_space<semaphore_mem>>) src(%dma_wait3A_103 : memref<16x128xf32, #tpu.memory_space<hbm>>) dst(%dma_wait3A_101 : memref<16x128xf32, #tpu.memory_space<vmem>>)
    %scan3A_104 = arith.constant 0 : i32
    %scan3A_105 = arith.constant 0 : i32
    %scan3A_106 = arith.constant 8 : i32
    %scan3A_107 = arith.addi %scan3A_105, %scan3A_106 : i32
    %scan3A_108 = arith.constant 1 : i32
    scf.for %scan3A_126 = %scan3A_105 to %scan3A_107 step %scan3A_108  : i32 {
      %mul3A_127 = arith.constant 2 : i32
      %mul3A_128 = arith.muli %mul3A_127, %scan3A_126 : i32
      %add3A_129 = arith.constant 0 : i32
      %add3A_130 = arith.addi %mul3A_128, %add3A_129 : i32
      %get3A = arith.index_cast %add3A_130 : i32 to index
      %get3A_131 = arith.constant 0 : index
      %get3A_132 = tpu.vector_load %arg17[%get3A, %get3A_131] {strides = array<i32>} : memref<64x128xf32, #tpu.memory_space<vmem>>, vector<1x16xf32>,
      %get3A_133 = vector.shape_cast %get3A_132 : vector<1x16xf32> to vector<16xf32>
      %get3A_134 = arith.index_cast %add3A_130 : i32 to index
      %get3A_135 = arith.constant 0 : index
      %get3A_136 = tpu.vector_load %arg18[%get3A_134, %get3A_135] {strides = array<i32>} : memref<64x128xf32, #tpu.memory_space<vmem>>, vector<1x16xf32>,
      %get3A_137 = vector.shape_cast %get3A_136 : vector<1x16xf32> to vector<16xf32>
      %add3A_138 = arith.addf %get3A_133, %get3A_137 : vector<16xf32>
      %get3A_139 = arith.index_cast %add3A_130 : i32 to index
      %get3A_140 = arith.constant 0 : index
      %get3A_141 = tpu.vector_load %arg19[%get3A_139, %get3A_140] {strides = array<i32>} : memref<64x128xf32, #tpu.memory_space<vmem>>, vector<1x16xf32>,
      %get3A_142 = vector.shape_cast %get3A_141 : vector<1x16xf32> to vector<16xf32>
      %add3A_143 = arith.addf %add3A_138, %get3A_142 : vector<16xf32>
      %max3A = arith.constant 0.000000e+00 : f32
      %max3A_144 = vector.broadcast %max3A : f32 to vector<16xf32>
      %max3A_145 = arith.maximumf %add3A_143, %max3A_144 : vector<16xf32>
      %swap3A = arith.index_cast %add3A_130 : i32 to index
      %swap3A_146 = arith.constant 0 : index
      %swap3A_147 = tpu.vector_load %arg17[%swap3A, %swap3A_146] {strides = array<i32>} : memref<64x128xf32, #tpu.memory_space<vmem>>, vector<1x16xf32>,
      %swap3A_148 = vector.shape_cast %swap3A_147 : vector<1x16xf32> to vector<16xf32>
      %swap3A_149 = vector.shape_cast %max3A_145 : vector<16xf32> to vector<1x16xf32>
      tpu.vector_store %arg17[%swap3A, %swap3A_146], %swap3A_149 {strides = array<i32>} : memref<64x128xf32, #tpu.memory_space<vmem>>, vector<1x16xf32>,
      %mul3A_150 = arith.constant 2 : i32
      %mul3A_151 = arith.muli %mul3A_150, %scan3A_126 : i32
      %add3A_152 = arith.constant 0 : i32
      %add3A_153 = arith.addi %mul3A_151, %add3A_152 : i32
      %get3A_154 = arith.index_cast %add3A_153 : i32 to index
      %get3A_155 = arith.constant 16 : index
      %get3A_156 = tpu.vector_load %arg17[%get3A_154, %get3A_155] {strides = array<i32>} : memref<64x128xf32, #tpu.memory_space<vmem>>, vector<1x16xf32>,
      %get3A_157 = vector.shape_cast %get3A_156 : vector<1x16xf32> to vector<16xf32>
      %get3A_158 = arith.index_cast %add3A_153 : i32 to index
      %get3A_159 = arith.constant 16 : index
      %get3A_160 = tpu.vector_load %arg18[%get3A_158, %get3A_159] {strides = array<i32>} : memref<64x128xf32, #tpu.memory_space<vmem>>, vector<1x16xf32>,
      %get3A_161 = vector.shape_cast %get3A_160 : vector<1x16xf32> to vector<16xf32>
      %add3A_162 = arith.addf %get3A_157, %get3A_161 : vector<16xf32>
      %get3A_163 = arith.index_cast %add3A_153 : i32 to index
      %get3A_164 = arith.constant 16 : index
      %get3A_165 = tpu.vector_load %arg19[%get3A_163, %get3A_164] {strides = array<i32>} : memref<64x128xf32, #tpu.memory_space<vmem>>, vector<1x16xf32>,
      %get3A_166 = vector.shape_cast %get3A_165 : vector<1x16xf32> to vector<16xf32>
      %add3A_167 = arith.addf %add3A_162, %get3A_166 : vector<16xf32>
      %max3A_168 = arith.constant 0.000000e+00 : f32
      %max3A_169 = vector.broadcast %max3A_168 : f32 to vector<16xf32>
      %max3A_170 = arith.maximumf %add3A_167, %max3A_169 : vector<16xf32>
      %swap3A_171 = arith.index_cast %add3A_153 : i32 to index
      %swap3A_172 = arith.constant 16 : index
      %swap3A_173 = tpu.vector_load %arg17[%swap3A_171, %swap3A_172] {strides = array<i32>} : memref<64x128xf32, #tpu.memory_space<vmem>>, vector<1x16xf32>,
      %swap3A_174 = vector.shape_cast %swap3A_173 : vector<1x16xf32> to vector<16xf32>
      %swap3A_175 = vector.shape_cast %max3A_170 : vector<16xf32> to vector<1x16xf32>
      tpu.vector_store %arg17[%swap3A_171, %swap3A_172], %swap3A_175 {strides = array<i32>} : memref<64x128xf32, #tpu.memory_space<vmem>>, vector<1x16xf32>,
      %mul3A_176 = arith.constant 2 : i32
      %mul3A_177 = arith.muli %mul3A_176, %scan3A_126 : i32
      %add3A_178 = arith.constant 0 : i32
      %add3A_179 = arith.addi %mul3A_177, %add3A_178 : i32
      %get3A_180 = arith.index_cast %add3A_179 : i32 to index
      %get3A_181 = arith.constant 32 : index
      %get3A_182 = tpu.vector_load %arg17[%get3A_180, %get3A_181] {strides = array<i32>} : memref<64x128xf32, #tpu.memory_space<vmem>>, vector<1x16xf32>,
      %get3A_183 = vector.shape_cast %get3A_182 : vector<1x16xf32> to vector<16xf32>
      %get3A_184 = arith.index_cast %add3A_179 : i32 to index
      %get3A_185 = arith.constant 32 : index
      %get3A_186 = tpu.vector_load %arg18[%get3A_184, %get3A_185] {strides = array<i32>} : memref<64x128xf32, #tpu.memory_space<vmem>>, vector<1x16xf32>,
      %get3A_187 = vector.shape_cast %get3A_186 : vector<1x16xf32> to vector<16xf32>
      %add3A_188 = arith.addf %get3A_183, %get3A_187 : vector<16xf32>
      %get3A_189 = arith.index_cast %add3A_179 : i32 to index
      %get3A_190 = arith.constant 32 : index
      %get3A_191 = tpu.vector_load %arg19[%get3A_189, %get3A_190] {strides = array<i32>} : memref<64x128xf32, #tpu.memory_space<vmem>>, vector<1x16xf32>,
      %get3A_192 = vector.shape_cast %get3A_191 : vector<1x16xf32> to vector<16xf32>
      %add3A_193 = arith.addf %add3A_188, %get3A_192 : vector<16xf32>
      %max3A_194 = arith.constant 0.000000e+00 : f32
      %max3A_195 = vector.broadcast %max3A_194 : f32 to vector<16xf32>
      %max3A_196 = arith.maximumf %add3A_193, %max3A_195 : vector<16xf32>
      %swap3A_197 = arith.index_cast %add3A_179 : i32 to index
      %swap3A_198 = arith.constant 32 : index
      %swap3A_199 = tpu.vector_load %arg17[%swap3A_197, %swap3A_198] {strides = array<i32>} : memref<64x128xf32, #tpu.memory_space<vmem>>, vector<1x16xf32>,
      %swap3A_200 = vector.shape_cast %swap3A_199 : vector<1x16xf32> to vector<16xf32>
      %swap3A_201 = vector.shape_cast %max3A_196 : vector<16xf32> to vector<1x16xf32>
      tpu.vector_store %arg17[%swap3A_197, %swap3A_198], %swap3A_201 {strides = array<i32>} : memref<64x128xf32, #tpu.memory_space<vmem>>, vector<1x16xf32>,
      %mul3A_202 = arith.constant 2 : i32
      %mul3A_203 = arith.muli %mul3A_202, %scan3A_126 : i32
      %add3A_204 = arith.constant 0 : i32
      %add3A_205 = arith.addi %mul3A_203, %add3A_204 : i32
      %get3A_206 = arith.index_cast %add3A_205 : i32 to index
      %get3A_207 = arith.constant 48 : index
      %get3A_208 = tpu.vector_load %arg17[%get3A_206, %get3A_207] {strides = array<i32>} : memref<64x128xf32, #tpu.memory_space<vmem>>, vector<1x16xf32>,
      %get3A_209 = vector.shape_cast %get3A_208 : vector<1x16xf32> to vector<16xf32>
      %get3A_210 = arith.index_cast %add3A_205 : i32 to index
      %get3A_211 = arith.constant 48 : index
      %get3A_212 = tpu.vector_load %arg18[%get3A_210, %get3A_211] {strides = array<i32>} : memref<64x128xf32, #tpu.memory_space<vmem>>, vector<1x16xf32>,
      %get3A_213 = vector.shape_cast %get3A_212 : vector<1x16xf32> to vector<16xf32>
      %add3A_214 = arith.addf %get3A_209, %get3A_213 : vector<16xf32>
      %get3A_215 = arith.index_cast %add3A_205 : i32 to index
      %get3A_216 = arith.constant 48 : index
      %get3A_217 = tpu.vector_load %arg19[%get3A_215, %get3A_216] {strides = array<i32>} : memref<64x128xf32, #tpu.memory_space<vmem>>, vector<1x16xf32>,
      %get3A_218 = vector.shape_cast %get3A_217 : vector<1x16xf32> to vector<16xf32>
      %add3A_219 = arith.addf %add3A_214, %get3A_218 : vector<16xf32>
      %max3A_220 = arith.constant 0.000000e+00 : f32
      %max3A_221 = vector.broadcast %max3A_220 : f32 to vector<16xf32>
      %max3A_222 = arith.maximumf %add3A_219, %max3A_221 : vector<16xf32>
      %swap3A_223 = arith.index_cast %add3A_205 : i32 to index
      %swap3A_224 = arith.constant 48 : index
      %swap3A_225 = tpu.vector_load %arg17[%swap3A_223, %swap3A_224] {strides = array<i32>} : memref<64x128xf32, #tpu.memory_space<vmem>>, vector<1x16xf32>,
      %swap3A_226 = vector.shape_cast %swap3A_225 : vector<1x16xf32> to vector<16xf32>
      %swap3A_227 = vector.shape_cast %max3A_222 : vector<16xf32> to vector<1x16xf32>
      tpu.vector_store %arg17[%swap3A_223, %swap3A_224], %swap3A_227 {strides = array<i32>} : memref<64x128xf32, #tpu.memory_space<vmem>>, vector<1x16xf32>,
      %mul3A_228 = arith.constant 2 : i32
      %mul3A_229 = arith.muli %mul3A_228, %scan3A_126 : i32
      %add3A_230 = arith.constant 0 : i32
      %add3A_231 = arith.addi %mul3A_229, %add3A_230 : i32
      %get3A_232 = arith.index_cast %add3A_231 : i32 to index
      %get3A_233 = arith.constant 64 : index
      %get3A_234 = tpu.vector_load %arg17[%get3A_232, %get3A_233] {strides = array<i32>} : memref<64x128xf32, #tpu.memory_space<vmem>>, vector<1x16xf32>,
      %get3A_235 = vector.shape_cast %get3A_234 : vector<1x16xf32> to vector<16xf32>
      %get3A_236 = arith.index_cast %add3A_231 : i32 to index
      %get3A_237 = arith.constant 64 : index
      %get3A_238 = tpu.vector_load %arg18[%get3A_236, %get3A_237] {strides = array<i32>} : memref<64x128xf32, #tpu.memory_space<vmem>>, vector<1x16xf32>,
      %get3A_239 = vector.shape_cast %get3A_238 : vector<1x16xf32> to vector<16xf32>
      %add3A_240 = arith.addf %get3A_235, %get3A_239 : vector<16xf32>
      %get3A_241 = arith.index_cast %add3A_231 : i32 to index
      %get3A_242 = arith.constant 64 : index
      %get3A_243 = tpu.vector_load %arg19[%get3A_241, %get3A_242] {strides = array<i32>} : memref<64x128xf32, #tpu.memory_space<vmem>>, vector<1x16xf32>,
      %get3A_244 = vector.shape_cast %get3A_243 : vector<1x16xf32> to vector<16xf32>
      %add3A_245 = arith.addf %add3A_240, %get3A_244 : vector<16xf32>
      %max3A_246 = arith.constant 0.000000e+00 : f32
      %max3A_247 = vector.broadcast %max3A_246 : f32 to vector<16xf32>
      %max3A_248 = arith.maximumf %add3A_245, %max3A_247 : vector<16xf32>
      %swap3A_249 = arith.index_cast %add3A_231 : i32 to index
      %swap3A_250 = arith.constant 64 : index
      %swap3A_251 = tpu.vector_load %arg17[%swap3A_249, %swap3A_250] {strides = array<i32>} : memref<64x128xf32, #tpu.memory_space<vmem>>, vector<1x16xf32>,
      %swap3A_252 = vector.shape_cast %swap3A_251 : vector<1x16xf32> to vector<16xf32>
      %swap3A_253 = vector.shape_cast %max3A_248 : vector<16xf32> to vector<1x16xf32>
      tpu.vector_store %arg17[%swap3A_249, %swap3A_250], %swap3A_253 {strides = array<i32>} : memref<64x128xf32, #tpu.memory_space<vmem>>, vector<1x16xf32>,
      %mul3A_254 = arith.constant 2 : i32
      %mul3A_255 = arith.muli %mul3A_254, %scan3A_126 : i32
      %add3A_256 = arith.constant 0 : i32
      %add3A_257 = arith.addi %mul3A_255, %add3A_256 : i32
      %get3A_258 = arith.index_cast %add3A_257 : i32 to index
      %get3A_259 = arith.constant 80 : index
      %get3A_260 = tpu.vector_load %arg17[%get3A_258, %get3A_259] {strides = array<i32>} : memref<64x128xf32, #tpu.memory_space<vmem>>, vector<1x16xf32>,
      %get3A_261 = vector.shape_cast %get3A_260 : vector<1x16xf32> to vector<16xf32>
      %get3A_262 = arith.index_cast %add3A_257 : i32 to index
      %get3A_263 = arith.constant 80 : index
      %get3A_264 = tpu.vector_load %arg18[%get3A_262, %get3A_263] {strides = array<i32>} : memref<64x128xf32, #tpu.memory_space<vmem>>, vector<1x16xf32>,
      %get3A_265 = vector.shape_cast %get3A_264 : vector<1x16xf32> to vector<16xf32>
      %add3A_266 = arith.addf %get3A_261, %get3A_265 : vector<16xf32>
      %get3A_267 = arith.index_cast %add3A_257 : i32 to index
      %get3A_268 = arith.constant 80 : index
      %get3A_269 = tpu.vector_load %arg19[%get3A_267, %get3A_268] {strides = array<i32>} : memref<64x128xf32, #tpu.memory_space<vmem>>, vector<1x16xf32>,
      %get3A_270 = vector.shape_cast %get3A_269 : vector<1x16xf32> to vector<16xf32>
      %add3A_271 = arith.addf %add3A_266, %get3A_270 : vector<16xf32>
      %max3A_272 = arith.constant 0.000000e+00 : f32
      %max3A_273 = vector.broadcast %max3A_272 : f32 to vector<16xf32>
      %max3A_274 = arith.maximumf %add3A_271, %max3A_273 : vector<16xf32>
      %swap3A_275 = arith.index_cast %add3A_257 : i32 to index
      %swap3A_276 = arith.constant 80 : index
      %swap3A_277 = tpu.vector_load %arg17[%swap3A_275, %swap3A_276] {strides = array<i32>} : memref<64x128xf32, #tpu.memory_space<vmem>>, vector<1x16xf32>,
      %swap3A_278 = vector.shape_cast %swap3A_277 : vector<1x16xf32> to vector<16xf32>
      %swap3A_279 = vector.shape_cast %max3A_274 : vector<16xf32> to vector<1x16xf32>
      tpu.vector_store %arg17[%swap3A_275, %swap3A_276], %swap3A_279 {strides = array<i32>} : memref<64x128xf32, #tpu.memory_space<vmem>>, vector<1x16xf32>,
      %mul3A_280 = arith.constant 2 : i32
      %mul3A_281 = arith.muli %mul3A_280, %scan3A_126 : i32
      %add3A_282 = arith.constant 0 : i32
      %add3A_283 = arith.addi %mul3A_281, %add3A_282 : i32
      %get3A_284 = arith.index_cast %add3A_283 : i32 to index
      %get3A_285 = arith.constant 96 : index
      %get3A_286 = tpu.vector_load %arg17[%get3A_284, %get3A_285] {strides = array<i32>} : memref<64x128xf32, #tpu.memory_space<vmem>>, vector<1x16xf32>,
      %get3A_287 = vector.shape_cast %get3A_286 : vector<1x16xf32> to vector<16xf32>
      %get3A_288 = arith.index_cast %add3A_283 : i32 to index
      %get3A_289 = arith.constant 96 : index
      %get3A_290 = tpu.vector_load %arg18[%get3A_288, %get3A_289] {strides = array<i32>} : memref<64x128xf32, #tpu.memory_space<vmem>>, vector<1x16xf32>,
      %get3A_291 = vector.shape_cast %get3A_290 : vector<1x16xf32> to vector<16xf32>
      %add3A_292 = arith.addf %get3A_287, %get3A_291 : vector<16xf32>
      %get3A_293 = arith.index_cast %add3A_283 : i32 to index
      %get3A_294 = arith.constant 96 : index
      %get3A_295 = tpu.vector_load %arg19[%get3A_293, %get3A_294] {strides = array<i32>} : memref<64x128xf32, #tpu.memory_space<vmem>>, vector<1x16xf32>,
      %get3A_296 = vector.shape_cast %get3A_295 : vector<1x16xf32> to vector<16xf32>
      %add3A_297 = arith.addf %add3A_292, %get3A_296 : vector<16xf32>
      %max3A_298 = arith.constant 0.000000e+00 : f32
      %max3A_299 = vector.broadcast %max3A_298 : f32 to vector<16xf32>
      %max3A_300 = arith.maximumf %add3A_297, %max3A_299 : vector<16xf32>
      %swap3A_301 = arith.index_cast %add3A_283 : i32 to index
      %swap3A_302 = arith.constant 96 : index
      %swap3A_303 = tpu.vector_load %arg17[%swap3A_301, %swap3A_302] {strides = array<i32>} : memref<64x128xf32, #tpu.memory_space<vmem>>, vector<1x16xf32>,
      %swap3A_304 = vector.shape_cast %swap3A_303 : vector<1x16xf32> to vector<16xf32>
      %swap3A_305 = vector.shape_cast %max3A_300 : vector<16xf32> to vector<1x16xf32>
      tpu.vector_store %arg17[%swap3A_301, %swap3A_302], %swap3A_305 {strides = array<i32>} : memref<64x128xf32, #tpu.memory_space<vmem>>, vector<1x16xf32>,
      %mul3A_306 = arith.constant 2 : i32
      %mul3A_307 = arith.muli %mul3A_306, %scan3A_126 : i32
      %add3A_308 = arith.constant 0 : i32
      %add3A_309 = arith.addi %mul3A_307, %add3A_308 : i32
      %get3A_310 = arith.index_cast %add3A_309 : i32 to index
      %get3A_311 = arith.constant 112 : index
      %get3A_312 = tpu.vector_load %arg17[%get3A_310, %get3A_311] {strides = array<i32>} : memref<64x128xf32, #tpu.memory_space<vmem>>, vector<1x16xf32>,
      %get3A_313 = vector.shape_cast %get3A_312 : vector<1x16xf32> to vector<16xf32>
      %get3A_314 = arith.index_cast %add3A_309 : i32 to index
      %get3A_315 = arith.constant 112 : index
      %get3A_316 = tpu.vector_load %arg18[%get3A_314, %get3A_315] {strides = array<i32>} : memref<64x128xf32, #tpu.memory_space<vmem>>, vector<1x16xf32>,
      %get3A_317 = vector.shape_cast %get3A_316 : vector<1x16xf32> to vector<16xf32>
      %add3A_318 = arith.addf %get3A_313, %get3A_317 : vector<16xf32>
      %get3A_319 = arith.index_cast %add3A_309 : i32 to index
      %get3A_320 = arith.constant 112 : index
      %get3A_321 = tpu.vector_load %arg19[%get3A_319, %get3A_320] {strides = array<i32>} : memref<64x128xf32, #tpu.memory_space<vmem>>, vector<1x16xf32>,
      %get3A_322 = vector.shape_cast %get3A_321 : vector<1x16xf32> to vector<16xf32>
      %add3A_323 = arith.addf %add3A_318, %get3A_322 : vector<16xf32>
      %max3A_324 = arith.constant 0.000000e+00 : f32
      %max3A_325 = vector.broadcast %max3A_324 : f32 to vector<16xf32>
      %max3A_326 = arith.maximumf %add3A_323, %max3A_325 : vector<16xf32>
      %swap3A_327 = arith.index_cast %add3A_309 : i32 to index
      %swap3A_328 = arith.constant 112 : index
      %swap3A_329 = tpu.vector_load %arg17[%swap3A_327, %swap3A_328] {strides = array<i32>} : memref<64x128xf32, #tpu.memory_space<vmem>>, vector<1x16xf32>,
      %swap3A_330 = vector.shape_cast %swap3A_329 : vector<1x16xf32> to vector<16xf32>
      %swap3A_331 = vector.shape_cast %max3A_326 : vector<16xf32> to vector<1x16xf32>
      tpu.vector_store %arg17[%swap3A_327, %swap3A_328], %swap3A_331 {strides = array<i32>} : memref<64x128xf32, #tpu.memory_space<vmem>>, vector<1x16xf32>,
      %mul3A_332 = arith.constant 2 : i32
      %mul3A_333 = arith.muli %mul3A_332, %scan3A_126 : i32
      %add3A_334 = arith.constant 1 : i32
      %add3A_335 = arith.addi %mul3A_333, %add3A_334 : i32
      %get3A_336 = arith.index_cast %add3A_335 : i32 to index
      %get3A_337 = arith.constant 0 : index
      %get3A_338 = tpu.vector_load %arg17[%get3A_336, %get3A_337] {strides = array<i32>} : memref<64x128xf32, #tpu.memory_space<vmem>>, vector<1x16xf32>,
      %get3A_339 = vector.shape_cast %get3A_338 : vector<1x16xf32> to vector<16xf32>
      %get3A_340 = arith.index_cast %add3A_335 : i32 to index
      %get3A_341 = arith.constant 0 : index
      %get3A_342 = tpu.vector_load %arg18[%get3A_340, %get3A_341] {strides = array<i32>} : memref<64x128xf32, #tpu.memory_space<vmem>>, vector<1x16xf32>,
      %get3A_343 = vector.shape_cast %get3A_342 : vector<1x16xf32> to vector<16xf32>
      %add3A_344 = arith.addf %get3A_339, %get3A_343 : vector<16xf32>
      %get3A_345 = arith.index_cast %add3A_335 : i32 to index
      %get3A_346 = arith.constant 0 : index
      %get3A_347 = tpu.vector_load %arg19[%get3A_345, %get3A_346] {strides = array<i32>} : memref<64x128xf32, #tpu.memory_space<vmem>>, vector<1x16xf32>,
      %get3A_348 = vector.shape_cast %get3A_347 : vector<1x16xf32> to vector<16xf32>
      %add3A_349 = arith.addf %add3A_344, %get3A_348 : vector<16xf32>
      %max3A_350 = arith.constant 0.000000e+00 : f32
      %max3A_351 = vector.broadcast %max3A_350 : f32 to vector<16xf32>
      %max3A_352 = arith.maximumf %add3A_349, %max3A_351 : vector<16xf32>
      %swap3A_353 = arith.index_cast %add3A_335 : i32 to index
      %swap3A_354 = arith.constant 0 : index
      %swap3A_355 = tpu.vector_load %arg17[%swap3A_353, %swap3A_354] {strides = array<i32>} : memref<64x128xf32, #tpu.memory_space<vmem>>, vector<1x16xf32>,
      %swap3A_356 = vector.shape_cast %swap3A_355 : vector<1x16xf32> to vector<16xf32>
      %swap3A_357 = vector.shape_cast %max3A_352 : vector<16xf32> to vector<1x16xf32>
      tpu.vector_store %arg17[%swap3A_353, %swap3A_354], %swap3A_357 {strides = array<i32>} : memref<64x128xf32, #tpu.memory_space<vmem>>, vector<1x16xf32>,
      %mul3A_358 = arith.constant 2 : i32
      %mul3A_359 = arith.muli %mul3A_358, %scan3A_126 : i32
      %add3A_360 = arith.constant 1 : i32
      %add3A_361 = arith.addi %mul3A_359, %add3A_360 : i32
      %get3A_362 = arith.index_cast %add3A_361 : i32 to index
      %get3A_363 = arith.constant 16 : index
      %get3A_364 = tpu.vector_load %arg17[%get3A_362, %get3A_363] {strides = array<i32>} : memref<64x128xf32, #tpu.memory_space<vmem>>, vector<1x16xf32>,
      %get3A_365 = vector.shape_cast %get3A_364 : vector<1x16xf32> to vector<16xf32>
      %get3A_366 = arith.index_cast %add3A_361 : i32 to index
      %get3A_367 = arith.constant 16 : index
      %get3A_368 = tpu.vector_load %arg18[%get3A_366, %get3A_367] {strides = array<i32>} : memref<64x128xf32, #tpu.memory_space<vmem>>, vector<1x16xf32>,
      %get3A_369 = vector.shape_cast %get3A_368 : vector<1x16xf32> to vector<16xf32>
      %add3A_370 = arith.addf %get3A_365, %get3A_369 : vector<16xf32>
      %get3A_371 = arith.index_cast %add3A_361 : i32 to index
      %get3A_372 = arith.constant 16 : index
      %get3A_373 = tpu.vector_load %arg19[%get3A_371, %get3A_372] {strides = array<i32>} : memref<64x128xf32, #tpu.memory_space<vmem>>, vector<1x16xf32>,
      %get3A_374 = vector.shape_cast %get3A_373 : vector<1x16xf32> to vector<16xf32>
      %add3A_375 = arith.addf %add3A_370, %get3A_374 : vector<16xf32>
      %max3A_376 = arith.constant 0.000000e+00 : f32
      %max3A_377 = vector.broadcast %max3A_376 : f32 to vector<16xf32>
      %max3A_378 = arith.maximumf %add3A_375, %max3A_377 : vector<16xf32>
      %swap3A_379 = arith.index_cast %add3A_361 : i32 to index
      %swap3A_380 = arith.constant 16 : index
      %swap3A_381 = tpu.vector_load %arg17[%swap3A_379, %swap3A_380] {strides = array<i32>} : memref<64x128xf32, #tpu.memory_space<vmem>>, vector<1x16xf32>,
      %swap3A_382 = vector.shape_cast %swap3A_381 : vector<1x16xf32> to vector<16xf32>
      %swap3A_383 = vector.shape_cast %max3A_378 : vector<16xf32> to vector<1x16xf32>
      tpu.vector_store %arg17[%swap3A_379, %swap3A_380], %swap3A_383 {strides = array<i32>} : memref<64x128xf32, #tpu.memory_space<vmem>>, vector<1x16xf32>,
      %mul3A_384 = arith.constant 2 : i32
      %mul3A_385 = arith.muli %mul3A_384, %scan3A_126 : i32
      %add3A_386 = arith.constant 1 : i32
      %add3A_387 = arith.addi %mul3A_385, %add3A_386 : i32
      %get3A_388 = arith.index_cast %add3A_387 : i32 to index
      %get3A_389 = arith.constant 32 : index
      %get3A_390 = tpu.vector_load %arg17[%get3A_388, %get3A_389] {strides = array<i32>} : memref<64x128xf32, #tpu.memory_space<vmem>>, vector<1x16xf32>,
      %get3A_391 = vector.shape_cast %get3A_390 : vector<1x16xf32> to vector<16xf32>
      %get3A_392 = arith.index_cast %add3A_387 : i32 to index
      %get3A_393 = arith.constant 32 : index
      %get3A_394 = tpu.vector_load %arg18[%get3A_392, %get3A_393] {strides = array<i32>} : memref<64x128xf32, #tpu.memory_space<vmem>>, vector<1x16xf32>,
      %get3A_395 = vector.shape_cast %get3A_394 : vector<1x16xf32> to vector<16xf32>
      %add3A_396 = arith.addf %get3A_391, %get3A_395 : vector<16xf32>
      %get3A_397 = arith.index_cast %add3A_387 : i32 to index
      %get3A_398 = arith.constant 32 : index
      %get3A_399 = tpu.vector_load %arg19[%get3A_397, %get3A_398] {strides = array<i32>} : memref<64x128xf32, #tpu.memory_space<vmem>>, vector<1x16xf32>,
      %get3A_400 = vector.shape_cast %get3A_399 : vector<1x16xf32> to vector<16xf32>
      %add3A_401 = arith.addf %add3A_396, %get3A_400 : vector<16xf32>
      %max3A_402 = arith.constant 0.000000e+00 : f32
      %max3A_403 = vector.broadcast %max3A_402 : f32 to vector<16xf32>
      %max3A_404 = arith.maximumf %add3A_401, %max3A_403 : vector<16xf32>
      %swap3A_405 = arith.index_cast %add3A_387 : i32 to index
      %swap3A_406 = arith.constant 32 : index
      %swap3A_407 = tpu.vector_load %arg17[%swap3A_405, %swap3A_406] {strides = array<i32>} : memref<64x128xf32, #tpu.memory_space<vmem>>, vector<1x16xf32>,
      %swap3A_408 = vector.shape_cast %swap3A_407 : vector<1x16xf32> to vector<16xf32>
      %swap3A_409 = vector.shape_cast %max3A_404 : vector<16xf32> to vector<1x16xf32>
      tpu.vector_store %arg17[%swap3A_405, %swap3A_406], %swap3A_409 {strides = array<i32>} : memref<64x128xf32, #tpu.memory_space<vmem>>, vector<1x16xf32>,
      %mul3A_410 = arith.constant 2 : i32
      %mul3A_411 = arith.muli %mul3A_410, %scan3A_126 : i32
      %add3A_412 = arith.constant 1 : i32
      %add3A_413 = arith.addi %mul3A_411, %add3A_412 : i32
      %get3A_414 = arith.index_cast %add3A_413 : i32 to index
      %get3A_415 = arith.constant 48 : index
      %get3A_416 = tpu.vector_load %arg17[%get3A_414, %get3A_415] {strides = array<i32>} : memref<64x128xf32, #tpu.memory_space<vmem>>, vector<1x16xf32>,
      %get3A_417 = vector.shape_cast %get3A_416 : vector<1x16xf32> to vector<16xf32>
      %get3A_418 = arith.index_cast %add3A_413 : i32 to index
      %get3A_419 = arith.constant 48 : index
      %get3A_420 = tpu.vector_load %arg18[%get3A_418, %get3A_419] {strides = array<i32>} : memref<64x128xf32, #tpu.memory_space<vmem>>, vector<1x16xf32>,
      %get3A_421 = vector.shape_cast %get3A_420 : vector<1x16xf32> to vector<16xf32>
      %add3A_422 = arith.addf %get3A_417, %get3A_421 : vector<16xf32>
      %get3A_423 = arith.index_cast %add3A_413 : i32 to index
      %get3A_424 = arith.constant 48 : index
      %get3A_425 = tpu.vector_load %arg19[%get3A_423, %get3A_424] {strides = array<i32>} : memref<64x128xf32, #tpu.memory_space<vmem>>, vector<1x16xf32>,
      %get3A_426 = vector.shape_cast %get3A_425 : vector<1x16xf32> to vector<16xf32>
      %add3A_427 = arith.addf %add3A_422, %get3A_426 : vector<16xf32>
      %max3A_428 = arith.constant 0.000000e+00 : f32
      %max3A_429 = vector.broadcast %max3A_428 : f32 to vector<16xf32>
      %max3A_430 = arith.maximumf %add3A_427, %max3A_429 : vector<16xf32>
      %swap3A_431 = arith.index_cast %add3A_413 : i32 to index
      %swap3A_432 = arith.constant 48 : index
      %swap3A_433 = tpu.vector_load %arg17[%swap3A_431, %swap3A_432] {strides = array<i32>} : memref<64x128xf32, #tpu.memory_space<vmem>>, vector<1x16xf32>,
      %swap3A_434 = vector.shape_cast %swap3A_433 : vector<1x16xf32> to vector<16xf32>
      %swap3A_435 = vector.shape_cast %max3A_430 : vector<16xf32> to vector<1x16xf32>
      tpu.vector_store %arg17[%swap3A_431, %swap3A_432], %swap3A_435 {strides = array<i32>} : memref<64x128xf32, #tpu.memory_space<vmem>>, vector<1x16xf32>,
      %mul3A_436 = arith.constant 2 : i32
      %mul3A_437 = arith.muli %mul3A_436, %scan3A_126 : i32
      %add3A_438 = arith.constant 1 : i32
      %add3A_439 = arith.addi %mul3A_437, %add3A_438 : i32
      %get3A_440 = arith.index_cast %add3A_439 : i32 to index
      %get3A_441 = arith.constant 64 : index
      %get3A_442 = tpu.vector_load %arg17[%get3A_440, %get3A_441] {strides = array<i32>} : memref<64x128xf32, #tpu.memory_space<vmem>>, vector<1x16xf32>,
      %get3A_443 = vector.shape_cast %get3A_442 : vector<1x16xf32> to vector<16xf32>
      %get3A_444 = arith.index_cast %add3A_439 : i32 to index
      %get3A_445 = arith.constant 64 : index
      %get3A_446 = tpu.vector_load %arg18[%get3A_444, %get3A_445] {strides = array<i32>} : memref<64x128xf32, #tpu.memory_space<vmem>>, vector<1x16xf32>,
      %get3A_447 = vector.shape_cast %get3A_446 : vector<1x16xf32> to vector<16xf32>
      %add3A_448 = arith.addf %get3A_443, %get3A_447 : vector<16xf32>
      %get3A_449 = arith.index_cast %add3A_439 : i32 to index
      %get3A_450 = arith.constant 64 : index
      %get3A_451 = tpu.vector_load %arg19[%get3A_449, %get3A_450] {strides = array<i32>} : memref<64x128xf32, #tpu.memory_space<vmem>>, vector<1x16xf32>,
      %get3A_452 = vector.shape_cast %get3A_451 : vector<1x16xf32> to vector<16xf32>
      %add3A_453 = arith.addf %add3A_448, %get3A_452 : vector<16xf32>
      %max3A_454 = arith.constant 0.000000e+00 : f32
      %max3A_455 = vector.broadcast %max3A_454 : f32 to vector<16xf32>
      %max3A_456 = arith.maximumf %add3A_453, %max3A_455 : vector<16xf32>
      %swap3A_457 = arith.index_cast %add3A_439 : i32 to index
      %swap3A_458 = arith.constant 64 : index
      %swap3A_459 = tpu.vector_load %arg17[%swap3A_457, %swap3A_458] {strides = array<i32>} : memref<64x128xf32, #tpu.memory_space<vmem>>, vector<1x16xf32>,
      %swap3A_460 = vector.shape_cast %swap3A_459 : vector<1x16xf32> to vector<16xf32>
      %swap3A_461 = vector.shape_cast %max3A_456 : vector<16xf32> to vector<1x16xf32>
      tpu.vector_store %arg17[%swap3A_457, %swap3A_458], %swap3A_461 {strides = array<i32>} : memref<64x128xf32, #tpu.memory_space<vmem>>, vector<1x16xf32>,
      %mul3A_462 = arith.constant 2 : i32
      %mul3A_463 = arith.muli %mul3A_462, %scan3A_126 : i32
      %add3A_464 = arith.constant 1 : i32
      %add3A_465 = arith.addi %mul3A_463, %add3A_464 : i32
      %get3A_466 = arith.index_cast %add3A_465 : i32 to index
      %get3A_467 = arith.constant 80 : index
      %get3A_468 = tpu.vector_load %arg17[%get3A_466, %get3A_467] {strides = array<i32>} : memref<64x128xf32, #tpu.memory_space<vmem>>, vector<1x16xf32>,
      %get3A_469 = vector.shape_cast %get3A_468 : vector<1x16xf32> to vector<16xf32>
      %get3A_470 = arith.index_cast %add3A_465 : i32 to index
      %get3A_471 = arith.constant 80 : index
      %get3A_472 = tpu.vector_load %arg18[%get3A_470, %get3A_471] {strides = array<i32>} : memref<64x128xf32, #tpu.memory_space<vmem>>, vector<1x16xf32>,
      %get3A_473 = vector.shape_cast %get3A_472 : vector<1x16xf32> to vector<16xf32>
      %add3A_474 = arith.addf %get3A_469, %get3A_473 : vector<16xf32>
      %get3A_475 = arith.index_cast %add3A_465 : i32 to index
      %get3A_476 = arith.constant 80 : index
      %get3A_477 = tpu.vector_load %arg19[%get3A_475, %get3A_476] {strides = array<i32>} : memref<64x128xf32, #tpu.memory_space<vmem>>, vector<1x16xf32>,
      %get3A_478 = vector.shape_cast %get3A_477 : vector<1x16xf32> to vector<16xf32>
      %add3A_479 = arith.addf %add3A_474, %get3A_478 : vector<16xf32>
      %max3A_480 = arith.constant 0.000000e+00 : f32
      %max3A_481 = vector.broadcast %max3A_480 : f32 to vector<16xf32>
      %max3A_482 = arith.maximumf %add3A_479, %max3A_481 : vector<16xf32>
      %swap3A_483 = arith.index_cast %add3A_465 : i32 to index
      %swap3A_484 = arith.constant 80 : index
      %swap3A_485 = tpu.vector_load %arg17[%swap3A_483, %swap3A_484] {strides = array<i32>} : memref<64x128xf32, #tpu.memory_space<vmem>>, vector<1x16xf32>,
      %swap3A_486 = vector.shape_cast %swap3A_485 : vector<1x16xf32> to vector<16xf32>
      %swap3A_487 = vector.shape_cast %max3A_482 : vector<16xf32> to vector<1x16xf32>
      tpu.vector_store %arg17[%swap3A_483, %swap3A_484], %swap3A_487 {strides = array<i32>} : memref<64x128xf32, #tpu.memory_space<vmem>>, vector<1x16xf32>,
      %mul3A_488 = arith.constant 2 : i32
      %mul3A_489 = arith.muli %mul3A_488, %scan3A_126 : i32
      %add3A_490 = arith.constant 1 : i32
      %add3A_491 = arith.addi %mul3A_489, %add3A_490 : i32
      %get3A_492 = arith.index_cast %add3A_491 : i32 to index
      %get3A_493 = arith.constant 96 : index
      %get3A_494 = tpu.vector_load %arg17[%get3A_492, %get3A_493] {strides = array<i32>} : memref<64x128xf32, #tpu.memory_space<vmem>>, vector<1x16xf32>,
      %get3A_495 = vector.shape_cast %get3A_494 : vector<1x16xf32> to vector<16xf32>
      %get3A_496 = arith.index_cast %add3A_491 : i32 to index
      %get3A_497 = arith.constant 96 : index
      %get3A_498 = tpu.vector_load %arg18[%get3A_496, %get3A_497] {strides = array<i32>} : memref<64x128xf32, #tpu.memory_space<vmem>>, vector<1x16xf32>,
      %get3A_499 = vector.shape_cast %get3A_498 : vector<1x16xf32> to vector<16xf32>
      %add3A_500 = arith.addf %get3A_495, %get3A_499 : vector<16xf32>
      %get3A_501 = arith.index_cast %add3A_491 : i32 to index
      %get3A_502 = arith.constant 96 : index
      %get3A_503 = tpu.vector_load %arg19[%get3A_501, %get3A_502] {strides = array<i32>} : memref<64x128xf32, #tpu.memory_space<vmem>>, vector<1x16xf32>,
      %get3A_504 = vector.shape_cast %get3A_503 : vector<1x16xf32> to vector<16xf32>
      %add3A_505 = arith.addf %add3A_500, %get3A_504 : vector<16xf32>
      %max3A_506 = arith.constant 0.000000e+00 : f32
      %max3A_507 = vector.broadcast %max3A_506 : f32 to vector<16xf32>
      %max3A_508 = arith.maximumf %add3A_505, %max3A_507 : vector<16xf32>
      %swap3A_509 = arith.index_cast %add3A_491 : i32 to index
      %swap3A_510 = arith.constant 96 : index
      %swap3A_511 = tpu.vector_load %arg17[%swap3A_509, %swap3A_510] {strides = array<i32>} : memref<64x128xf32, #tpu.memory_space<vmem>>, vector<1x16xf32>,
      %swap3A_512 = vector.shape_cast %swap3A_511 : vector<1x16xf32> to vector<16xf32>
      %swap3A_513 = vector.shape_cast %max3A_508 : vector<16xf32> to vector<1x16xf32>
      tpu.vector_store %arg17[%swap3A_509, %swap3A_510], %swap3A_513 {strides = array<i32>} : memref<64x128xf32, #tpu.memory_space<vmem>>, vector<1x16xf32>,
      %mul3A_514 = arith.constant 2 : i32
      %mul3A_515 = arith.muli %mul3A_514, %scan3A_126 : i32
      %add3A_516 = arith.constant 1 : i32
      %add3A_517 = arith.addi %mul3A_515, %add3A_516 : i32
      %get3A_518 = arith.index_cast %add3A_517 : i32 to index
      %get3A_519 = arith.constant 112 : index
      %get3A_520 = tpu.vector_load %arg17[%get3A_518, %get3A_519] {strides = array<i32>} : memref<64x128xf32, #tpu.memory_space<vmem>>, vector<1x16xf32>,
      %get3A_521 = vector.shape_cast %get3A_520 : vector<1x16xf32> to vector<16xf32>
      %get3A_522 = arith.index_cast %add3A_517 : i32 to index
      %get3A_523 = arith.constant 112 : index
      %get3A_524 = tpu.vector_load %arg18[%get3A_522, %get3A_523] {strides = array<i32>} : memref<64x128xf32, #tpu.memory_space<vmem>>, vector<1x16xf32>,
      %get3A_525 = vector.shape_cast %get3A_524 : vector<1x16xf32> to vector<16xf32>
      %add3A_526 = arith.addf %get3A_521, %get3A_525 : vector<16xf32>
      %get3A_527 = arith.index_cast %add3A_517 : i32 to index
      %get3A_528 = arith.constant 112 : index
      %get3A_529 = tpu.vector_load %arg19[%get3A_527, %get3A_528] {strides = array<i32>} : memref<64x128xf32, #tpu.memory_space<vmem>>, vector<1x16xf32>,
      %get3A_530 = vector.shape_cast %get3A_529 : vector<1x16xf32> to vector<16xf32>
      %add3A_531 = arith.addf %add3A_526, %get3A_530 : vector<16xf32>
      %max3A_532 = arith.constant 0.000000e+00 : f32
      %max3A_533 = vector.broadcast %max3A_532 : f32 to vector<16xf32>
      %max3A_534 = arith.maximumf %add3A_531, %max3A_533 : vector<16xf32>
      %swap3A_535 = arith.index_cast %add3A_517 : i32 to index
      %swap3A_536 = arith.constant 112 : index
      %swap3A_537 = tpu.vector_load %arg17[%swap3A_535, %swap3A_536] {strides = array<i32>} : memref<64x128xf32, #tpu.memory_space<vmem>>, vector<1x16xf32>,
      %swap3A_538 = vector.shape_cast %swap3A_537 : vector<1x16xf32> to vector<16xf32>
      %swap3A_539 = vector.shape_cast %max3A_534 : vector<16xf32> to vector<1x16xf32>
      tpu.vector_store %arg17[%swap3A_535, %swap3A_536], %swap3A_539 {strides = array<i32>} : memref<64x128xf32, #tpu.memory_space<vmem>>, vector<1x16xf32>,
    }
    %scan3A_109 = arith.constant 8 : i32
    "tpu.region"() ({
      %run_scoped3A = tpu.sem_alloc : memref<!tpu.dma_semaphore, #tpu.memory_space<semaphore_mem>>
      %dma_start3A_126 = arith.constant 0 : i32
      %dma_start3A_127 = arith.constant 0 : i32
      %dma_start3A_128 = tpu.memref_slice %arg17[%dma_start3A_126, %dma_start3A_127] : memref<64x128xf32, #tpu.memory_space<vmem>> -> memref<16x128xf32, #tpu.memory_space<vmem>>
      %dma_start3A_129 = arith.constant 0 : i32
      %dma_start3A_130 = tpu.memref_slice %arg7[%add3A_59, %dma_start3A_129] : memref<320000x128xf32, #tpu.memory_space<hbm>> -> memref<16x128xf32, #tpu.memory_space<hbm>>
      %dma_start3A_131 = arith.constant 0 : i32
      %dma_start3A_132 = tpu.memref_slice %arg7[%add3A_59, %dma_start3A_131] : memref<320000x128xf32, #tpu.memory_space<hbm>> -> memref<16x128xf32, #tpu.memory_space<hbm>>
      %dma_start3A_133 = arith.constant 0 : i32
      %dma_start3A_134 = arith.constant 0 : i32
      %dma_start3A_135 = tpu.memref_slice %arg17[%dma_start3A_133, %dma_start3A_134] : memref<64x128xf32, #tpu.memory_space<vmem>> -> memref<16x128xf32, #tpu.memory_space<vmem>>
      tpu.enqueue_dma source(%dma_start3A_135 : memref<16x128xf32, #tpu.memory_space<vmem>>) target(%dma_start3A_132 : memref<16x128xf32, #tpu.memory_space<hbm>>) target_semaphore(%run_scoped3A : memref<!tpu.dma_semaphore, #tpu.memory_space<semaphore_mem>>)
      %dma_wait3A_136 = arith.constant 0 : i32
      %dma_wait3A_137 = arith.constant 0 : i32
      %dma_wait3A_138 = tpu.memref_slice %arg17[%dma_wait3A_136, %dma_wait3A_137] : memref<64x128xf32, #tpu.memory_space<vmem>> -> memref<16x128xf32, #tpu.memory_space<vmem>>
      %dma_wait3A_139 = arith.constant 0 : i32
      %dma_wait3A_140 = tpu.memref_slice %arg7[%add3A_59, %dma_wait3A_139] : memref<320000x128xf32, #tpu.memory_space<hbm>> -> memref<16x128xf32, #tpu.memory_space<hbm>>
      %dma_wait3A_141 = arith.constant 0 : i32
      %dma_wait3A_142 = tpu.memref_slice %arg7[%add3A_59, %dma_wait3A_141] : memref<320000x128xf32, #tpu.memory_space<hbm>> -> memref<16x128xf32, #tpu.memory_space<hbm>>
      %dma_wait3A_143 = arith.constant 0 : i32
      %dma_wait3A_144 = arith.constant 0 : i32
      %dma_wait3A_145 = tpu.memref_slice %arg17[%dma_wait3A_143, %dma_wait3A_144] : memref<64x128xf32, #tpu.memory_space<vmem>> -> memref<16x128xf32, #tpu.memory_space<vmem>>
      tpu.wait_dma2 semaphore(%run_scoped3A : memref<!tpu.dma_semaphore, #tpu.memory_space<semaphore_mem>>) src(%dma_wait3A_145 : memref<16x128xf32, #tpu.memory_space<vmem>>) dst(%dma_wait3A_142 : memref<16x128xf32, #tpu.memory_space<hbm>>)
      tpu.yield
    }) : () -> ()
    "tpu.region"() ({
      %run_scoped3A = tpu.sem_alloc : memref<!tpu.dma_semaphore, #tpu.memory_space<semaphore_mem>>
      %dma_start3A_126 = arith.constant 0 : i32
      %dma_start3A_127 = arith.constant 0 : i32
      %dma_start3A_128 = tpu.memref_slice %arg17[%dma_start3A_126, %dma_start3A_127] : memref<64x128xf32, #tpu.memory_space<vmem>> -> memref<16x128xf32, #tpu.memory_space<vmem>>
      %dma_start3A_129 = arith.constant 0 : i32
      %dma_start3A_130 = arith.constant 0 : i32
      %dma_start3A_131 = tpu.memref_slice %arg23[%dma_start3A_129, %dma_start3A_130] : memref<10000x128xf32, #tpu.memory_space<vmem_shared>> -> memref<10000x128xf32, #tpu.memory_space<vmem_shared>>
      tpu.enqueue_indirect_dma source(%dma_start3A_128 : memref<16x128xf32, #tpu.memory_space<vmem>>) target(%dma_start3A_131 : memref<10000x128xf32, #tpu.memory_space<vmem_shared>>) offsets(%arg16 : memref<16xi32, #tpu.memory_space<vmem>>) semaphore(%run_scoped3A : memref<!tpu.dma_semaphore, #tpu.memory_space<semaphore_mem>>) {add = true}
      %dma_wait3A_132 = arith.constant 0 : i32
      %dma_wait3A_133 = arith.constant 0 : i32
      %dma_wait3A_134 = tpu.memref_slice %arg17[%dma_wait3A_132, %dma_wait3A_133] : memref<64x128xf32, #tpu.memory_space<vmem>> -> memref<16x128xf32, #tpu.memory_space<vmem>>
      %dma_wait3A_135 = arith.constant 0 : i32
      %dma_wait3A_136 = arith.constant 0 : i32
      %dma_wait3A_137 = tpu.memref_slice %arg23[%dma_wait3A_135, %dma_wait3A_136] : memref<10000x128xf32, #tpu.memory_space<vmem_shared>> -> memref<10000x128xf32, #tpu.memory_space<vmem_shared>>
      tpu.wait_indirect_dma semaphore(%run_scoped3A : memref<!tpu.dma_semaphore, #tpu.memory_space<semaphore_mem>>) src(%dma_wait3A_134 : memref<16x128xf32, #tpu.memory_space<vmem>>) dst(%dma_wait3A_137 : memref<10000x128xf32, #tpu.memory_space<vmem_shared>>)
      tpu.yield
    }) : () -> ()
    %barrier3A_110 = arith.constant 0 : index
    tpu.barrier barrier_id(%barrier3A_110)
    %while3A_111 = arith.constant 0 : i32
    %while3A_112 = arith.constant 0 : i32
    %while3A_113 = arith.subi %select_n3A, %while3A_112 : i32
    %while3A_114 = arith.addi %while3A_112, %while3A_113 : i32
    %while3A_115 = arith.constant 1 : i32
    %while3A_116 = arith.divsi %while3A_113, %while3A_115 : i32
    %while3A_117 = arith.muli %while3A_116, %while3A_115 : i32
    %while3A_118 = arith.addi %while3A_112, %while3A_117 : i32
    %while3A_119 = arith.constant 1 : i32
    scf.for %while3A_126 = %while3A_112 to %while3A_118 step %while3A_119  : i32 {
      %mul3A_127 = arith.constant 16 : i32
      %mul3A_128 = arith.muli %mul3A_127, %while3A_126 : i32
      %add3A_129 = arith.addi %arg1, %mul3A_128 : i32
      %mul3A_130 = arith.constant 64 : i32
      %mul3A_131 = arith.muli %add3A_129, %mul3A_130 : i32
      "tpu.region"() ({
        %run_scoped3A = tpu.sem_alloc : memref<!tpu.dma_semaphore, #tpu.memory_space<semaphore_mem>>
        %dma_start3A_132 = arith.constant 0 : i32
        %dma_start3A_133 = tpu.memref_slice %arg23[%mul3A_131, %dma_start3A_132] : memref<10000x128xf32, #tpu.memory_space<vmem_shared>> -> memref<64x128xf32, #tpu.memory_space<vmem_shared>>
        %dma_start3A_134 = arith.constant 0 : i32
        %dma_start3A_135 = tpu.memref_slice %arg23[%mul3A_131, %dma_start3A_134] : memref<10000x128xf32, #tpu.memory_space<vmem_shared>> -> memref<64x128xf32, #tpu.memory_space<vmem_shared>>
        tpu.enqueue_dma source(%dma_start3A_135 : memref<64x128xf32, #tpu.memory_space<vmem_shared>>) target(%arg17 : memref<64x128xf32, #tpu.memory_space<vmem>>) target_semaphore(%run_scoped3A : memref<!tpu.dma_semaphore, #tpu.memory_space<semaphore_mem>>)
        %dma_wait3A_136 = arith.constant 0 : i32
        %dma_wait3A_137 = tpu.memref_slice %arg23[%mul3A_131, %dma_wait3A_136] : memref<10000x128xf32, #tpu.memory_space<vmem_shared>> -> memref<64x128xf32, #tpu.memory_space<vmem_shared>>
        %dma_wait3A_138 = arith.constant 0 : i32
        %dma_wait3A_139 = tpu.memref_slice %arg23[%mul3A_131, %dma_wait3A_138] : memref<10000x128xf32, #tpu.memory_space<vmem_shared>> -> memref<64x128xf32, #tpu.memory_space<vmem_shared>>
        tpu.wait_dma2 semaphore(%run_scoped3A : memref<!tpu.dma_semaphore, #tpu.memory_space<semaphore_mem>>) src(%dma_wait3A_139 : memref<64x128xf32, #tpu.memory_space<vmem_shared>>) dst(%arg17 : memref<64x128xf32, #tpu.memory_space<vmem>>)
        tpu.yield
      }) : () -> ()
      "tpu.region"() ({
        %run_scoped3A = tpu.sem_alloc : memref<!tpu.dma_semaphore, #tpu.memory_space<semaphore_mem>>
        %dma_start3A_132 = arith.constant 0 : i32
        %dma_start3A_133 = tpu.memref_slice %arg8[%arg0, %mul3A_131, %dma_start3A_132] : memref<2x10000x128xf32, #tpu.memory_space<hbm>> -> memref<1x64x128xf32, #tpu.memory_space<hbm>>
        %dma_start3A_134 = tpu.memref_squeeze %dma_start3A_133 : memref<1x64x128xf32, #tpu.memory_space<hbm>> -> memref<64x128xf32, #tpu.memory_space<hbm>>
        %dma_start3A_135 = arith.constant 0 : i32
        %dma_start3A_136 = tpu.memref_slice %arg8[%arg0, %mul3A_131, %dma_start3A_135] : memref<2x10000x128xf32, #tpu.memory_space<hbm>> -> memref<1x64x128xf32, #tpu.memory_space<hbm>>
        %dma_start3A_137 = tpu.memref_squeeze %dma_start3A_136 : memref<1x64x128xf32, #tpu.memory_space<hbm>> -> memref<64x128xf32, #tpu.memory_space<hbm>>
        tpu.enqueue_dma source(%arg17 : memref<64x128xf32, #tpu.memory_space<vmem>>) target(%dma_start3A_137 : memref<64x128xf32, #tpu.memory_space<hbm>>) target_semaphore(%run_scoped3A : memref<!tpu.dma_semaphore, #tpu.memory_space<semaphore_mem>>)
        %dma_wait3A_138 = arith.constant 0 : i32
        %dma_wait3A_139 = tpu.memref_slice %arg8[%arg0, %mul3A_131, %dma_wait3A_138] : memref<2x10000x128xf32, #tpu.memory_space<hbm>> -> memref<1x64x128xf32, #tpu.memory_space<hbm>>
        %dma_wait3A_140 = tpu.memref_squeeze %dma_wait3A_139 : memref<1x64x128xf32, #tpu.memory_space<hbm>> -> memref<64x128xf32, #tpu.memory_space<hbm>>
        %dma_wait3A_141 = arith.constant 0 : i32
        %dma_wait3A_142 = tpu.memref_slice %arg8[%arg0, %mul3A_131, %dma_wait3A_141] : memref<2x10000x128xf32, #tpu.memory_space<hbm>> -> memref<1x64x128xf32, #tpu.memory_space<hbm>>
        %dma_wait3A_143 = tpu.memref_squeeze %dma_wait3A_142 : memref<1x64x128xf32, #tpu.memory_space<hbm>> -> memref<64x128xf32, #tpu.memory_space<hbm>>
        tpu.wait_dma2 semaphore(%run_scoped3A : memref<!tpu.dma_semaphore, #tpu.memory_space<semaphore_mem>>) src(%arg17 : memref<64x128xf32, #tpu.memory_space<vmem>>) dst(%dma_wait3A_143 : memref<64x128xf32, #tpu.memory_space<hbm>>)
        tpu.yield
      }) : () -> ()
    }
    %while3A_120 = arith.constant 1 : i32
    scf.for %while3A_126 = %while3A_118 to %while3A_114 step %while3A_120  : i32 {
      %mul3A_127 = arith.constant 16 : i32
      %mul3A_128 = arith.muli %mul3A_127, %while3A_126 : i32
      %add3A_129 = arith.addi %arg1, %mul3A_128 : i32
      %mul3A_130 = arith.constant 64 : i32
      %mul3A_131 = arith.muli %add3A_129, %mul3A_130 : i32
      "tpu.region"() ({
        %run_scoped3A = tpu.sem_alloc : memref<!tpu.dma_semaphore, #tpu.memory_space<semaphore_mem>>
        %dma_start3A_132 = arith.constant 0 : i32
        %dma_start3A_133 = tpu.memref_slice %arg23[%mul3A_131, %dma_start3A_132] : memref<10000x128xf32, #tpu.memory_space<vmem_shared>> -> memref<64x128xf32, #tpu.memory_space<vmem_shared>>
        %dma_start3A_134 = arith.constant 0 : i32
        %dma_start3A_135 = tpu.memref_slice %arg23[%mul3A_131, %dma_start3A_134] : memref<10000x128xf32, #tpu.memory_space<vmem_shared>> -> memref<64x128xf32, #tpu.memory_space<vmem_shared>>
        tpu.enqueue_dma source(%dma_start3A_135 : memref<64x128xf32, #tpu.memory_space<vmem_shared>>) target(%arg17 : memref<64x128xf32, #tpu.memory_space<vmem>>) target_semaphore(%run_scoped3A : memref<!tpu.dma_semaphore, #tpu.memory_space<semaphore_mem>>)
        %dma_wait3A_136 = arith.constant 0 : i32
        %dma_wait3A_137 = tpu.memref_slice %arg23[%mul3A_131, %dma_wait3A_136] : memref<10000x128xf32, #tpu.memory_space<vmem_shared>> -> memref<64x128xf32, #tpu.memory_space<vmem_shared>>
        %dma_wait3A_138 = arith.constant 0 : i32
        %dma_wait3A_139 = tpu.memref_slice %arg23[%mul3A_131, %dma_wait3A_138] : memref<10000x128xf32, #tpu.memory_space<vmem_shared>> -> memref<64x128xf32, #tpu.memory_space<vmem_shared>>
        tpu.wait_dma2 semaphore(%run_scoped3A : memref<!tpu.dma_semaphore, #tpu.memory_space<semaphore_mem>>) src(%dma_wait3A_139 : memref<64x128xf32, #tpu.memory_space<vmem_shared>>) dst(%arg17 : memref<64x128xf32, #tpu.memory_space<vmem>>)
        tpu.yield
      }) : () -> ()
      "tpu.region"() ({
        %run_scoped3A = tpu.sem_alloc : memref<!tpu.dma_semaphore, #tpu.memory_space<semaphore_mem>>
        %dma_start3A_132 = arith.constant 0 : i32
        %dma_start3A_133 = tpu.memref_slice %arg8[%arg0, %mul3A_131, %dma_start3A_132] : memref<2x10000x128xf32, #tpu.memory_space<hbm>> -> memref<1x64x128xf32, #tpu.memory_space<hbm>>
        %dma_start3A_134 = tpu.memref_squeeze %dma_start3A_133 : memref<1x64x128xf32, #tpu.memory_space<hbm>> -> memref<64x128xf32, #tpu.memory_space<hbm>>
        %dma_start3A_135 = arith.constant 0 : i32
        %dma_start3A_136 = tpu.memref_slice %arg8[%arg0, %mul3A_131, %dma_start3A_135] : memref<2x10000x128xf32, #tpu.memory_space<hbm>> -> memref<1x64x128xf32, #tpu.memory_space<hbm>>
        %dma_start3A_137 = tpu.memref_squeeze %dma_start3A_136 : memref<1x64x128xf32, #tpu.memory_space<hbm>> -> memref<64x128xf32, #tpu.memory_space<hbm>>
        tpu.enqueue_dma source(%arg17 : memref<64x128xf32, #tpu.memory_space<vmem>>) target(%dma_start3A_137 : memref<64x128xf32, #tpu.memory_space<hbm>>) target_semaphore(%run_scoped3A : memref<!tpu.dma_semaphore, #tpu.memory_space<semaphore_mem>>)
        %dma_wait3A_138 = arith.constant 0 : i32
        %dma_wait3A_139 = tpu.memref_slice %arg8[%arg0, %mul3A_131, %dma_wait3A_138] : memref<2x10000x128xf32, #tpu.memory_space<hbm>> -> memref<1x64x128xf32, #tpu.memory_space<hbm>>
        %dma_wait3A_140 = tpu.memref_squeeze %dma_wait3A_139 : memref<1x64x128xf32, #tpu.memory_space<hbm>> -> memref<64x128xf32, #tpu.memory_space<hbm>>
        %dma_wait3A_141 = arith.constant 0 : i32
        %dma_wait3A_142 = tpu.memref_slice %arg8[%arg0, %mul3A_131, %dma_wait3A_141] : memref<2x10000x128xf32, #tpu.memory_space<hbm>> -> memref<1x64x128xf32, #tpu.memory_space<hbm>>
        %dma_wait3A_143 = tpu.memref_squeeze %dma_wait3A_142 : memref<1x64x128xf32, #tpu.memory_space<hbm>> -> memref<64x128xf32, #tpu.memory_space<hbm>>
        tpu.wait_dma2 semaphore(%run_scoped3A : memref<!tpu.dma_semaphore, #tpu.memory_space<semaphore_mem>>) src(%arg17 : memref<64x128xf32, #tpu.memory_space<vmem>>) dst(%dma_wait3A_143 : memref<64x128xf32, #tpu.memory_space<hbm>>)
        tpu.yield
      }) : () -> ()
    }
    %eq3A_121 = arith.constant 15 : i32
    %eq3A_122 = arith.cmpi eq, %arg1, %eq3A_121 : i32
    %convert_element_type3A_123 = arith.extui %eq3A_122 : i1 to i32
    %cond3A_124 = arith.constant 0 : i32
    %cond3A_125 = arith.cmpi ne, %convert_element_type3A_123, %cond3A_124 : i32
    scf.if %cond3A_125 {
      "tpu.region"() ({
        %run_scoped3A = tpu.sem_alloc : memref<!tpu.dma_semaphore, #tpu.memory_space<semaphore_mem>>
        %dma_start3A_126 = arith.constant 0 : i32
        %dma_start3A_127 = arith.constant 0 : i32
        %dma_start3A_128 = tpu.memref_slice %arg17[%dma_start3A_126, %dma_start3A_127] : memref<64x128xf32, #tpu.memory_space<vmem>> -> memref<16x128xf32, #tpu.memory_space<vmem>>
        %dma_start3A_129 = arith.constant 9984 : i32
        %dma_start3A_130 = arith.constant 0 : i32
        %dma_start3A_131 = tpu.memref_slice %arg23[%dma_start3A_129, %dma_start3A_130] : memref<10000x128xf32, #tpu.memory_space<vmem_shared>> -> memref<16x128xf32, #tpu.memory_space<vmem_shared>>
        %dma_start3A_132 = arith.constant 0 : i32
        %dma_start3A_133 = arith.constant 0 : i32
        %dma_start3A_134 = tpu.memref_slice %arg17[%dma_start3A_132, %dma_start3A_133] : memref<64x128xf32, #tpu.memory_space<vmem>> -> memref<16x128xf32, #tpu.memory_space<vmem>>
        %dma_start3A_135 = arith.constant 9984 : i32
        %dma_start3A_136 = arith.constant 0 : i32
        %dma_start3A_137 = tpu.memref_slice %arg23[%dma_start3A_135, %dma_start3A_136] : memref<10000x128xf32, #tpu.memory_space<vmem_shared>> -> memref<16x128xf32, #tpu.memory_space<vmem_shared>>
        tpu.enqueue_dma source(%dma_start3A_137 : memref<16x128xf32, #tpu.memory_space<vmem_shared>>) target(%dma_start3A_134 : memref<16x128xf32, #tpu.memory_space<vmem>>) target_semaphore(%run_scoped3A : memref<!tpu.dma_semaphore, #tpu.memory_space<semaphore_mem>>)
        %dma_wait3A_138 = arith.constant 0 : i32
        %dma_wait3A_139 = arith.constant 0 : i32
        %dma_wait3A_140 = tpu.memref_slice %arg17[%dma_wait3A_138, %dma_wait3A_139] : memref<64x128xf32, #tpu.memory_space<vmem>> -> memref<16x128xf32, #tpu.memory_space<vmem>>
        %dma_wait3A_141 = arith.constant 9984 : i32
        %dma_wait3A_142 = arith.constant 0 : i32
        %dma_wait3A_143 = tpu.memref_slice %arg23[%dma_wait3A_141, %dma_wait3A_142] : memref<10000x128xf32, #tpu.memory_space<vmem_shared>> -> memref<16x128xf32, #tpu.memory_space<vmem_shared>>
        %dma_wait3A_144 = arith.constant 0 : i32
        %dma_wait3A_145 = arith.constant 0 : i32
        %dma_wait3A_146 = tpu.memref_slice %arg17[%dma_wait3A_144, %dma_wait3A_145] : memref<64x128xf32, #tpu.memory_space<vmem>> -> memref<16x128xf32, #tpu.memory_space<vmem>>
        %dma_wait3A_147 = arith.constant 9984 : i32
        %dma_wait3A_148 = arith.constant 0 : i32
        %dma_wait3A_149 = tpu.memref_slice %arg23[%dma_wait3A_147, %dma_wait3A_148] : memref<10000x128xf32, #tpu.memory_space<vmem_shared>> -> memref<16x128xf32, #tpu.memory_space<vmem_shared>>
        tpu.wait_dma2 semaphore(%run_scoped3A : memref<!tpu.dma_semaphore, #tpu.memory_space<semaphore_mem>>) src(%dma_wait3A_149 : memref<16x128xf32, #tpu.memory_space<vmem_shared>>) dst(%dma_wait3A_146 : memref<16x128xf32, #tpu.memory_space<vmem>>)
        tpu.yield
      }) : () -> ()
      "tpu.region"() ({
        %run_scoped3A = tpu.sem_alloc : memref<!tpu.dma_semaphore, #tpu.memory_space<semaphore_mem>>
        %dma_start3A_126 = arith.constant 0 : i32
        %dma_start3A_127 = arith.constant 0 : i32
        %dma_start3A_128 = tpu.memref_slice %arg17[%dma_start3A_126, %dma_start3A_127] : memref<64x128xf32, #tpu.memory_space<vmem>> -> memref<16x128xf32, #tpu.memory_space<vmem>>
        %dma_start3A_129 = arith.constant 9984 : i32
        %dma_start3A_130 = arith.constant 0 : i32
        %dma_start3A_131 = tpu.memref_slice %arg8[%arg0, %dma_start3A_129, %dma_start3A_130] : memref<2x10000x128xf32, #tpu.memory_space<hbm>> -> memref<1x16x128xf32, #tpu.memory_space<hbm>>
        %dma_start3A_132 = tpu.memref_squeeze %dma_start3A_131 : memref<1x16x128xf32, #tpu.memory_space<hbm>> -> memref<16x128xf32, #tpu.memory_space<hbm>>
        %dma_start3A_133 = arith.constant 9984 : i32
        %dma_start3A_134 = arith.constant 0 : i32
        %dma_start3A_135 = tpu.memref_slice %arg8[%arg0, %dma_start3A_133, %dma_start3A_134] : memref<2x10000x128xf32, #tpu.memory_space<hbm>> -> memref<1x16x128xf32, #tpu.memory_space<hbm>>
        %dma_start3A_136 = tpu.memref_squeeze %dma_start3A_135 : memref<1x16x128xf32, #tpu.memory_space<hbm>> -> memref<16x128xf32, #tpu.memory_space<hbm>>
        %dma_start3A_137 = arith.constant 0 : i32
        %dma_start3A_138 = arith.constant 0 : i32
        %dma_start3A_139 = tpu.memref_slice %arg17[%dma_start3A_137, %dma_start3A_138] : memref<64x128xf32, #tpu.memory_space<vmem>> -> memref<16x128xf32, #tpu.memory_space<vmem>>
        tpu.enqueue_dma source(%dma_start3A_139 : memref<16x128xf32, #tpu.memory_space<vmem>>) target(%dma_start3A_136 : memref<16x128xf32, #tpu.memory_space<hbm>>) target_semaphore(%run_scoped3A : memref<!tpu.dma_semaphore, #tpu.memory_space<semaphore_mem>>)
        %dma_wait3A_140 = arith.constant 0 : i32
        %dma_wait3A_141 = arith.constant 0 : i32
        %dma_wait3A_142 = tpu.memref_slice %arg17[%dma_wait3A_140, %dma_wait3A_141] : memref<64x128xf32, #tpu.memory_space<vmem>> -> memref<16x128xf32, #tpu.memory_space<vmem>>
        %dma_wait3A_143 = arith.constant 9984 : i32
        %dma_wait3A_144 = arith.constant 0 : i32
        %dma_wait3A_145 = tpu.memref_slice %arg8[%arg0, %dma_wait3A_143, %dma_wait3A_144] : memref<2x10000x128xf32, #tpu.memory_space<hbm>> -> memref<1x16x128xf32, #tpu.memory_space<hbm>>
        %dma_wait3A_146 = tpu.memref_squeeze %dma_wait3A_145 : memref<1x16x128xf32, #tpu.memory_space<hbm>> -> memref<16x128xf32, #tpu.memory_space<hbm>>
        %dma_wait3A_147 = arith.constant 9984 : i32
        %dma_wait3A_148 = arith.constant 0 : i32
        %dma_wait3A_149 = tpu.memref_slice %arg8[%arg0, %dma_wait3A_147, %dma_wait3A_148] : memref<2x10000x128xf32, #tpu.memory_space<hbm>> -> memref<1x16x128xf32, #tpu.memory_space<hbm>>
        %dma_wait3A_150 = tpu.memref_squeeze %dma_wait3A_149 : memref<1x16x128xf32, #tpu.memory_space<hbm>> -> memref<16x128xf32, #tpu.memory_space<hbm>>
        %dma_wait3A_151 = arith.constant 0 : i32
        %dma_wait3A_152 = arith.constant 0 : i32
        %dma_wait3A_153 = tpu.memref_slice %arg17[%dma_wait3A_151, %dma_wait3A_152] : memref<64x128xf32, #tpu.memory_space<vmem>> -> memref<16x128xf32, #tpu.memory_space<vmem>>
        tpu.wait_dma2 semaphore(%run_scoped3A : memref<!tpu.dma_semaphore, #tpu.memory_space<semaphore_mem>>) src(%dma_wait3A_153 : memref<16x128xf32, #tpu.memory_space<vmem>>) dst(%dma_wait3A_150 : memref<16x128xf32, #tpu.memory_space<hbm>>)
        tpu.yield
      }) : () -> ()
    } else {
    }
    return
  }
}

module attributes {stable_mosaic.version = 14 : i64} {
  func.func @_patt_body(%arg0: i32, %arg1: memref<16x16000xf32, #tpu.memory_space<vmem>>, %arg2: memref<16x128xf32, #tpu.memory_space<vmem>>, %arg3: memref<1x128xf32, #tpu.memory_space<vmem>>, %arg4: memref<16000x128xf32, #tpu.memory_space<vmem>>) attributes {dimension_semantics = [#tpu.dimension_semantics<arbitrary>], iteration_bounds = array<i64: 20>, scalar_prefetch = 0 : i64, scratch_operands = 0 : i64, tpu.core_type = #tpu.core_type<tc>, window_params = [{transform_indices = @transform_0, window_bounds = array<i64: 16, 16000>}, {pipeline_mode = #tpu.pipeline_mode<synchronous>, transform_indices = @transform_1, window_bounds = array<i64: 16, 128>}, {pipeline_mode = #tpu.pipeline_mode<synchronous>, transform_indices = @transform_2, window_bounds = array<i64: 1, 128>}, {transform_indices = @transform_3, window_bounds = array<i64: 16000, 128>}]} {
    %get3A = arith.constant 0 : index
    %get3A_0 = arith.constant 0 : index
    %get3A_1 = vector.load %arg1[%get3A, %get3A_0] : memref<16x16000xf32, #tpu.memory_space<vmem>>, vector<16x16000xf32>
    %get3A_2 = arith.constant 0 : index
    %get3A_3 = arith.constant 0 : index
    %get3A_4 = vector.load %arg2[%get3A_2, %get3A_3] : memref<16x128xf32, #tpu.memory_space<vmem>>, vector<16x128xf32>
    %dot_general3A = arith.constant dense<0.000000e+00> : vector<16000x128xf32>
    %dot_general3A_5 = tpu.matmul %get3A_1, %get3A_4, %dot_general3A {dimension_numbers = #tpu.dot_dimension_numbers<[0], [0], [1], [1], [0, 1, 1, 1], [], []>, transpose_lhs_hint = false} : vector<16x16000xf32>, vector<16x128xf32>, vector<16000x128xf32> -> vector<16000x128xf32>
    %get3A_6 = arith.constant 0 : index
    %get3A_7 = arith.constant 0 : index
    %get3A_8 = vector.load %arg3[%get3A_6, %get3A_7] : memref<1x128xf32, #tpu.memory_space<vmem>>, vector<1x128xf32>
    %add3A = vector.broadcast %get3A_8 : vector<1x128xf32> to vector<16000x128xf32>
    %add3A_9 = arith.addf %dot_general3A_5, %add3A : vector<16000x128xf32>
    %swap3A = arith.constant 0 : index
    %swap3A_10 = arith.constant 0 : index
    %swap3A_11 = vector.load %arg4[%swap3A, %swap3A_10] : memref<16000x128xf32, #tpu.memory_space<vmem>>, vector<16000x128xf32>
    tpu.vector_store %arg4[%swap3A, %swap3A_10], %add3A_9 {strides = array<i32>} : memref<16000x128xf32, #tpu.memory_space<vmem>>, vector<16000x128xf32>,
    return
  }
  func.func @transform_0(%arg0: i32) -> (i32, i32) {
    %c0_i32 = arith.constant 0 : i32
    %c0_i32_0 = arith.constant 0 : i32
    return %c0_i32, %arg0 : i32, i32
  }
  func.func @transform_1(%arg0: i32) -> (i32, i32) {
    %c0_i32 = arith.constant 0 : i32
    %c0_i32_0 = arith.constant 0 : i32
    %c0_i32_1 = arith.constant 0 : i32
    return %c0_i32, %c0_i32_0 : i32, i32
  }
  func.func @transform_2(%arg0: i32) -> (i32, i32) {
    %c0_i32 = arith.constant 0 : i32
    %c0_i32_0 = arith.constant 0 : i32
    %c0_i32_1 = arith.constant 0 : i32
    return %c0_i32, %c0_i32_0 : i32, i32
  }
  func.func @transform_3(%arg0: i32) -> (i32, i32) {
    %c0_i32 = arith.constant 0 : i32
    %c0_i32_0 = arith.constant 0 : i32
    return %arg0, %c0_i32 : i32, i32
  }
}

module attributes {stable_mosaic.version = 14 : i64} {
  func.func @_proj_body(%arg0: i32, %arg1: memref<2000x128xf32, #tpu.memory_space<vmem>>, %arg2: memref<128x128xf32, #tpu.memory_space<vmem>>, %arg3: memref<128x128xf32, #tpu.memory_space<vmem>>, %arg4: memref<2000x128xf32, #tpu.memory_space<vmem>>, %arg5: memref<2000x128xf32, #tpu.memory_space<vmem>>) attributes {dimension_semantics = [#tpu.dimension_semantics<arbitrary>], iteration_bounds = array<i64: 5>, scalar_prefetch = 0 : i64, scratch_operands = 0 : i64, tpu.core_type = #tpu.core_type<tc>, window_params = [{transform_indices = @transform_0, window_bounds = array<i64: 2000, 128>}, {pipeline_mode = #tpu.pipeline_mode<synchronous>, transform_indices = @transform_1, window_bounds = array<i64: 128, 128>}, {pipeline_mode = #tpu.pipeline_mode<synchronous>, transform_indices = @transform_2, window_bounds = array<i64: 128, 128>}, {transform_indices = @transform_3, window_bounds = array<i64: 2000, 128>}, {transform_indices = @transform_4, window_bounds = array<i64: 2000, 128>}]} {
    %get3A = arith.constant 0 : index
    %get3A_0 = arith.constant 0 : index
    %get3A_1 = vector.load %arg1[%get3A, %get3A_0] : memref<2000x128xf32, #tpu.memory_space<vmem>>, vector<2000x128xf32>
    %get3A_2 = arith.constant 0 : index
    %get3A_3 = arith.constant 0 : index
    %get3A_4 = vector.load %arg2[%get3A_2, %get3A_3] : memref<128x128xf32, #tpu.memory_space<vmem>>, vector<128x128xf32>
    %dot_general3A = arith.constant dense<0.000000e+00> : vector<2000x128xf32>
    %dot_general3A_5 = tpu.matmul %get3A_1, %get3A_4, %dot_general3A {dimension_numbers = #tpu.dot_dimension_numbers<[1], [0], [0], [1], [0, 0, 1, 1], [], []>, transpose_lhs_hint = false} : vector<2000x128xf32>, vector<128x128xf32>, vector<2000x128xf32> -> vector<2000x128xf32>
    %swap3A = arith.constant 0 : index
    %swap3A_6 = arith.constant 0 : index
    %swap3A_7 = vector.load %arg4[%swap3A, %swap3A_6] : memref<2000x128xf32, #tpu.memory_space<vmem>>, vector<2000x128xf32>
    tpu.vector_store %arg4[%swap3A, %swap3A_6], %dot_general3A_5 {strides = array<i32>} : memref<2000x128xf32, #tpu.memory_space<vmem>>, vector<2000x128xf32>,
    %get3A_8 = arith.constant 0 : index
    %get3A_9 = arith.constant 0 : index
    %get3A_10 = vector.load %arg3[%get3A_8, %get3A_9] : memref<128x128xf32, #tpu.memory_space<vmem>>, vector<128x128xf32>
    %dot_general3A_11 = arith.constant dense<0.000000e+00> : vector<2000x128xf32>
    %dot_general3A_12 = tpu.matmul %get3A_1, %get3A_10, %dot_general3A_11 {dimension_numbers = #tpu.dot_dimension_numbers<[1], [0], [0], [1], [0, 0, 1, 1], [], []>, transpose_lhs_hint = false} : vector<2000x128xf32>, vector<128x128xf32>, vector<2000x128xf32> -> vector<2000x128xf32>
    %swap3A_13 = arith.constant 0 : index
    %swap3A_14 = arith.constant 0 : index
    %swap3A_15 = vector.load %arg5[%swap3A_13, %swap3A_14] : memref<2000x128xf32, #tpu.memory_space<vmem>>, vector<2000x128xf32>
    tpu.vector_store %arg5[%swap3A_13, %swap3A_14], %dot_general3A_12 {strides = array<i32>} : memref<2000x128xf32, #tpu.memory_space<vmem>>, vector<2000x128xf32>,
    return
  }
  func.func @transform_0(%arg0: i32) -> (i32, i32) {
    %c0_i32 = arith.constant 0 : i32
    %c0_i32_0 = arith.constant 0 : i32
    return %arg0, %c0_i32 : i32, i32
  }
  func.func @transform_1(%arg0: i32) -> (i32, i32) {
    %c0_i32 = arith.constant 0 : i32
    %c0_i32_0 = arith.constant 0 : i32
    %c0_i32_1 = arith.constant 0 : i32
    return %c0_i32, %c0_i32_0 : i32, i32
  }
  func.func @transform_2(%arg0: i32) -> (i32, i32) {
    %c0_i32 = arith.constant 0 : i32
    %c0_i32_0 = arith.constant 0 : i32
    %c0_i32_1 = arith.constant 0 : i32
    return %c0_i32, %c0_i32_0 : i32, i32
  }
  func.func @transform_3(%arg0: i32) -> (i32, i32) {
    %c0_i32 = arith.constant 0 : i32
    %c0_i32_0 = arith.constant 0 : i32
    return %arg0, %c0_i32 : i32, i32
  }
  func.func @transform_4(%arg0: i32) -> (i32, i32) {
    %c0_i32 = arith.constant 0 : i32
    %c0_i32_0 = arith.constant 0 : i32
    return %arg0, %c0_i32 : i32, i32
  }
}

module attributes {stable_mosaic.version = 14 : i64} {
  func.func @_node_body(%arg0: i32, %arg1: memref<2000x128xf32, #tpu.memory_space<vmem>>, %arg2: memref<2x2000x128xf32, #tpu.memory_space<vmem>>, %arg3: memref<128x128xf32, #tpu.memory_space<vmem>>, %arg4: memref<128x128xf32, #tpu.memory_space<vmem>>, %arg5: memref<1x128xf32, #tpu.memory_space<vmem>>, %arg6: memref<2000x128xf32, #tpu.memory_space<vmem>>) attributes {dimension_semantics = [#tpu.dimension_semantics<arbitrary>], iteration_bounds = array<i64: 5>, scalar_prefetch = 0 : i64, scratch_operands = 0 : i64, tpu.core_type = #tpu.core_type<tc>, window_params = [{transform_indices = @transform_0, window_bounds = array<i64: 2000, 128>}, {transform_indices = @transform_1, window_bounds = array<i64: 2, 2000, 128>}, {pipeline_mode = #tpu.pipeline_mode<synchronous>, transform_indices = @transform_2, window_bounds = array<i64: 128, 128>}, {pipeline_mode = #tpu.pipeline_mode<synchronous>, transform_indices = @transform_3, window_bounds = array<i64: 128, 128>}, {pipeline_mode = #tpu.pipeline_mode<synchronous>, transform_indices = @transform_4, window_bounds = array<i64: 1, 128>}, {transform_indices = @transform_5, window_bounds = array<i64: 2000, 128>}]} {
    %get3A = arith.constant 0 : index
    %get3A_0 = arith.constant 0 : index
    %get3A_1 = vector.load %arg1[%get3A, %get3A_0] : memref<2000x128xf32, #tpu.memory_space<vmem>>, vector<2000x128xf32>
    %get3A_2 = arith.constant 0 : index
    %get3A_3 = arith.constant 0 : index
    %get3A_4 = vector.load %arg3[%get3A_2, %get3A_3] : memref<128x128xf32, #tpu.memory_space<vmem>>, vector<128x128xf32>
    %dot_general3A = arith.constant dense<0.000000e+00> : vector<2000x128xf32>
    %dot_general3A_5 = tpu.matmul %get3A_1, %get3A_4, %dot_general3A {dimension_numbers = #tpu.dot_dimension_numbers<[1], [0], [0], [1], [0, 0, 1, 1], [], []>, transpose_lhs_hint = false} : vector<2000x128xf32>, vector<128x128xf32>, vector<2000x128xf32> -> vector<2000x128xf32>
    %get3A_6 = arith.constant 0 : index
    %get3A_7 = arith.constant 0 : index
    %get3A_8 = arith.constant 0 : index
    %get3A_9 = vector.load %arg2[%get3A_6, %get3A_7, %get3A_8] : memref<2x2000x128xf32, #tpu.memory_space<vmem>>, vector<1x2000x128xf32>
    %get3A_10 = vector.shape_cast %get3A_9 : vector<1x2000x128xf32> to vector<2000x128xf32>
    %get3A_11 = arith.constant 1 : index
    %get3A_12 = arith.constant 0 : index
    %get3A_13 = arith.constant 0 : index
    %get3A_14 = vector.load %arg2[%get3A_11, %get3A_12, %get3A_13] : memref<2x2000x128xf32, #tpu.memory_space<vmem>>, vector<1x2000x128xf32>
    %get3A_15 = vector.shape_cast %get3A_14 : vector<1x2000x128xf32> to vector<2000x128xf32>
    %add3A = arith.addf %get3A_10, %get3A_15 : vector<2000x128xf32>
    %get3A_16 = arith.constant 0 : index
    %get3A_17 = arith.constant 0 : index
    %get3A_18 = vector.load %arg4[%get3A_16, %get3A_17] : memref<128x128xf32, #tpu.memory_space<vmem>>, vector<128x128xf32>
    %dot_general3A_19 = arith.constant dense<0.000000e+00> : vector<2000x128xf32>
    %dot_general3A_20 = tpu.matmul %add3A, %get3A_18, %dot_general3A_19 {dimension_numbers = #tpu.dot_dimension_numbers<[1], [0], [0], [1], [0, 0, 1, 1], [], []>, transpose_lhs_hint = false} : vector<2000x128xf32>, vector<128x128xf32>, vector<2000x128xf32> -> vector<2000x128xf32>
    %add3A_21 = arith.addf %dot_general3A_5, %dot_general3A_20 : vector<2000x128xf32>
    %get3A_22 = arith.constant 0 : index
    %get3A_23 = arith.constant 0 : index
    %get3A_24 = vector.load %arg5[%get3A_22, %get3A_23] : memref<1x128xf32, #tpu.memory_space<vmem>>, vector<1x128xf32>
    %add3A_25 = vector.broadcast %get3A_24 : vector<1x128xf32> to vector<2000x128xf32>
    %add3A_26 = arith.addf %add3A_21, %add3A_25 : vector<2000x128xf32>
    %max3A = arith.constant 0.000000e+00 : f32
    %max3A_27 = vector.broadcast %max3A : f32 to vector<2000x128xf32>
    %max3A_28 = arith.maximumf %add3A_26, %max3A_27 : vector<2000x128xf32>
    %swap3A = arith.constant 0 : index
    %swap3A_29 = arith.constant 0 : index
    %swap3A_30 = vector.load %arg6[%swap3A, %swap3A_29] : memref<2000x128xf32, #tpu.memory_space<vmem>>, vector<2000x128xf32>
    tpu.vector_store %arg6[%swap3A, %swap3A_29], %max3A_28 {strides = array<i32>} : memref<2000x128xf32, #tpu.memory_space<vmem>>, vector<2000x128xf32>,
    return
  }
  func.func @transform_0(%arg0: i32) -> (i32, i32) {
    %c0_i32 = arith.constant 0 : i32
    %c0_i32_0 = arith.constant 0 : i32
    return %arg0, %c0_i32 : i32, i32
  }
  func.func @transform_1(%arg0: i32) -> (i32, i32, i32) {
    %c0_i32 = arith.constant 0 : i32
    %c0_i32_0 = arith.constant 0 : i32
    %c0_i32_1 = arith.constant 0 : i32
    return %c0_i32, %arg0, %c0_i32_0 : i32, i32, i32
  }
  func.func @transform_2(%arg0: i32) -> (i32, i32) {
    %c0_i32 = arith.constant 0 : i32
    %c0_i32_0 = arith.constant 0 : i32
    %c0_i32_1 = arith.constant 0 : i32
    return %c0_i32, %c0_i32_0 : i32, i32
  }
  func.func @transform_3(%arg0: i32) -> (i32, i32) {
    %c0_i32 = arith.constant 0 : i32
    %c0_i32_0 = arith.constant 0 : i32
    %c0_i32_1 = arith.constant 0 : i32
    return %c0_i32, %c0_i32_0 : i32, i32
  }
  func.func @transform_4(%arg0: i32) -> (i32, i32) {
    %c0_i32 = arith.constant 0 : i32
    %c0_i32_0 = arith.constant 0 : i32
    %c0_i32_1 = arith.constant 0 : i32
    return %c0_i32, %c0_i32_0 : i32, i32
  }
  func.func @transform_5(%arg0: i32) -> (i32, i32) {
    %c0_i32 = arith.constant 0 : i32
    %c0_i32_0 = arith.constant 0 : i32
    return %arg0, %c0_i32 : i32, i32
  }
}

</mosaic_0001>

<sc_bundles>
// kernel: kernel.6.cloned.1.call-start
scs
__scs_entry_jumppad:
0x0: {  	(pc) =	sbr.rel $0x88, $3  }
0x1: {  	(tag) =	ssettag $0x0;
	lr =	simm.s32 $0x1  }
0x2: {  	[smem:$0x3F9A] =	sst lr;
	_ =	strace $0xD0000000  }
0x3: {  	_ = 	snop  }
0x4: {  	_ = 	snop  }
0x5: {  	_ = 	snop  }
0x6: {  	_ = 	snop  }
0x7: {  	_ = 	snop  }
__scs_overlays_trampoline_lowered:
0x8: {  	[smem:$0x3FA9] =	sst s0  }
0x9: {  	[smem:$0x3FAA] =	sst s1  }
0xa: {  	[smem:$0x3FAB] =	sst s2  }
0xb: {  	[smem:$0x3FAC] =	sst s3  }
0xc: {  	[smem:$0x3FAD] =	sst s4  }
0xd: {  	[smem:$0x3FAE] =	sst s5  }
0xe: {  	[smem:$0x3FAF] =	sst s6  }
0xf: {  	[smem:$0x3FB0] =	sst s7  }
0x10: {  	[smem:$0x3FB1] =	sst s8  }
0x11: {  	[smem:$0x3FB2] =	sst s9;
	s0 =	simm.s32 @!p0 $0x0  }
0x12: {  	s1 =	sld [smem:$0x3F98];
	s0 =	simm.s32 @p0 $0x1  }
0x13: {  	[smem:$0x3FB3] =	sst s0;
	s0 =	simm.s32 @!p1 $0x0  }
0x14: {  	s2 =	sld [smem:$0x3F97];
	s0 =	simm.s32 @p1 $0x1  }
0x15: {  	[smem:$0x3FB4] =	sst s0;
	s0 =	simm.s32 @!p2 $0x0  }
0x16: {  	s3 =	sld [smem:$0x3FDB];
	s0 =	simm.s32 @p2 $0x1  }
0x17: {  	s4 =	simm.s32 $0x1BF5;
	[smem:$0x3FB6] =	sst s0  }
0x18: {  	s0 =	sld [smem:$0x3F99];
	_ =	swait.ge [sflag:s4], $0x0  }
0x19: {  	s7 =	sld [smem:$0x3F9A]  }
0x1a: {  	s8 =	sadd.s32 $0xFFFFE003, lr  }
0x1b: {  	s9 =	sadd.s32 $0xFFFFFEF7, lr;
	s5 =	simm.s32 $0xFFFFFFFF;
	p2 =	slt.u32 s8, $0xFFFFF086  }
0x1c: {  	p1 =	slt.u32 s9, $0xF7A;
	s5 =	simm.s32 @!p2 $0x0  }
0x1d: {  	s5 =	simm.s32 @p1 $0x1;
	p0 =	seq.s32 s7, s2  }
0x1e: {  	s7 =	smul.u32 @!p0 $0xF7A, s2;
	p2 =	seq.s32 @!p0 s5, $0x0  }
0x1f: {  	s9 =	smul.u32 $0xF7A, s1;
	s8 =	simm.s32 @!p0 $0x1BF5;
	p2 =	por !p2, p0  }
0x20: {  	[sflag:s8] =	ssyncset.s32 @!p0 $0xFFFFF086;
	s6 =	sadd.s32 @!p0 s3, s7;
	s7 =	simm.s32 @!p0 $0x108  }
0x21: {  	s3 =	sadd.s32 s3, s9;
	s6 =	sadd.s32 @!p0 $0x88, s6;
	s7 =	simm.s32 @p2 $0x1082  }
0x22: {  	[simem:s7], [sflag:s8] =	dma.local @!p0 [hbm:s6], $0xF7A  }
0x23: {  	s9 =	sor.u32 $0xD0000000, s2;
	s6 =	simm.s32 $0x108;
	_ =	swait.ge @!p0 [sflag:s8], $0x0  }
0x24: {  	s3 =	sadd.s32 $0x88, s3;
	s6 =	simm.s32 @!p1 $0x1082;
	[sflag:s4] =	ssyncset.s32 $0xFFFFF086  }
0x25: {  	[simem:s6], [sflag:s4] =	dma.local [hbm:s3], $0xF7A  }
0x26: {  	[smem:$0x3F9A] =	sst s1;
	(tag) =	ssettag s2;
	_ =	strace s9  }
0x27: {  	s1 =	sld [smem:$0x3FAA]  }
0x28: {  	s2 =	sld [smem:$0x3FAB]  }
0x29: {  	s4 =	sld [smem:$0x3FAD]  }
0x2a: {  	p0 =	seq.s32 s5, $0x0;
	s5 =	sld [smem:$0x3FAE]  }
0x2b: {  	s6 =	sld [smem:$0x3FAF]  }
0x2c: {  	s7 =	sld [smem:$0x3FB0]  }
0x2d: {  	s3 =	simm.s32 $0x108;
	s8 =	sld [smem:$0x3FB1]  }
0x2e: {  	s3 =	simm.s32 @!p0 $0x1082;
	s9 =	sld [smem:$0x3FB2]  }
0x2f: {  	lr =	sadd.s32 s0, s3;
	s0 =	sld [smem:$0x3FA9]  }
0x30: {  	s3 =	sld [smem:$0x3FAC]  }
0x31: {  	[smem:$0x3FB5] =	sst s10  }
0x32: {  	s10 =	sld [smem:$0x3FB3];
	_ =	sdelay $0x3  }
0x33: {  	p0 =	seq.s32 s10, $0x1;
	s10 =	sld [smem:$0x3FB5];
	_ =	sdelay $0x3  }
0x34: {  	[smem:$0x3FB5] =	sst s10  }
0x35: {  	s10 =	sld [smem:$0x3FB4];
	_ =	sdelay $0x3  }
0x36: {  	p1 =	seq.s32 s10, $0x1;
	s10 =	sld [smem:$0x3FB5];
	_ =	sdelay $0x3  }
0x37: {  	[smem:$0x3FB5] =	sst s10  }
0x38: {  	s10 =	sld [smem:$0x3FB6]  }
0x39: {  	_ = 	snop;
	(pc) =	sbr.ind lr, $3  }
0x3a: {  	_ = 	snop  }
0x3b: {  	_ = 	snop  }
0x3c: {  	p2 =	seq.s32 s10, $0x1;
	s10 =	sld [smem:$0x3FB5]  }
0x3d: {  	_ =	shalt  }
0x3e: {  	_ =	shalt  }
0x3f: {  	_ =	shalt  }
0x40: {  	_ =	shalt  }
0x41: {  	_ =	shalt  }
0x42: {  	_ =	shalt  }
0x43: {  	_ =	shalt  }
0x44: {  	_ =	shalt  }
0x45: {  	_ =	shalt  }
0x46: {  	_ =	shalt  }
0x47: {  	_ =	shalt  }
0x48: {  	_ =	shalt  }
0x49: {  	_ =	shalt  }
0x4a: {  	_ =	shalt  }
0x4b: {  	_ =	shalt  }
0x4c: {  	_ =	shalt  }
0x4d: {  	_ =	shalt  }
0x4e: {  	_ =	shalt  }
0x4f: {  	_ =	shalt  }
0x50: {  	_ =	shalt  }
0x51: {  	_ =	shalt  }
0x52: {  	_ =	shalt  }
0x53: {  	_ =	shalt  }
0x54: {  	_ =	shalt  }
0x55: {  	_ =	shalt  }
0x56: {  	_ =	shalt  }
0x57: {  	_ =	shalt  }
0x58: {  	_ =	shalt  }
0x59: {  	_ =	shalt  }
0x5a: {  	_ =	shalt  }
0x5b: {  	_ =	shalt  }
0x5c: {  	_ =	shalt  }
0x5d: {  	_ =	shalt  }
0x5e: {  	_ =	shalt  }
0x5f: {  	_ =	shalt  }
0x60: {  	_ =	shalt  }
0x61: {  	_ =	shalt  }
0x62: {  	_ =	shalt  }
0x63: {  	_ =	shalt  }
0x64: {  	_ =	shalt  }
0x65: {  	_ =	shalt  }
0x66: {  	_ =	shalt  }
0x67: {  	_ =	shalt  }
0x68: {  	_ =	shalt  }
0x69: {  	_ =	shalt  }
0x6a: {  	_ =	shalt  }
0x6b: {  	_ =	shalt  }
0x6c: {  	_ =	shalt  }
0x6d: {  	_ =	shalt  }
0x6e: {  	_ =	shalt  }
0x6f: {  	_ =	shalt  }
0x70: {  	_ =	shalt  }
0x71: {  	_ =	shalt  }
0x72: {  	_ =	shalt  }
0x73: {  	_ =	shalt  }
0x74: {  	_ =	shalt  }
0x75: {  	_ =	shalt  }
0x76: {  	_ =	shalt  }
0x77: {  	_ =	shalt  }
0x78: {  	_ =	shalt  }
0x79: {  	_ =	shalt  }
0x7a: {  	_ =	shalt  }
0x7b: {  	_ =	shalt  }
0x7c: {  	_ =	shalt  }
0x7d: {  	_ =	shalt  }
0x7e: {  	_ =	shalt  }
0x7f: {  	_ =	shalt  }
0x80: {  	_ =	shalt  }
0x81: {  	_ =	shalt  }
0x82: {  	_ =	shalt  }
0x83: {  	_ =	shalt  }
0x84: {  	_ =	shalt  }
0x85: {  	_ =	shalt  }
0x86: {  	_ =	shalt  }
0x87: {  	_ =	shalt  }
.Lfunc_end0:
.L_simem_size_0:
called_computation_lowered:
.L_overlay_start_0:
0x88: {  	s2 =	sld [smem:$0x3FD9]  }
0x89: {  	s3 =	sld [smem:$0x3FFE];
	_ =	sdelay $0x1  }
0x8a: {  	s1 =	srdreg.scid  }
0x8b: {  	s0 =	sand.u32 $0x1, s1  }
0x8c: {  	s14 =	sshll.u32 s0, $0xA;
	s2 =	sadd.s32 s3, s2  }
0x8d: {  	s2 =	sadd.s32 s2, s14  }
0x8e: {  	[smem:$0x3FC1] =	sst s2  }
0x8f: {  	_ = 	snop  }
0x90: {  	s2 =	sld [smem:$0x3FD0];
	_ =	sdelay $0x2  }
0x91: {  	s15 =	simm.s32 $0xA;
	s4 =	simm.s32 $0x10  }
0x92: {  	[smem:s4], [sflag:s15] =	dma.local [hbm:s2], $0x1  }
0x93: {  	_ =	swait.eq [sflag:s15], $0x1  }
0x94: {  	[sflag:s15] =	ssyncset.done $0x0  }
0x95: {  	s16 =	sld [smem:$0x10];
	[sflag:s15] =	ssyncadd.s32 $0xFFFFFFFF  }
0x96: {  	s17 =	sld [smem:$0x11];
	(tm) =	ssettm $0x1  }
0x97: {  	s18 =	sld [smem:$0x3FFB];
	_ =	sdelay $0x3  }
0x98: {  	_ =	strace s18  }
0x99: {  	s4 =	sld [smem:$0x3FFC];
	_ =	sdelay $0x3  }
0x9a: {  	_ =	strace s4  }
0x9b: {  	s4 =	sld [smem:$0x3FFD];
	_ =	sdelay $0x3  }
0x9c: {  	_ =	strace s4  }
0x9d: {  	_ =	strace $0x8FFFFFFF  }
0x9e: {  	s19 =	sld [smem:$0x3FDB];
	_ =	sdelay $0x1  }
0x9f: {  	s5 =	simm.s32 $_scs_section_size  }
0xa0: {  	s6 =	simm.s32 $_size__tile_overlayer_lowered;
	s7 =	simm.s32 $_tile_overlayer_lowered  }
0xa1: {  	s22 =	simm.s32 $0x1BFF;
	s21 =	sshll.u32 s7, $0x1;
	s4 =	sadd.s32 s5, s19  }
0xa2: {  	s8 =	simm.s32 $0x0;
	s20 =	sshll.u32 s6, $0x1;
	s6 =	sadd.s32 s21, s4  }
0xa3: {  	[timem:s8], [sflag:s22] =	dma.local [hbm:s6], s20  }
0xa4: {  	_ =	swait.ge [sflag:s22], s20  }
0xa5: {  	s5 =	ssub.s32 $0x0, s20;
	[sflag:s22] =	ssyncset.done $0x0  }
0xa6: {  	[sflag:s22] =	ssyncadd.s32 s5;
	_ =	sdelay $0x1  }
0xa7: {  	s23 =	simm.s32 $0x1B8B  }
0xa8: {  	_ =	swait.ge [sflag:s23], $0x1  }
0xa9: {  	[sflag:s23] =	ssyncset.done $0x0  }
0xaa: {  	s25 =	simm.s32 $0x1B8E;
	s24 =	sld [smem:$0x3FFE];
	[sflag:s23] =	ssyncadd.s32 $0xFFFFFFFF  }
0xab: {  	s26 =	simm.s32 $execute0_lowered;
	[smem:$0x3FD2] =	sst s25  }
0xac: {  	s6 =	sshll.u32 s26, $0x1;
	_ =	strace $0x80000046;
	[dreg:$0x1] =	wrdreg $0xFFFFFFFF  }
0xad: {  	s28 =	simm.s32 $_size_execute0_lowered;
	s4 =	sadd.s32 s4, s6;
	[dreg:$0x0] =	wrdreg $0x0  }
0xae: {  	s6 =	sshll.u32 s28, $0x1;
	[dreg:$0x2] =	wrdreg s4  }
0xaf: {  	[dreg:$0x3] =	wrdreg s6  }
0xb0: {  	[dreg:$0x4] =	wrdreg $0xC0  }
0xb1: {  	_ =	task [dreg:s8], $0x5FFFF  }
0xb2: {  	[dreg:$0x1] =	wrdreg $0xFFFFFFFF  }
0xb3: {  	[dreg:$0x0] =	wrdreg $0x60  }
0xb4: {  	[dreg:$0x2] =	wrdreg s24  }
0xb5: {  	[dreg:$0x3] =	wrdreg s16  }
0xb6: {  	[dreg:$0x4] =	wrdreg s17  }
0xb7: {  	[dreg:$0x5] =	wrdreg $0xC4000  }
0xb8: {  	[dreg:$0x6] =	wrdreg $0x9  }
0xb9: {  	_ =	task.clear_ibuf [dreg:s8], $0x7FFFF;
	_ =	strace $0x90000046  }
0xba: {  	s29 =	simm.s32 $0x9;
	_ =	strace $0x80000048  }
0xbb: {  	_ =	swait.ge [sflag:s29], $0x1  }
0xbc: {  	[sflag:s29] =	ssyncadd.s32 $0xFFFFFFFF  }
0xbd: {  	_ =	strace $0x90000048  }
0xbe: {  	_ =	sfence  }
0xbf: {  	s30 =	sld [smem:$0x0];
	_ =	sdelay $0x2  }
0xc0: {  	s31 =	sshll.u32 s1, $0xD;
	s1 =	sshrl.u32 s1, $0x2  }
0xc1: {  	s3 =	sand.u32 $0x4000, s31;
	s1 =	sadd.s32 s1, s30  }
0xc2: {  	s0 =	sor.u32 s3, s0;
	s1 =	sshll.u32 s1, $0x11  }
0xc3: {  	s0 =	sor.u32 s1, s0  }
0xc4: {  	s0 =	sadd.s32 $0x8F2B, s0  }
0xc5: {  	[sflag:s0] =	ssyncadd.remote.s32 $0x1  }
0xc6: {  	_ =	sfence.sel $0xFFFF  }
0xc7: {  	[dreg:$0x0] =	wrdreg $0xFFFFFFFF;
	(pc) =	sbr.abs _section_cstart, $3  }
0xc8: {  	[dreg:$0x1] =	wrdreg $0xFFFFFFFF  }
0xc9: {  	_ =	task.clear_ibuf [dreg:s8], $0x2FFFF;
	_ =	strace $0x9FFFFFFF  }
0xca: {  	(tm) =	ssettm $0x7FFFFFFF  }
0xcb: {  	_ =	shalt  }
tec
execute0_lowered:
.L_overlay_start_1:
0x0: {  	(tag) =	ssettag $0x1  }
0x1: {  	s0 =	rddreg [dreg:$0x0]  }
0x2: {  	s2 =	rddreg [dreg:$0x2]  }
0x3: {  	s19 =	rddreg [dreg:$0x3]  }
0x4: {  	s5 =	simm.s32 $0x0;
	s3 =	srdreg.scid;
	s16 =	stileid.u32  }
0x5: {  	s23 =	simm.s32 $0xA;
	s31 =	simm.s32 $0x40;
	s29 =	simm.s32 $0xC  }
0x6: {  	s28 =	simm.s32 $0x5;
	[smem:$0x7FF] =	sst s5;
	s3 =	sand.u32 $0x1, s3  }
0x7: {  	s6 =	sshll.u32 s16, $0x1;
	s7 =	sadd.s32 $0x1800, s0;
	s9 =	sadd.s32 $0x15400, s0  }
0x8: {  	s17 =	sadd.s32 $0x3C600, s0;
	s15 =	sadd.s32 $0x51E600, s0;
	p0 =	slt.u32 s16, $0xC  }
0x9: {  	s18 =	sadd.s32 $0x3CE00, s0;
	_ =	strace $0x80000047;
	s11 =	sor.u32 s3, s6  }
0xa: {  	s6 =	sadd.s32 $0xB600, s0;
	s12 =	ssub.s32 $0x2, s3;
	s3 =	smul.u32 $0x138800, s3  }
0xb: {  	s23 =	simm.s32 @!p0 $0x9;
	p0 =	sne.s32 s16, $0xF;
	s8 =	smul.u32 $0x2710, s11  }
0xc: {  	s13 =	sshrl.u32 s12, $0x1;
	s11 =	smul.u32 $0x27100, s11;
	[dreg:$0x9] =	wrdreg s23  }
0xd: {  	s12 =	ssub.s32 s12, s13;
	s13 =	simm.s32 $0x80;
	s14 =	sshrl.u32 s8, $0x3  }
0xe: {  	s21 =	sadd.s32 s17, s11;
	s10 =	smov.u32 s8;
	s26 =	sadd.s32 $0x2700, s8  }
0xf: {  	s1 =	sadd.s32 s6, s14;
	s20 =	sadd.s32 s7, s14;
	[dreg:$0x7] =	wrdreg s21  }
0x10: {  	s22 =	sadd.s32 $0x8, s14;
	s4 =	sshrl.u32 s26, $0x3;
	s11 =	sshll.u32 s26, $0x4  }
0x11: {  	s26 =	smax.u32 s12, $0x1;
	s14 =	simm.s32 $0xA400;
	[dreg:$0x5] =	wrdreg s1  }
0x12: {  	s12 =	simm.s32 $0x0;
	[dreg:$0x6] =	wrdreg s20;
	s24 =	sadd.s32 s6, s22  }
0x13: {  	s25 =	sadd.s32 s7, s22;
	s1 =	sshll.u32 s16, $0xD;
	[dreg:$0x12] =	wrdreg s26  }
0x14: {  	s8 =	sadd.s32 s6, s4;
	s20 =	sadd.s32 s7, s4;
	[dreg:$0x8] =	wrdreg s24  }
0x15: {  	s4 =	smov.u32 s17;
	s22 =	sadd.s32 s17, s11;
	[dreg:$0xa] =	wrdreg s25  }
0x16: {  	s17 =	simm.s32 $0x2400;
	s16 =	simm.s32 $0xD;
	[dreg:$0xc] =	wrdreg s8  }
0x17: {  	s26 =	simm.s32 $0x4;
	s30 =	sadd.s32 s1, s19;
	[dreg:$0xd] =	wrdreg s20  }
0x18: {  	s21 =	sadd.s32 s1, s3;
	s3 =	sshrl.u32 s3, $0x3;
	[dreg:$0xf] =	wrdreg s22  }
0x19: {  	s8 =	smov.u32 s2;
	s24 =	sadd.s32 s2, s11;
	s1 =	smov.u32 s19  }
0x1a: {  	s20 =	simm.s32 $0x1;
	s11 =	simm.s32 $0x2;
	s22 =	simm.s32 $0x3  }
0x1b: {  	s3 =	sadd.s32 s15, s3;
	s0 =	sshrl.u32 s21, $0x3;
	[dreg:$0x10] =	wrdreg s24  }
0x1c: {  	s24 =	simm.s32 $0x7;
	[dreg:$0xb] =	wrdreg s30;
	s0 =	sadd.s32 s0, s15  }
0x1d: {  	s21 =	simm.s32 $0x6;
	s25 =	sadd.s32 $0x27000, s3;
	[dreg:$0xe] =	wrdreg s0  }
0x1e: {  	s15 =	sadd.s32 $0x138000, s19;
	s19 =	simm.s32 $0x6400;
	[dreg:$0x11] =	wrdreg s25  }
0x1f: {  	v0 =	vimm.f32 $0.0e+00;
	s0 =	simm.s32 $0x400;
	s25 =	simm.s32 $0x8;
	[dreg:$0x13] =	wrdreg s15  }
.LBB2_1:
0x20: {  	[dreg:$0x14] =	wrdreg s12  }
0x21: {  	s2 =	rddreg [dreg:$0x5]  }
0x22: {  	[tilespmem:s5], [sflag:$0xB] =	stream.linear.gather [hbm4b:s2+s5], $0x40, $0x38;
	[tilespmem:$0x1FC80] =	vst v63  }
0x23: {  	s12 =	rddreg [dreg:$0x6]  }
0x24: {  	[tilespmem:s13], [sflag:$0xB] =	stream.linear.gather [hbm4b:s12+s5], $0x40, $0x38;
	[tilespmem:$0x1FC80] =	vst v63  }
0x25: {  	s3 =	simm.s32 $0x0;
	s12 =	simm.s32 $0x200  }
.LBB2_2:
0x26: {  	p1 =	sne.s32 s12, $0x7E00;
	[tilespmem:s3+$0xA470] =	vst v0  }
0x27: {  	[tilespmem:s3+$0xA400] =	vst v0  }
0x28: {  	[tilespmem:s3+$0xA410] =	vst v0  }
.Ltmp0:
0x29: {  	[tilespmem:s3+$0xA420] =	vst v0;
	(pc) =	sbr.rel @p1 .LBB2_2-.Ltmp0, $4  }
0x2a: {  	[tilespmem:s3+$0xA430] =	vst v0  }
0x2b: {  	[tilespmem:s3+$0xA440] =	vst v0  }
0x2c: {  	[tilespmem:s3+$0xA450] =	vst v0  }
0x2d: {  	[tilespmem:s3+$0xA460] =	vst v0;
	s3 =	sshra.s32 s12, $0x2;
	s12 =	sadd.s32 $0x200, s12  }
0x2e: {  	[tilespmem:s3+$0xA470] =	vst v0  }
0x2f: {  	[tilespmem:s3+$0xA400] =	vst v0  }
0x30: {  	[tilespmem:s3+$0xA410] =	vst v0  }
0x31: {  	[tilespmem:s3+$0xA420] =	vst v0  }
0x32: {  	[tilespmem:s3+$0xA430] =	vst v0  }
0x33: {  	[tilespmem:s3+$0xA440] =	vst v0  }
0x34: {  	[tilespmem:s3+$0xA450] =	vst v0  }
0x35: {  	[tilespmem:s3+$0xA460] =	vst v0;
	s2 =	simm.s32 $0xB  }
0x36: {  	_ =	swait.ge [sflag:s2], $0x40  }
0x37: {  	[sflag:s2] =	ssyncset.done $0x0  }
0x38: {  	[sflag:s2] =	ssyncadd.s32 $0xFFFFFFC0  }
0x39: {  	_ =	swait.ge [sflag:s2], $0x40  }
0x3a: {  	[sflag:s2] =	ssyncset.done $0x0  }
0x3b: {  	[sflag:s2] =	ssyncadd.s32 $0xFFFFFFC0  }
0x3c: {  	s2 =	rddreg [dreg:$0x1]  }
0x3d: {  	[tilespmem:s0], [sflag:$0x1] =	stream.indirect.gather [hbm4b:s2+s31], $0x80, s5, s31, $0xb8;
	[tilespmem:$0x1FC80] =	vst v63  }
0x3e: {  	_ = 	snop  }
0x3f: {  	[tilespmem:s17], [sflag:$0x2] =	stream.indirect.gather [hbm4b:s9+s31], $0x80, s13, s31, $0xb8;
	[tilespmem:$0x1FC80] =	vst v63  }
0x40: {  	s13 =	rddreg [dreg:$0x7];
	s17 =	simm.s32 $0x4400  }
0x41: {  	[tilespmem:s17], [sflag:$0x3] =	stream.linear.gather [hbm4b:s13+s5], $0x2000, $0x38;
	[tilespmem:$0x1FC80] =	vst v63  }
0x42: {  	s12 =	simm.s32 $0x100;
	s3 =	rddreg [dreg:$0x8]  }
0x43: {  	[tilespmem:s12], [sflag:$0xC] =	stream.linear.gather [hbm4b:s3+s5], $0x40, $0x38;
	[tilespmem:$0x1FC80] =	vst v63  }
0x44: {  	p1 =	sne.s32 s23, $0x1;
	s13 =	rddreg [dreg:$0xa];
	s17 =	simm.s32 $0x180  }
0x45: {  	[tilespmem:s17], [sflag:$0xC] =	stream.linear.gather [hbm4b:s13+s5], $0x40, $0x38;
	[tilespmem:$0x1FC80] =	vst v63  }
.Ltmp1:
0x46: {  	_ = 	snop;
	(pc) =	sbr.rel @!p1 .LBB2_5-.Ltmp1, $4  }
0x47: {  	_ = 	snop  }
0x48: {  	[spmem:s30] =	stream.linear.scatter [tilespmem:s14], [sflag:$0xD], $0x2000, $0x38;
	[tilespmem:$0x1FC80] =	vst v63  }
0x49: {  	_ =	swait.ge [sflag:s16], $0x2000  }
0x4a: {  	s3 =	sadd.s32 $0xFFFFFFFF, s23;
	s12 =	smov.u32 s30;
	[sflag:s16] =	ssyncset.done $0x0  }
.LBB2_4:
0x4b: {  	p2 =	sne.s32 s3, $0x1;
	[sflag:s16] =	ssyncadd.s32 $0xFFFFE000;
	s12 =	sadd.s32 $0x20000, s12  }
.Ltmp2:
0x4c: {  	s3 =	sadd.s32 $0xFFFFFFFF, s3;
	(pc) =	sbr.rel @p2 .LBB2_4-.Ltmp2, $4  }
0x4d: {  	_ = 	snop  }
0x4e: {  	[spmem:s12] =	stream.linear.scatter [tilespmem:s14], [sflag:$0xD], $0x2000, $0x38;
	[tilespmem:$0x1FC80] =	vst v63  }
0x4f: {  	_ =	swait.ge [sflag:s16], $0x2000  }
0x50: {  	[sflag:s16] =	ssyncset.done $0x0  }
.LBB2_5:
0x51: {  	[sflag:s16] =	ssyncadd.s32 $0xFFFFE000;
	s3 =	simm.s32 @!p0 $0xA400  }
0x52: {  	[spmem:s15] =	stream.linear.scatter @!p0 [tilespmem:s3], [sflag:$0xD], $0x800, $0x38;
	[tilespmem:$0x1FC80] =	vst v63  }
0x53: {  	s3 =	simm.s32 @!p0 $0xD  }
0x54: {  	_ =	swait.ge @!p0 [sflag:s3], $0x800  }
0x55: {  	[sflag:s3] =	ssyncset.done @!p0 $0x0  }
0x56: {  	[sflag:s3] =	ssyncadd.s32 @!p0 $0xFFFFF800  }
0x57: {  	s17 =	simm.s32 $0x0;
	[bflag:$0x0] =	sbarrier.arrive $0xFFFF  }
.LBB2_6:
0x58: {  	p2 =	seq.s32 s17, $0x0  }
0x59: {  	s3 =	simm.s32 @!p2 $0x9  }
0x5a: {  	_ =	swait.ge @!p2 [sflag:s3], $0x2000  }
0x5b: {  	[sflag:s3] =	ssyncset.done @!p2 $0x0  }
0x5c: {  	[sflag:s3] =	ssyncadd.s32 @!p2 $0xFFFFE000;
	s3 =	simm.s32 @!p2 $0xA  }
0x5d: {  	_ =	swait.ge @!p2 [sflag:s3], $0x2000  }
0x5e: {  	[sflag:s3] =	ssyncset.done @!p2 $0x0  }
0x5f: {  	[sflag:s3] =	ssyncadd.s32 @!p2 $0xFFFFE000  }
0x60: {  	_ =	swait.ge [sflag:s29], $0x40  }
0x61: {  	[sflag:s29] =	ssyncset.done $0x0  }
0x62: {  	[sflag:s29] =	ssyncadd.s32 $0xFFFFFFC0  }
0x63: {  	_ =	swait.ge [sflag:s29], $0x40  }
0x64: {  	[sflag:s29] =	ssyncset.done $0x0  }
0x65: {  	[sflag:s29] =	ssyncadd.s32 $0xFFFFFFC0  }
0x66: {  	s13 =	sshll.u32 s17, $0x7;
	s12 =	simm.s32 $0x100;
	s2 =	rddreg [dreg:$0x1]  }
0x67: {  	[tilespmem:s19], [sflag:$0x4] =	stream.indirect.gather [hbm4b:s2+s31], $0x80, s12, s31, $0xb8;
	[tilespmem:$0x1FC80] =	vst v63  }
0x68: {  	s12 =	sadd.s32 s10, s13  }
0x69: {  	s15 =	simm.s32 $0x180;
	s23 =	simm.s32 $0x8400;
	s3 =	sshll.u32 s12, $0x4  }
0x6a: {  	[tilespmem:s23], [sflag:$0x5] =	stream.indirect.gather [hbm4b:s9+s31], $0x80, s15, s31, $0xb8;
	[tilespmem:$0x1FC80] =	vst v63  }
0x6b: {  	s15 =	sadd.s32 $0x400, s3  }
0x6c: {  	s23 =	sadd.s32 s4, s15  }
0x6d: {  	[tilespmem:s14], [sflag:$0x6] =	stream.linear.gather [hbm4b:s23+s5], $0x2000, $0x38;
	[tilespmem:$0x1FC80] =	vst v63  }
0x6e: {  	_ =	swait.ge [sflag:s20], $0x2000  }
0x6f: {  	[sflag:s20] =	ssyncset.done $0x0  }
0x70: {  	[sflag:s20] =	ssyncadd.s32 $0xFFFFE000  }
0x71: {  	_ =	swait.ge [sflag:s11], $0x2000  }
0x72: {  	[sflag:s11] =	ssyncset.done $0x0  }
0x73: {  	[sflag:s11] =	ssyncadd.s32 $0xFFFFE000  }
0x74: {  	_ =	swait.ge [sflag:s22], $0x2000  }
0x75: {  	[sflag:s22] =	ssyncset.done $0x0  }
0x76: {  	[sflag:s22] =	ssyncadd.s32 $0xFFFFE000  }
0x77: {  	v1 =	vld [tilespmem:$0x80]  }
0x78: {  	v2 =	vld [tilespmem:$0x90]  }
0x79: {  	v3 =	vld [tilespmem:$0xA0]  }
0x7a: {  	v4 =	vld [tilespmem:$0xB0];
	_ =	sdelay $0x1  }
0x7b: {  	p2 =	seq.s32 s17, $0x4D;
	[tilespmem:$0x200] =	vst v1  }
0x7c: {  	s23 =	sshrl.u32 @!p2 s12, $0x3;
	[tilespmem:$0x210] =	vst v2  }
0x7d: {  	s12 =	sadd.s32 @!p2 $0x10, s23;
	[tilespmem:$0x220] =	vst v3  }
0x7e: {  	s13 =	simm.s32 @!p2 $0x0;
	s30 =	sadd.s32 @!p2 s6, s12;
	[tilespmem:$0x230] =	vst v4  }
0x7f: {  	[tilespmem:s13], [sflag:$0xB] =	stream.linear.gather @!p2 [hbm4b:s30+s13], $0x40, $0x38;
	[tilespmem:$0x1FC80] =	vst v63  }
0x80: {  	s12 =	sadd.s32 @!p2 s7, s12;
	s30 =	simm.s32 @!p2 $0x80  }
0x81: {  	[tilespmem:s30], [sflag:$0xB] =	stream.linear.gather @!p2 [hbm4b:s12+s13], $0x40, $0x38;
	[tilespmem:$0x1FC80] =	vst v63  }
0x82: {  	s30 =	simm.s32 $0x0  }
0x83: {  	v13 =	vld [tilespmem:s30+$0x4400]  }
0x84: {  	v14 =	vld [tilespmem:s30+$0x4410]  }
0x85: {  	v15 =	vld [tilespmem:s30+$0x4420]  }
0x86: {  	v16 =	vld [tilespmem:s30+$0x4430]  }
0x87: {  	v17 =	vld [tilespmem:s30+$0x4440]  }
0x88: {  	v18 =	vld [tilespmem:s30+$0x4450]  }
0x89: {  	v19 =	vld [tilespmem:s30+$0x4460]  }
0x8a: {  	v20 =	vld [tilespmem:s30+$0x4470]  }
0x8b: {  	v6 =	vld [tilespmem:s30+$0x4480]  }
0x8c: {  	v5 =	vld [tilespmem:s30+$0x4490]  }
0x8d: {  	v4 =	vld [tilespmem:s30+$0x44A0]  }
0x8e: {  	v3 =	vld [tilespmem:s30+$0x44B0]  }
0x8f: {  	v2 =	vld [tilespmem:s30+$0x44C0]  }
0x90: {  	v1 =	vld [tilespmem:s30+$0x44D0]  }
0x91: {  	v21 =	vld [tilespmem:s30+$0x2400]  }
0x92: {  	v22 =	vld [tilespmem:s30+$0x2410]  }
0x93: {  	v23 =	vld [tilespmem:s30+$0x2420]  }
0x94: {  	v24 =	vld [tilespmem:s30+$0x2430]  }
0x95: {  	v25 =	vld [tilespmem:s30+$0x2440]  }
0x96: {  	v26 =	vld [tilespmem:s30+$0x2450]  }
0x97: {  	v27 =	vld [tilespmem:s30+$0x2460]  }
0x98: {  	v28 =	vld [tilespmem:s30+$0x2470]  }
0x99: {  	v29 =	vld [tilespmem:s30+$0x2480]  }
0x9a: {  	v30 =	vld [tilespmem:s30+$0x2490]  }
0x9b: {  	v12 =	vld [tilespmem:s30+$0x24A0]  }
0x9c: {  	v11 =	vld [tilespmem:s30+$0x24B0]  }
0x9d: {  	v10 =	vld [tilespmem:s30+$0x24C0]  }
0x9e: {  	v9 =	vld [tilespmem:s30+$0x24D0]  }
0x9f: {  	v8 =	vld [tilespmem:s30+$0x24E0]  }
0xa0: {  	v7 =	vld [tilespmem:s30+$0x24F0]  }
0xa1: {  	v31 =	vld [tilespmem:s30+$0x400]  }
0xa2: {  	v32 =	vld [tilespmem:s30+$0x410]  }
0xa3: {  	v33 =	vld [tilespmem:s30+$0x420]  }
0xa4: {  	v34 =	vld [tilespmem:s30+$0x430]  }
0xa5: {  	v35 =	vld [tilespmem:s30+$0x440]  }
0xa6: {  	v60 =	vld [tilespmem:s30+$0x450];
	v21 =	vadd.f32 v21, v31  }
0xa7: {  	v36 =	vld [tilespmem:s30+$0x460];
	v22 =	vadd.f32 v22, v32  }
0xa8: {  	v23 =	vadd.f32 v23, v33;
	v13 =	vadd.f32 v13, v21;
	v21 =	vld [tilespmem:s30+$0x470]  }
0xa9: {  	v61 =	vld [tilespmem:s30+$0x480];
	v14 =	vadd.f32 v14, v22;
	v22 =	vadd.f32 v24, v34  }
0xaa: {  	v62 =	vld [tilespmem:s30+$0x490];
	v15 =	vadd.f32 v15, v23;
	v23 =	vadd.f32 v25, v35;
	v13 =	vmax.f32 v13, $0.0e+00  }
0xab: {  	v14 =	vmax.f32 v14, $0.0e+00;
	v16 =	vadd.f32 v16, v22;
	v22 =	vadd.f32 v26, v60;
	[tilespmem:s30+$0x400] =	vst v13;
	v13 =	vld [tilespmem:s30+$0x4A0]  }
0xac: {  	v15 =	vmax.f32 v15, $0.0e+00;
	v17 =	vadd.f32 v17, v23;
	v23 =	vadd.f32 v27, v36;
	[tilespmem:s30+$0x410] =	vst v14;
	v14 =	vld [tilespmem:s30+$0x4B0]  }
0xad: {  	[tilespmem:s30+$0x420] =	vst v15;
	v15 =	vld [tilespmem:s30+$0x4C0];
	v16 =	vmax.f32 v16, $0.0e+00;
	v22 =	vadd.f32 v18, v22;
	v63 =	vadd.f32 v28, v21  }
0xae: {  	v17 =	vmax.f32 v17, $0.0e+00;
	v18 =	vadd.f32 v29, v61;
	[tilespmem:s30+$0x430] =	vst v16;
	v16 =	vld [tilespmem:s30+$0x4D0];
	v21 =	vadd.f32 v19, v23  }
0xaf: {  	s12 =	simm.s32 $0x400;
	[tilespmem:s30+$0x440] =	vst v17;
	v19 =	vadd.f32 v30, v62;
	v17 =	vld [tilespmem:s30+$0x4E0];
	v22 =	vmax.f32 v22, $0.0e+00;
	v20 =	vadd.f32 v20, v63  }
.LBB2_7:
0xb0: {  	p3 =	sne.s32 s12, $0x7C00;
	[tilespmem:s30+$0x450] =	vst v22;
	v21 =	vmax.f32 v21, $0.0e+00;
	v6 =	vadd.f32 v6, v18;
	v12 =	vadd.f32 v12, v13;
	v13 =	vld [tilespmem:s30+$0x4F0]  }
0xb1: {  	[tilespmem:s30+$0x460] =	vst v21;
	v18 =	vmax.f32 v20, $0.0e+00;
	v5 =	vadd.f32 v5, v19;
	v11 =	vadd.f32 v11, v14;
	v14 =	vld [tilespmem:s30+$0x44E0]  }
0xb2: {  	s13 =	sshra.s32 s12, $0x2;
	[tilespmem:s30+$0x470] =	vst v18;
	v6 =	vmax.f32 v6, $0.0e+00;
	v4 =	vadd.f32 v4, v12;
	v10 =	vadd.f32 v10, v15;
	v12 =	vld [tilespmem:s30+$0x44F0]  }
0xb3: {  	v15 =	vld [tilespmem:s13+$0x4400];
	[tilespmem:s30+$0x480] =	vst v6;
	v5 =	vmax.f32 v5, $0.0e+00;
	v3 =	vadd.f32 v3, v11;
	v6 =	vadd.f32 v9, v16  }
0xb4: {  	v16 =	vld [tilespmem:s13+$0x4410];
	[tilespmem:s30+$0x490] =	vst v5;
	v4 =	vmax.f32 v4, $0.0e+00;
	v2 =	vadd.f32 v2, v10;
	v5 =	vadd.f32 v8, v17  }
0xb5: {  	v17 =	vld [tilespmem:s13+$0x4420];
	[tilespmem:s30+$0x4A0] =	vst v4;
	v3 =	vmax.f32 v3, $0.0e+00;
	v1 =	vadd.f32 v1, v6;
	v4 =	vadd.f32 v7, v13  }
0xb6: {  	v13 =	vld [tilespmem:s13+$0x4430];
	[tilespmem:s30+$0x4B0] =	vst v3;
	v2 =	vmax.f32 v2, $0.0e+00;
	v3 =	vadd.f32 v14, v5  }
0xb7: {  	v14 =	vld [tilespmem:s13+$0x4440];
	[tilespmem:s30+$0x4C0] =	vst v2;
	v1 =	vmax.f32 v1, $0.0e+00;
	v2 =	vadd.f32 v12, v4  }
0xb8: {  	v18 =	vld [tilespmem:s13+$0x4450];
	[tilespmem:s30+$0x4D0] =	vst v1;
	v1 =	vmax.f32 v3, $0.0e+00  }
0xb9: {  	v19 =	vld [tilespmem:s13+$0x4460];
	[tilespmem:s30+$0x4E0] =	vst v1;
	v1 =	vmax.f32 v2, $0.0e+00  }
0xba: {  	v20 =	vld [tilespmem:s13+$0x4470];
	[tilespmem:s30+$0x4F0] =	vst v1;
	s30 =	smov.u32 s13  }
0xbb: {  	v6 =	vld [tilespmem:s30+$0x4480]  }
0xbc: {  	v5 =	vld [tilespmem:s30+$0x4490]  }
0xbd: {  	v4 =	vld [tilespmem:s30+$0x44A0]  }
0xbe: {  	v3 =	vld [tilespmem:s30+$0x44B0]  }
0xbf: {  	v2 =	vld [tilespmem:s30+$0x44C0]  }
0xc0: {  	v1 =	vld [tilespmem:s30+$0x44D0]  }
0xc1: {  	v21 =	vld [tilespmem:s30+$0x2400]  }
0xc2: {  	v22 =	vld [tilespmem:s30+$0x2410]  }
0xc3: {  	v23 =	vld [tilespmem:s30+$0x2420]  }
0xc4: {  	v24 =	vld [tilespmem:s30+$0x2430]  }
0xc5: {  	v25 =	vld [tilespmem:s30+$0x2440]  }
0xc6: {  	v26 =	vld [tilespmem:s30+$0x2450]  }
0xc7: {  	v27 =	vld [tilespmem:s30+$0x2460]  }
0xc8: {  	v28 =	vld [tilespmem:s30+$0x2470]  }
0xc9: {  	v29 =	vld [tilespmem:s30+$0x2480]  }
0xca: {  	v30 =	vld [tilespmem:s30+$0x2490]  }
0xcb: {  	v12 =	vld [tilespmem:s30+$0x24A0]  }
0xcc: {  	v11 =	vld [tilespmem:s30+$0x24B0]  }
0xcd: {  	v10 =	vld [tilespmem:s30+$0x24C0]  }
0xce: {  	v9 =	vld [tilespmem:s30+$0x24D0]  }
0xcf: {  	v8 =	vld [tilespmem:s30+$0x24E0]  }
0xd0: {  	v7 =	vld [tilespmem:s30+$0x24F0]  }
0xd1: {  	v31 =	vld [tilespmem:s30+$0x400]  }
0xd2: {  	v32 =	vld [tilespmem:s30+$0x410]  }
0xd3: {  	v33 =	vld [tilespmem:s30+$0x420]  }
0xd4: {  	v34 =	vld [tilespmem:s30+$0x430]  }
0xd5: {  	v35 =	vld [tilespmem:s30+$0x440]  }
0xd6: {  	v21 =	vadd.f32 v21, v31;
	v31 =	vld [tilespmem:s30+$0x450]  }
0xd7: {  	v22 =	vadd.f32 v22, v32;
	v32 =	vld [tilespmem:s30+$0x460]  }
0xd8: {  	v15 =	vadd.f32 v15, v21;
	v21 =	vadd.f32 v23, v33;
	v23 =	vld [tilespmem:s30+$0x470]  }
0xd9: {  	v16 =	vadd.f32 v16, v22;
	v22 =	vadd.f32 v24, v34;
	v24 =	vld [tilespmem:s30+$0x480]  }
0xda: {  	v15 =	vmax.f32 v15, $0.0e+00;
	v17 =	vadd.f32 v17, v21;
	v21 =	vadd.f32 v25, v35;
	v25 =	vld [tilespmem:s30+$0x490]  }
.Ltmp3:
0xdb: {  	[tilespmem:s30+$0x400] =	vst v15;
	v15 =	vmax.f32 v16, $0.0e+00;
	v16 =	vadd.f32 v13, v22;
	v22 =	vadd.f32 v26, v31;
	v13 =	vld [tilespmem:s30+$0x4A0];
	(pc) =	sbr.rel @p3 .LBB2_7-.Ltmp3, $4  }
0xdc: {  	[tilespmem:s30+$0x410] =	vst v15;
	v15 =	vmax.f32 v17, $0.0e+00;
	v17 =	vadd.f32 v14, v21;
	v21 =	vadd.f32 v27, v32;
	v14 =	vld [tilespmem:s30+$0x4B0]  }
0xdd: {  	[tilespmem:s30+$0x420] =	vst v15;
	v16 =	vmax.f32 v16, $0.0e+00;
	v22 =	vadd.f32 v18, v22;
	v23 =	vadd.f32 v28, v23;
	v15 =	vld [tilespmem:s30+$0x4C0]  }
0xde: {  	[tilespmem:s30+$0x430] =	vst v16;
	v17 =	vmax.f32 v17, $0.0e+00;
	v21 =	vadd.f32 v19, v21;
	v18 =	vadd.f32 v29, v24;
	v16 =	vld [tilespmem:s30+$0x4D0]  }
0xdf: {  	s12 =	sadd.s32 $0x400, s12;
	[tilespmem:s30+$0x440] =	vst v17;
	v22 =	vmax.f32 v22, $0.0e+00;
	v20 =	vadd.f32 v20, v23;
	v19 =	vadd.f32 v30, v25;
	v17 =	vld [tilespmem:s30+$0x4E0]  }
0xe0: {  	[tilespmem:s30+$0x450] =	vst v22;
	v21 =	vmax.f32 v21, $0.0e+00;
	v22 =	vld [tilespmem:s30+$0x4F0];
	v6 =	vadd.f32 v6, v18;
	v12 =	vadd.f32 v12, v13  }
0xe1: {  	v18 =	vld [tilespmem:s30+$0x44E0];
	[tilespmem:s30+$0x460] =	vst v21;
	v13 =	vmax.f32 v20, $0.0e+00;
	v5 =	vadd.f32 v5, v19;
	v11 =	vadd.f32 v11, v14  }
0xe2: {  	[tilespmem:s30+$0x470] =	vst v13;
	v6 =	vmax.f32 v6, $0.0e+00;
	v4 =	vadd.f32 v4, v12;
	v10 =	vadd.f32 v10, v15;
	v12 =	vld [tilespmem:s30+$0x44F0]  }
0xe3: {  	[tilespmem:s30+$0x480] =	vst v6;
	v5 =	vmax.f32 v5, $0.0e+00;
	v3 =	vadd.f32 v3, v11;
	v6 =	vadd.f32 v9, v16  }
0xe4: {  	[tilespmem:s30+$0x490] =	vst v5;
	v4 =	vmax.f32 v4, $0.0e+00;
	v2 =	vadd.f32 v2, v10;
	v5 =	vadd.f32 v8, v17  }
0xe5: {  	[tilespmem:s30+$0x4A0] =	vst v4;
	v3 =	vmax.f32 v3, $0.0e+00;
	v1 =	vadd.f32 v1, v6;
	v4 =	vadd.f32 v7, v22  }
0xe6: {  	[tilespmem:s30+$0x4B0] =	vst v3;
	v2 =	vmax.f32 v2, $0.0e+00;
	v3 =	vadd.f32 v18, v5  }
0xe7: {  	[tilespmem:s30+$0x4C0] =	vst v2;
	v1 =	vmax.f32 v1, $0.0e+00;
	v2 =	vadd.f32 v12, v4  }
0xe8: {  	[tilespmem:s30+$0x4D0] =	vst v1;
	v1 =	vmax.f32 v3, $0.0e+00  }
0xe9: {  	[tilespmem:s30+$0x4E0] =	vst v1;
	v1 =	vmax.f32 v2, $0.0e+00  }
0xea: {  	s12 =	sadd.s32 s8, s3;
	[tilespmem:s30+$0x4F0] =	vst v1  }
0xeb: {  	[hbm4b:s12+s5] =	stream.linear.scatter [tilespmem:s0], [sflag:$0x7], $0x2000, $0x38;
	[tilespmem:$0x1FC80] =	vst v63  }
0xec: {  	s2 =	simm.s32 $0x200  }
0xed: {  	[spmem:s1] =	stream.indirect.scatter.add.f32 [tilespmem:s0], [sflag:$0x8], $0x80, s2, s31, $0xb8;
	[tilespmem:$0x1FC80] =	vst v63  }
0xee: {  	_ =	swait.ge [sflag:s24], $0x2000  }
0xef: {  	[sflag:s24] =	ssyncset.done $0x0  }
0xf0: {  	[sflag:s24] =	ssyncadd.s32 $0xFFFFE000  }
0xf1: {  	_ =	swait.ge [sflag:s25], $0x2000  }
0xf2: {  	[sflag:s25] =	ssyncset.done $0x0  }
0xf3: {  	s12 =	simm.s32 @!p2 $0xB;
	[sflag:s25] =	ssyncadd.s32 $0xFFFFE000  }
0xf4: {  	_ =	swait.ge @!p2 [sflag:s12], $0x40  }
0xf5: {  	[sflag:s12] =	ssyncset.done @!p2 $0x0  }
0xf6: {  	[sflag:s12] =	ssyncadd.s32 @!p2 $0xFFFFFFC0  }
0xf7: {  	_ =	swait.ge @!p2 [sflag:s12], $0x40  }
0xf8: {  	[sflag:s12] =	ssyncset.done @!p2 $0x0  }
0xf9: {  	s13 =	simm.s32 @!p2 $0x0;
	[sflag:s12] =	ssyncadd.s32 @!p2 $0xFFFFFFC0  }
0xfa: {  	s30 =	simm.s32 @!p2 $0x400;
	s12 =	simm.s32 @!p2 $0x40;
	s2 =	rddreg [dreg:$0x1]  }
0xfb: {  	[tilespmem:s30], [sflag:$0x1] =	stream.indirect.gather @!p2 [hbm4b:s2+s12], $0x80, s13, s12, $0xb8;
	[tilespmem:$0x1FC80] =	vst v63  }
0xfc: {  	s30 =	simm.s32 @!p2 $0x80;
	s2 =	simm.s32 @!p2 $0x2400  }
0xfd: {  	[tilespmem:s2], [sflag:$0x2] =	stream.indirect.gather @!p2 [hbm4b:s9+s12], $0x80, s30, s12, $0xb8;
	[tilespmem:$0x1FC80] =	vst v63  }
0xfe: {  	s2 =	sadd.s32 @!p2 s3, s18;
	s3 =	simm.s32 @!p2 $0x4400  }
0xff: {  	[tilespmem:s3], [sflag:$0x3] =	stream.linear.gather @!p2 [hbm4b:s2+s13], $0x2000, $0x38;
	[tilespmem:$0x1FC80] =	vst v63  }
0x100: {  	_ =	swait.ge [sflag:s26], $0x2000  }
0x101: {  	[sflag:s26] =	ssyncset.done $0x0  }
0x102: {  	[sflag:s26] =	ssyncadd.s32 $0xFFFFE000  }
0x103: {  	_ =	swait.ge [sflag:s28], $0x2000  }
0x104: {  	[sflag:s28] =	ssyncset.done $0x0  }
0x105: {  	[sflag:s28] =	ssyncadd.s32 $0xFFFFE000  }
0x106: {  	_ =	swait.ge [sflag:s21], $0x2000  }
0x107: {  	[sflag:s21] =	ssyncset.done $0x0  }
0x108: {  	[sflag:s21] =	ssyncadd.s32 $0xFFFFE000  }
0x109: {  	v1 =	vld [tilespmem:$0x180]  }
0x10a: {  	v2 =	vld [tilespmem:$0x190]  }
0x10b: {  	v3 =	vld [tilespmem:$0x1A0]  }
0x10c: {  	v4 =	vld [tilespmem:$0x1B0];
	_ =	sdelay $0x1  }
0x10d: {  	[tilespmem:$0x280] =	vst v1  }
0x10e: {  	[tilespmem:$0x290] =	vst v2  }
0x10f: {  	s2 =	sadd.s32 @!p2 $0x18, s23;
	[tilespmem:$0x2A0] =	vst v3  }
0x110: {  	s12 =	simm.s32 @!p2 $0x100;
	s3 =	sadd.s32 @!p2 s6, s2;
	[tilespmem:$0x2B0] =	vst v4  }
0x111: {  	[tilespmem:s12], [sflag:$0xC] =	stream.linear.gather @!p2 [hbm4b:s3+s13], $0x40, $0x38;
	[tilespmem:$0x1FC80] =	vst v63  }
0x112: {  	s2 =	sadd.s32 @!p2 s7, s2;
	s3 =	simm.s32 @!p2 $0x180  }
0x113: {  	[tilespmem:s3], [sflag:$0xC] =	stream.linear.gather @!p2 [hbm4b:s2+s13], $0x40, $0x38;
	[tilespmem:$0x1FC80] =	vst v63  }
0x114: {  	s3 =	simm.s32 $0x0  }
0x115: {  	v13 =	vld [tilespmem:s3+$0xA400]  }
0x116: {  	v14 =	vld [tilespmem:s3+$0xA410]  }
0x117: {  	v15 =	vld [tilespmem:s3+$0xA420]  }
0x118: {  	v16 =	vld [tilespmem:s3+$0xA430]  }
0x119: {  	v17 =	vld [tilespmem:s3+$0xA440]  }
0x11a: {  	v18 =	vld [tilespmem:s3+$0xA450]  }
0x11b: {  	v19 =	vld [tilespmem:s3+$0xA460]  }
0x11c: {  	v20 =	vld [tilespmem:s3+$0xA470]  }
0x11d: {  	v6 =	vld [tilespmem:s3+$0xA480]  }
0x11e: {  	v5 =	vld [tilespmem:s3+$0xA490]  }
0x11f: {  	v4 =	vld [tilespmem:s3+$0xA4A0]  }
0x120: {  	v3 =	vld [tilespmem:s3+$0xA4B0]  }
0x121: {  	v2 =	vld [tilespmem:s3+$0xA4C0]  }
0x122: {  	v1 =	vld [tilespmem:s3+$0xA4D0]  }
0x123: {  	v21 =	vld [tilespmem:s3+$0x8400]  }
0x124: {  	v22 =	vld [tilespmem:s3+$0x8410]  }
0x125: {  	v23 =	vld [tilespmem:s3+$0x8420]  }
0x126: {  	v24 =	vld [tilespmem:s3+$0x8430]  }
0x127: {  	v25 =	vld [tilespmem:s3+$0x8440]  }
0x128: {  	v26 =	vld [tilespmem:s3+$0x8450]  }
0x129: {  	v27 =	vld [tilespmem:s3+$0x8460]  }
0x12a: {  	v28 =	vld [tilespmem:s3+$0x8470]  }
0x12b: {  	v29 =	vld [tilespmem:s3+$0x8480]  }
0x12c: {  	v30 =	vld [tilespmem:s3+$0x8490]  }
0x12d: {  	v12 =	vld [tilespmem:s3+$0x84A0]  }
0x12e: {  	v11 =	vld [tilespmem:s3+$0x84B0]  }
0x12f: {  	v10 =	vld [tilespmem:s3+$0x84C0]  }
0x130: {  	v9 =	vld [tilespmem:s3+$0x84D0]  }
0x131: {  	v8 =	vld [tilespmem:s3+$0x84E0]  }
0x132: {  	v7 =	vld [tilespmem:s3+$0x84F0]  }
0x133: {  	v31 =	vld [tilespmem:s3+$0x6400]  }
0x134: {  	v32 =	vld [tilespmem:s3+$0x6410]  }
0x135: {  	v33 =	vld [tilespmem:s3+$0x6420]  }
0x136: {  	v34 =	vld [tilespmem:s3+$0x6430]  }
0x137: {  	v35 =	vld [tilespmem:s3+$0x6440]  }
0x138: {  	v60 =	vld [tilespmem:s3+$0x6450];
	v21 =	vadd.f32 v21, v31  }
0x139: {  	v36 =	vld [tilespmem:s3+$0x6460];
	v22 =	vadd.f32 v22, v32  }
0x13a: {  	v23 =	vadd.f32 v23, v33;
	v13 =	vadd.f32 v13, v21;
	v21 =	vld [tilespmem:s3+$0x6470]  }
0x13b: {  	v61 =	vld [tilespmem:s3+$0x6480];
	v14 =	vadd.f32 v14, v22;
	v22 =	vadd.f32 v24, v34  }
0x13c: {  	v62 =	vld [tilespmem:s3+$0x6490];
	v15 =	vadd.f32 v15, v23;
	v23 =	vadd.f32 v25, v35;
	v13 =	vmax.f32 v13, $0.0e+00  }
0x13d: {  	v14 =	vmax.f32 v14, $0.0e+00;
	v16 =	vadd.f32 v16, v22;
	v22 =	vadd.f32 v26, v60;
	[tilespmem:s3+$0x6400] =	vst v13;
	v13 =	vld [tilespmem:s3+$0x64A0]  }
0x13e: {  	v15 =	vmax.f32 v15, $0.0e+00;
	v17 =	vadd.f32 v17, v23;
	v23 =	vadd.f32 v27, v36;
	[tilespmem:s3+$0x6410] =	vst v14;
	v14 =	vld [tilespmem:s3+$0x64B0]  }
0x13f: {  	[tilespmem:s3+$0x6420] =	vst v15;
	v15 =	vld [tilespmem:s3+$0x64C0];
	v16 =	vmax.f32 v16, $0.0e+00;
	v22 =	vadd.f32 v18, v22;
	v63 =	vadd.f32 v28, v21  }
0x140: {  	v17 =	vmax.f32 v17, $0.0e+00;
	v18 =	vadd.f32 v29, v61;
	[tilespmem:s3+$0x6430] =	vst v16;
	v16 =	vld [tilespmem:s3+$0x64D0];
	v21 =	vadd.f32 v19, v23  }
0x141: {  	s12 =	simm.s32 $0x400;
	[tilespmem:s3+$0x6440] =	vst v17;
	v19 =	vadd.f32 v30, v62;
	v17 =	vld [tilespmem:s3+$0x64E0];
	v22 =	vmax.f32 v22, $0.0e+00;
	v20 =	vadd.f32 v20, v63  }
.LBB2_9:
0x142: {  	p2 =	sne.s32 s12, $0x7C00;
	[tilespmem:s3+$0x6450] =	vst v22;
	v21 =	vmax.f32 v21, $0.0e+00;
	v6 =	vadd.f32 v6, v18;
	v12 =	vadd.f32 v12, v13;
	v13 =	vld [tilespmem:s3+$0x64F0]  }
0x143: {  	[tilespmem:s3+$0x6460] =	vst v21;
	v18 =	vmax.f32 v20, $0.0e+00;
	v5 =	vadd.f32 v5, v19;
	v11 =	vadd.f32 v11, v14;
	v14 =	vld [tilespmem:s3+$0xA4E0]  }
0x144: {  	s2 =	sshra.s32 s12, $0x2;
	[tilespmem:s3+$0x6470] =	vst v18;
	v6 =	vmax.f32 v6, $0.0e+00;
	v4 =	vadd.f32 v4, v12;
	v10 =	vadd.f32 v10, v15;
	v12 =	vld [tilespmem:s3+$0xA4F0]  }
0x145: {  	v15 =	vld [tilespmem:s2+$0xA400];
	[tilespmem:s3+$0x6480] =	vst v6;
	v5 =	vmax.f32 v5, $0.0e+00;
	v3 =	vadd.f32 v3, v11;
	v6 =	vadd.f32 v9, v16  }
0x146: {  	v16 =	vld [tilespmem:s2+$0xA410];
	[tilespmem:s3+$0x6490] =	vst v5;
	v4 =	vmax.f32 v4, $0.0e+00;
	v2 =	vadd.f32 v2, v10;
	v5 =	vadd.f32 v8, v17  }
0x147: {  	v17 =	vld [tilespmem:s2+$0xA420];
	[tilespmem:s3+$0x64A0] =	vst v4;
	v3 =	vmax.f32 v3, $0.0e+00;
	v1 =	vadd.f32 v1, v6;
	v4 =	vadd.f32 v7, v13  }
0x148: {  	v13 =	vld [tilespmem:s2+$0xA430];
	[tilespmem:s3+$0x64B0] =	vst v3;
	v2 =	vmax.f32 v2, $0.0e+00;
	v3 =	vadd.f32 v14, v5  }
0x149: {  	v14 =	vld [tilespmem:s2+$0xA440];
	[tilespmem:s3+$0x64C0] =	vst v2;
	v1 =	vmax.f32 v1, $0.0e+00;
	v2 =	vadd.f32 v12, v4  }
0x14a: {  	v18 =	vld [tilespmem:s2+$0xA450];
	[tilespmem:s3+$0x64D0] =	vst v1;
	v1 =	vmax.f32 v3, $0.0e+00  }
0x14b: {  	v19 =	vld [tilespmem:s2+$0xA460];
	[tilespmem:s3+$0x64E0] =	vst v1;
	v1 =	vmax.f32 v2, $0.0e+00  }
0x14c: {  	v20 =	vld [tilespmem:s2+$0xA470];
	[tilespmem:s3+$0x64F0] =	vst v1;
	s3 =	smov.u32 s2  }
0x14d: {  	v6 =	vld [tilespmem:s3+$0xA480]  }
0x14e: {  	v5 =	vld [tilespmem:s3+$0xA490]  }
0x14f: {  	v4 =	vld [tilespmem:s3+$0xA4A0]  }
0x150: {  	v3 =	vld [tilespmem:s3+$0xA4B0]  }
0x151: {  	v2 =	vld [tilespmem:s3+$0xA4C0]  }
0x152: {  	v1 =	vld [tilespmem:s3+$0xA4D0]  }
0x153: {  	v21 =	vld [tilespmem:s3+$0x8400]  }
0x154: {  	v22 =	vld [tilespmem:s3+$0x8410]  }
0x155: {  	v23 =	vld [tilespmem:s3+$0x8420]  }
0x156: {  	v24 =	vld [tilespmem:s3+$0x8430]  }
0x157: {  	v25 =	vld [tilespmem:s3+$0x8440]  }
0x158: {  	v26 =	vld [tilespmem:s3+$0x8450]  }
0x159: {  	v27 =	vld [tilespmem:s3+$0x8460]  }
0x15a: {  	v28 =	vld [tilespmem:s3+$0x8470]  }
0x15b: {  	v29 =	vld [tilespmem:s3+$0x8480]  }
0x15c: {  	v30 =	vld [tilespmem:s3+$0x8490]  }
0x15d: {  	v12 =	vld [tilespmem:s3+$0x84A0]  }
0x15e: {  	v11 =	vld [tilespmem:s3+$0x84B0]  }
0x15f: {  	v10 =	vld [tilespmem:s3+$0x84C0]  }
0x160: {  	v9 =	vld [tilespmem:s3+$0x84D0]  }
0x161: {  	v8 =	vld [tilespmem:s3+$0x84E0]  }
0x162: {  	v7 =	vld [tilespmem:s3+$0x84F0]  }
0x163: {  	v31 =	vld [tilespmem:s3+$0x6400]  }
0x164: {  	v32 =	vld [tilespmem:s3+$0x6410]  }
0x165: {  	v33 =	vld [tilespmem:s3+$0x6420]  }
0x166: {  	v34 =	vld [tilespmem:s3+$0x6430]  }
0x167: {  	v35 =	vld [tilespmem:s3+$0x6440]  }
0x168: {  	v21 =	vadd.f32 v21, v31;
	v31 =	vld [tilespmem:s3+$0x6450]  }
0x169: {  	v22 =	vadd.f32 v22, v32;
	v32 =	vld [tilespmem:s3+$0x6460]  }
0x16a: {  	v15 =	vadd.f32 v15, v21;
	v21 =	vadd.f32 v23, v33;
	v23 =	vld [tilespmem:s3+$0x6470]  }
0x16b: {  	v16 =	vadd.f32 v16, v22;
	v22 =	vadd.f32 v24, v34;
	v24 =	vld [tilespmem:s3+$0x6480]  }
0x16c: {  	v15 =	vmax.f32 v15, $0.0e+00;
	v17 =	vadd.f32 v17, v21;
	v21 =	vadd.f32 v25, v35;
	v25 =	vld [tilespmem:s3+$0x6490]  }
.Ltmp4:
0x16d: {  	[tilespmem:s3+$0x6400] =	vst v15;
	v15 =	vmax.f32 v16, $0.0e+00;
	v16 =	vadd.f32 v13, v22;
	v22 =	vadd.f32 v26, v31;
	v13 =	vld [tilespmem:s3+$0x64A0];
	(pc) =	sbr.rel @p2 .LBB2_9-.Ltmp4, $4  }
0x16e: {  	[tilespmem:s3+$0x6410] =	vst v15;
	v15 =	vmax.f32 v17, $0.0e+00;
	v17 =	vadd.f32 v14, v21;
	v21 =	vadd.f32 v27, v32;
	v14 =	vld [tilespmem:s3+$0x64B0]  }
0x16f: {  	[tilespmem:s3+$0x6420] =	vst v15;
	v16 =	vmax.f32 v16, $0.0e+00;
	v22 =	vadd.f32 v18, v22;
	v23 =	vadd.f32 v28, v23;
	v15 =	vld [tilespmem:s3+$0x64C0]  }
0x170: {  	[tilespmem:s3+$0x6430] =	vst v16;
	v17 =	vmax.f32 v17, $0.0e+00;
	v21 =	vadd.f32 v19, v21;
	v18 =	vadd.f32 v29, v24;
	v16 =	vld [tilespmem:s3+$0x64D0]  }
0x171: {  	s12 =	sadd.s32 $0x400, s12;
	[tilespmem:s3+$0x6440] =	vst v17;
	v22 =	vmax.f32 v22, $0.0e+00;
	v20 =	vadd.f32 v20, v23;
	v19 =	vadd.f32 v30, v25;
	v17 =	vld [tilespmem:s3+$0x64E0]  }
0x172: {  	[tilespmem:s3+$0x6450] =	vst v22;
	v21 =	vmax.f32 v21, $0.0e+00;
	v57 =	vld [tilespmem:s3+$0x64F0];
	v6 =	vadd.f32 v6, v18;
	v12 =	vadd.f32 v12, v13  }
0x173: {  	v59 =	vld [tilespmem:s3+$0xA4E0];
	[tilespmem:s3+$0x6460] =	vst v21;
	v58 =	vmax.f32 v20, $0.0e+00;
	v5 =	vadd.f32 v5, v19;
	v11 =	vadd.f32 v11, v14  }
0x174: {  	v60 =	vld [tilespmem:s3+$0xA4F0];
	[tilespmem:s3+$0x6470] =	vst v58;
	v6 =	vmax.f32 v6, $0.0e+00;
	v4 =	vadd.f32 v4, v12;
	v10 =	vadd.f32 v10, v15  }
0x175: {  	[tilespmem:s3+$0x6480] =	vst v6;
	v5 =	vmax.f32 v5, $0.0e+00;
	v3 =	vadd.f32 v3, v11;
	v61 =	vadd.f32 v9, v16  }
0x176: {  	[tilespmem:s3+$0x6490] =	vst v5;
	v4 =	vmax.f32 v4, $0.0e+00;
	v2 =	vadd.f32 v2, v10;
	v62 =	vadd.f32 v8, v17  }
0x177: {  	[tilespmem:s3+$0x64A0] =	vst v4;
	v3 =	vmax.f32 v3, $0.0e+00;
	v1 =	vadd.f32 v1, v61;
	v63 =	vadd.f32 v7, v57  }
0x178: {  	[tilespmem:s3+$0x64B0] =	vst v3;
	v2 =	vmax.f32 v2, $0.0e+00;
	v3 =	vadd.f32 v59, v62  }
0x179: {  	s17 =	sadd.s32 $0x1, s17;
	[tilespmem:s3+$0x64C0] =	vst v2;
	v1 =	vmax.f32 v1, $0.0e+00;
	v2 =	vadd.f32 v60, v63  }
0x17a: {  	p2 =	sne.s32 s17, $0x4E;
	[tilespmem:s3+$0x64D0] =	vst v1;
	v1 =	vmax.f32 v3, $0.0e+00  }
.Ltmp5:
0x17b: {  	[tilespmem:s3+$0x64E0] =	vst v1;
	v1 =	vmax.f32 v2, $0.0e+00;
	(pc) =	sbr.rel @p2 .LBB2_6-.Ltmp5, $4  }
0x17c: {  	s2 =	sadd.s32 s8, s15;
	[tilespmem:s3+$0x64F0] =	vst v1  }
0x17d: {  	[hbm4b:s2+s5] =	stream.linear.scatter [tilespmem:s19], [sflag:$0x9], $0x2000, $0x38;
	[tilespmem:$0x1FC80] =	vst v63  }
0x17e: {  	s30 =	simm.s32 $0x280  }
0x17f: {  	[spmem:s1] =	stream.indirect.scatter.add.f32 [tilespmem:s19], [sflag:$0xA], $0x80, s30, s31, $0xb8;
	[tilespmem:$0x1FC80] =	vst v63  }
0x180: {  	s2 =	simm.s32 $0x9  }
0x181: {  	_ =	swait.ge [sflag:s2], $0x2000  }
0x182: {  	[sflag:s2] =	ssyncset.done $0x0  }
0x183: {  	s23 =	simm.s32 $0xA;
	[sflag:s2] =	ssyncadd.s32 $0xFFFFE000  }
0x184: {  	_ =	swait.ge [sflag:s23], $0x2000  }
0x185: {  	s12 =	simm.s32 $0x300;
	[sflag:s23] =	ssyncset.done $0x0  }
0x186: {  	s2 =	simm.s32 $0x0;
	s3 =	rddreg [dreg:$0xc];
	[sflag:s23] =	ssyncadd.s32 $0xFFFFE000  }
0x187: {  	[tilespmem:s12], [sflag:$0xD] =	stream.linear.gather [hbm4b:s3+s2], $0x10, $0x38;
	[tilespmem:$0x1FC80] =	vst v63  }
0x188: {  	_ =	swait.ge [sflag:s16], $0x10  }
0x189: {  	[sflag:s16] =	ssyncset.done $0x0  }
0x18a: {  	s15 =	simm.s32 $0x380;
	s30 =	rddreg [dreg:$0xd];
	[sflag:s16] =	ssyncadd.s32 $0xFFFFFFF0  }
0x18b: {  	[tilespmem:s15], [sflag:$0xD] =	stream.linear.gather [hbm4b:s30+s2], $0x10, $0x38;
	[tilespmem:$0x1FC80] =	vst v63  }
0x18c: {  	_ =	swait.ge [sflag:s16], $0x10  }
0x18d: {  	[sflag:s16] =	ssyncset.done $0x0  }
0x18e: {  	[sflag:s16] =	ssyncadd.s32 $0xFFFFFFF0  }
0x18f: {  	s30 =	simm.s32 $0x10;
	s13 =	rddreg [dreg:$0x1]  }
0x190: {  	[tilespmem:s0], [sflag:$0x1] =	stream.indirect.gather [hbm4b:s13+s30], $0x80, s12, s30, $0xb8;
	[tilespmem:$0x1FC80] =	vst v63  }
0x191: {  	s17 =	simm.s32 $0x2400  }
0x192: {  	[tilespmem:s17], [sflag:$0x2] =	stream.indirect.gather [hbm4b:s9+s30], $0x80, s15, s30, $0xb8;
	[tilespmem:$0x1FC80] =	vst v63  }
0x193: {  	s15 =	rddreg [dreg:$0xf];
	s30 =	simm.s32 $0x4400  }
0x194: {  	[tilespmem:s30], [sflag:$0x3] =	stream.linear.gather [hbm4b:s15+s2], $0x800, $0x38;
	[tilespmem:$0x1FC80] =	vst v63  }
0x195: {  	_ =	swait.ge [sflag:s20], $0x800  }
0x196: {  	[sflag:s20] =	ssyncset.done $0x0  }
0x197: {  	[sflag:s20] =	ssyncadd.s32 $0xFFFFF800  }
0x198: {  	_ =	swait.ge [sflag:s11], $0x800  }
0x199: {  	[sflag:s11] =	ssyncset.done $0x0  }
0x19a: {  	[sflag:s11] =	ssyncadd.s32 $0xFFFFF800  }
0x19b: {  	_ =	swait.ge [sflag:s22], $0x800  }
0x19c: {  	[sflag:s22] =	ssyncset.done $0x0  }
0x19d: {  	s3 =	simm.s32 $0x0;
	[sflag:s22] =	ssyncadd.s32 $0xFFFFF800  }
0x19e: {  	v13 =	vld [tilespmem:s3+$0x4400]  }
0x19f: {  	v14 =	vld [tilespmem:s3+$0x4410]  }
0x1a0: {  	v15 =	vld [tilespmem:s3+$0x4420]  }
0x1a1: {  	v16 =	vld [tilespmem:s3+$0x4430]  }
0x1a2: {  	v17 =	vld [tilespmem:s3+$0x4440]  }
0x1a3: {  	v18 =	vld [tilespmem:s3+$0x4450]  }
0x1a4: {  	v19 =	vld [tilespmem:s3+$0x4460]  }
0x1a5: {  	v20 =	vld [tilespmem:s3+$0x4470]  }
0x1a6: {  	v6 =	vld [tilespmem:s3+$0x4480]  }
0x1a7: {  	v5 =	vld [tilespmem:s3+$0x4490]  }
0x1a8: {  	v4 =	vld [tilespmem:s3+$0x44A0]  }
0x1a9: {  	v3 =	vld [tilespmem:s3+$0x44B0]  }
0x1aa: {  	v2 =	vld [tilespmem:s3+$0x44C0]  }
0x1ab: {  	v1 =	vld [tilespmem:s3+$0x44D0]  }
0x1ac: {  	v21 =	vld [tilespmem:s3+$0x2400]  }
0x1ad: {  	v22 =	vld [tilespmem:s3+$0x2410]  }
0x1ae: {  	v23 =	vld [tilespmem:s3+$0x2420]  }
0x1af: {  	v24 =	vld [tilespmem:s3+$0x2430]  }
0x1b0: {  	v25 =	vld [tilespmem:s3+$0x2440]  }
0x1b1: {  	v26 =	vld [tilespmem:s3+$0x2450]  }
0x1b2: {  	v27 =	vld [tilespmem:s3+$0x2460]  }
0x1b3: {  	v28 =	vld [tilespmem:s3+$0x2470]  }
0x1b4: {  	v29 =	vld [tilespmem:s3+$0x2480]  }
0x1b5: {  	v30 =	vld [tilespmem:s3+$0x2490]  }
0x1b6: {  	v12 =	vld [tilespmem:s3+$0x24A0]  }
0x1b7: {  	v11 =	vld [tilespmem:s3+$0x24B0]  }
0x1b8: {  	v10 =	vld [tilespmem:s3+$0x24C0]  }
0x1b9: {  	v9 =	vld [tilespmem:s3+$0x24D0]  }
0x1ba: {  	v8 =	vld [tilespmem:s3+$0x24E0]  }
0x1bb: {  	v7 =	vld [tilespmem:s3+$0x24F0]  }
0x1bc: {  	v31 =	vld [tilespmem:s3+$0x400]  }
0x1bd: {  	v32 =	vld [tilespmem:s3+$0x410]  }
0x1be: {  	v33 =	vld [tilespmem:s3+$0x420]  }
0x1bf: {  	v34 =	vld [tilespmem:s3+$0x430]  }
0x1c0: {  	v35 =	vld [tilespmem:s3+$0x440]  }
0x1c1: {  	v60 =	vld [tilespmem:s3+$0x450];
	v21 =	vadd.f32 v21, v31  }
0x1c2: {  	v36 =	vld [tilespmem:s3+$0x460];
	v22 =	vadd.f32 v22, v32  }
0x1c3: {  	v23 =	vadd.f32 v23, v33;
	v13 =	vadd.f32 v13, v21;
	v21 =	vld [tilespmem:s3+$0x470]  }
0x1c4: {  	v61 =	vld [tilespmem:s3+$0x480];
	v14 =	vadd.f32 v14, v22;
	v22 =	vadd.f32 v24, v34  }
0x1c5: {  	v62 =	vld [tilespmem:s3+$0x490];
	v15 =	vadd.f32 v15, v23;
	v23 =	vadd.f32 v25, v35;
	v13 =	vmax.f32 v13, $0.0e+00  }
0x1c6: {  	v14 =	vmax.f32 v14, $0.0e+00;
	v16 =	vadd.f32 v16, v22;
	v22 =	vadd.f32 v26, v60;
	[tilespmem:s3+$0x400] =	vst v13;
	v13 =	vld [tilespmem:s3+$0x4A0]  }
0x1c7: {  	v15 =	vmax.f32 v15, $0.0e+00;
	v17 =	vadd.f32 v17, v23;
	v23 =	vadd.f32 v27, v36;
	[tilespmem:s3+$0x410] =	vst v14;
	v14 =	vld [tilespmem:s3+$0x4B0]  }
0x1c8: {  	[tilespmem:s3+$0x420] =	vst v15;
	v15 =	vld [tilespmem:s3+$0x4C0];
	v16 =	vmax.f32 v16, $0.0e+00;
	v22 =	vadd.f32 v18, v22;
	v63 =	vadd.f32 v28, v21  }
0x1c9: {  	v17 =	vmax.f32 v17, $0.0e+00;
	v18 =	vadd.f32 v29, v61;
	[tilespmem:s3+$0x430] =	vst v16;
	v16 =	vld [tilespmem:s3+$0x4D0];
	v21 =	vadd.f32 v19, v23  }
0x1ca: {  	s23 =	simm.s32 $0x10;
	s13 =	simm.s32 $0x380;
	s12 =	simm.s32 $0x400;
	[tilespmem:s3+$0x440] =	vst v17;
	v19 =	vadd.f32 v30, v62;
	v17 =	vld [tilespmem:s3+$0x4E0];
	v22 =	vmax.f32 v22, $0.0e+00;
	v20 =	vadd.f32 v20, v63  }
.LBB2_12:
0x1cb: {  	p2 =	sne.s32 s12, $0x1C00;
	[tilespmem:s3+$0x450] =	vst v22;
	v21 =	vmax.f32 v21, $0.0e+00;
	v6 =	vadd.f32 v6, v18;
	v12 =	vadd.f32 v12, v13;
	v13 =	vld [tilespmem:s3+$0x4F0]  }
0x1cc: {  	[tilespmem:s3+$0x460] =	vst v21;
	v18 =	vmax.f32 v20, $0.0e+00;
	v5 =	vadd.f32 v5, v19;
	v11 =	vadd.f32 v11, v14;
	v14 =	vld [tilespmem:s3+$0x44E0]  }
0x1cd: {  	s2 =	sshra.s32 s12, $0x2;
	[tilespmem:s3+$0x470] =	vst v18;
	v6 =	vmax.f32 v6, $0.0e+00;
	v4 =	vadd.f32 v4, v12;
	v10 =	vadd.f32 v10, v15;
	v12 =	vld [tilespmem:s3+$0x44F0]  }
0x1ce: {  	v15 =	vld [tilespmem:s2+$0x4400];
	[tilespmem:s3+$0x480] =	vst v6;
	v5 =	vmax.f32 v5, $0.0e+00;
	v3 =	vadd.f32 v3, v11;
	v6 =	vadd.f32 v9, v16  }
0x1cf: {  	v16 =	vld [tilespmem:s2+$0x4410];
	[tilespmem:s3+$0x490] =	vst v5;
	v4 =	vmax.f32 v4, $0.0e+00;
	v2 =	vadd.f32 v2, v10;
	v5 =	vadd.f32 v8, v17  }
0x1d0: {  	v17 =	vld [tilespmem:s2+$0x4420];
	[tilespmem:s3+$0x4A0] =	vst v4;
	v3 =	vmax.f32 v3, $0.0e+00;
	v1 =	vadd.f32 v1, v6;
	v4 =	vadd.f32 v7, v13  }
0x1d1: {  	v13 =	vld [tilespmem:s2+$0x4430];
	[tilespmem:s3+$0x4B0] =	vst v3;
	v2 =	vmax.f32 v2, $0.0e+00;
	v3 =	vadd.f32 v14, v5  }
0x1d2: {  	v14 =	vld [tilespmem:s2+$0x4440];
	[tilespmem:s3+$0x4C0] =	vst v2;
	v1 =	vmax.f32 v1, $0.0e+00;
	v2 =	vadd.f32 v12, v4  }
0x1d3: {  	v18 =	vld [tilespmem:s2+$0x4450];
	[tilespmem:s3+$0x4D0] =	vst v1;
	v1 =	vmax.f32 v3, $0.0e+00  }
0x1d4: {  	v19 =	vld [tilespmem:s2+$0x4460];
	[tilespmem:s3+$0x4E0] =	vst v1;
	v1 =	vmax.f32 v2, $0.0e+00  }
0x1d5: {  	v20 =	vld [tilespmem:s2+$0x4470];
	[tilespmem:s3+$0x4F0] =	vst v1;
	s3 =	smov.u32 s2  }
0x1d6: {  	v6 =	vld [tilespmem:s3+$0x4480]  }
0x1d7: {  	v5 =	vld [tilespmem:s3+$0x4490]  }
0x1d8: {  	v4 =	vld [tilespmem:s3+$0x44A0]  }
0x1d9: {  	v3 =	vld [tilespmem:s3+$0x44B0]  }
0x1da: {  	v2 =	vld [tilespmem:s3+$0x44C0]  }
0x1db: {  	v1 =	vld [tilespmem:s3+$0x44D0]  }
0x1dc: {  	v21 =	vld [tilespmem:s3+$0x2400]  }
0x1dd: {  	v22 =	vld [tilespmem:s3+$0x2410]  }
0x1de: {  	v23 =	vld [tilespmem:s3+$0x2420]  }
0x1df: {  	v24 =	vld [tilespmem:s3+$0x2430]  }
0x1e0: {  	v25 =	vld [tilespmem:s3+$0x2440]  }
0x1e1: {  	v26 =	vld [tilespmem:s3+$0x2450]  }
0x1e2: {  	v27 =	vld [tilespmem:s3+$0x2460]  }
0x1e3: {  	v28 =	vld [tilespmem:s3+$0x2470]  }
0x1e4: {  	v29 =	vld [tilespmem:s3+$0x2480]  }
0x1e5: {  	v30 =	vld [tilespmem:s3+$0x2490]  }
0x1e6: {  	v12 =	vld [tilespmem:s3+$0x24A0]  }
0x1e7: {  	v11 =	vld [tilespmem:s3+$0x24B0]  }
0x1e8: {  	v10 =	vld [tilespmem:s3+$0x24C0]  }
0x1e9: {  	v9 =	vld [tilespmem:s3+$0x24D0]  }
0x1ea: {  	v8 =	vld [tilespmem:s3+$0x24E0]  }
0x1eb: {  	v7 =	vld [tilespmem:s3+$0x24F0]  }
0x1ec: {  	v31 =	vld [tilespmem:s3+$0x400]  }
0x1ed: {  	v32 =	vld [tilespmem:s3+$0x410]  }
0x1ee: {  	v33 =	vld [tilespmem:s3+$0x420]  }
0x1ef: {  	v34 =	vld [tilespmem:s3+$0x430]  }
0x1f0: {  	v35 =	vld [tilespmem:s3+$0x440]  }
0x1f1: {  	v21 =	vadd.f32 v21, v31;
	v31 =	vld [tilespmem:s3+$0x450]  }
0x1f2: {  	v22 =	vadd.f32 v22, v32;
	v32 =	vld [tilespmem:s3+$0x460]  }
0x1f3: {  	v15 =	vadd.f32 v15, v21;
	v21 =	vadd.f32 v23, v33;
	v23 =	vld [tilespmem:s3+$0x470]  }
0x1f4: {  	v16 =	vadd.f32 v16, v22;
	v22 =	vadd.f32 v24, v34;
	v24 =	vld [tilespmem:s3+$0x480]  }
0x1f5: {  	v15 =	vmax.f32 v15, $0.0e+00;
	v17 =	vadd.f32 v17, v21;
	v21 =	vadd.f32 v25, v35;
	v25 =	vld [tilespmem:s3+$0x490]  }
.Ltmp6:
0x1f6: {  	[tilespmem:s3+$0x400] =	vst v15;
	v15 =	vmax.f32 v16, $0.0e+00;
	v16 =	vadd.f32 v13, v22;
	v22 =	vadd.f32 v26, v31;
	v13 =	vld [tilespmem:s3+$0x4A0];
	(pc) =	sbr.rel @p2 .LBB2_12-.Ltmp6, $4  }
0x1f7: {  	[tilespmem:s3+$0x410] =	vst v15;
	v15 =	vmax.f32 v17, $0.0e+00;
	v17 =	vadd.f32 v14, v21;
	v21 =	vadd.f32 v27, v32;
	v14 =	vld [tilespmem:s3+$0x4B0]  }
0x1f8: {  	[tilespmem:s3+$0x420] =	vst v15;
	v16 =	vmax.f32 v16, $0.0e+00;
	v22 =	vadd.f32 v18, v22;
	v23 =	vadd.f32 v28, v23;
	v15 =	vld [tilespmem:s3+$0x4C0]  }
0x1f9: {  	[tilespmem:s3+$0x430] =	vst v16;
	v17 =	vmax.f32 v17, $0.0e+00;
	v21 =	vadd.f32 v19, v21;
	v18 =	vadd.f32 v29, v24;
	v16 =	vld [tilespmem:s3+$0x4D0]  }
0x1fa: {  	s12 =	sadd.s32 $0x400, s12;
	[tilespmem:s3+$0x440] =	vst v17;
	v22 =	vmax.f32 v22, $0.0e+00;
	v20 =	vadd.f32 v20, v23;
	v19 =	vadd.f32 v30, v25;
	v17 =	vld [tilespmem:s3+$0x4E0]  }
0x1fb: {  	[tilespmem:s3+$0x450] =	vst v22;
	v21 =	vmax.f32 v21, $0.0e+00;
	v57 =	vld [tilespmem:s3+$0x4F0];
	v6 =	vadd.f32 v6, v18;
	v12 =	vadd.f32 v12, v13  }
0x1fc: {  	v59 =	vld [tilespmem:s3+$0x44E0];
	[tilespmem:s3+$0x460] =	vst v21;
	v58 =	vmax.f32 v20, $0.0e+00;
	v5 =	vadd.f32 v5, v19;
	v11 =	vadd.f32 v11, v14  }
0x1fd: {  	v60 =	vld [tilespmem:s3+$0x44F0];
	[tilespmem:s3+$0x470] =	vst v58;
	v6 =	vmax.f32 v6, $0.0e+00;
	v4 =	vadd.f32 v4, v12;
	v10 =	vadd.f32 v10, v15  }
0x1fe: {  	[tilespmem:s3+$0x480] =	vst v6;
	v5 =	vmax.f32 v5, $0.0e+00;
	v3 =	vadd.f32 v3, v11;
	v61 =	vadd.f32 v9, v16  }
0x1ff: {  	[tilespmem:s3+$0x490] =	vst v5;
	v4 =	vmax.f32 v4, $0.0e+00;
	v2 =	vadd.f32 v2, v10;
	v62 =	vadd.f32 v8, v17  }
0x200: {  	[tilespmem:s3+$0x4A0] =	vst v4;
	v3 =	vmax.f32 v3, $0.0e+00;
	v1 =	vadd.f32 v1, v61;
	v63 =	vadd.f32 v7, v57  }
0x201: {  	[tilespmem:s3+$0x4B0] =	vst v3;
	v2 =	vmax.f32 v2, $0.0e+00;
	v3 =	vadd.f32 v59, v62  }
0x202: {  	[tilespmem:s3+$0x4C0] =	vst v2;
	v1 =	vmax.f32 v1, $0.0e+00;
	v2 =	vadd.f32 v60, v63  }
0x203: {  	[tilespmem:s3+$0x4D0] =	vst v1;
	v1 =	vmax.f32 v3, $0.0e+00  }
0x204: {  	[tilespmem:s3+$0x4E0] =	vst v1;
	v1 =	vmax.f32 v2, $0.0e+00  }
0x205: {  	s2 =	rddreg [dreg:$0x10];
	[tilespmem:s3+$0x4F0] =	vst v1  }
0x206: {  	[hbm4b:s2+s5] =	stream.linear.scatter [tilespmem:s0], [sflag:$0xD], $0x800, $0x38;
	[tilespmem:$0x1FC80] =	vst v63  }
0x207: {  	_ =	swait.ge [sflag:s16], $0x800  }
0x208: {  	[sflag:s16] =	ssyncset.done $0x0  }
0x209: {  	[sflag:s16] =	ssyncadd.s32 $0xFFFFF800  }
0x20a: {  	[spmem:s1] =	stream.indirect.scatter.add.f32 [tilespmem:s0], [sflag:$0xD], $0x80, s13, s23, $0xb8;
	[tilespmem:$0x1FC80] =	vst v63  }
0x20b: {  	_ =	swait.ge [sflag:s16], $0x800  }
0x20c: {  	[sflag:s16] =	ssyncset.done $0x0  }
0x20d: {  	[sflag:s16] =	ssyncadd.s32 $0xFFFFF800  }
0x20e: {  	[bflag:$0x0] =	sbarrier.arrive $0xFFFF  }
0x20f: {  	s30 =	rddreg [dreg:$0xb]  }
0x210: {  	[tilespmem:s0], [sflag:$0xD] =	stream.linear.gather [spmem:s30], $0x2000, $0x38;
	[tilespmem:$0x1FC80] =	vst v63  }
0x211: {  	_ =	swait.ge [sflag:s16], $0x2000  }
0x212: {  	[sflag:s16] =	ssyncset.done $0x0  }
.Ltmp7:
0x213: {  	s12 =	rddreg [dreg:$0xe];
	[sflag:s16] =	ssyncadd.s32 $0xFFFFE000;
	(pc) =	sbr.rel @!p1 .LBB2_15-.Ltmp7, $4  }
0x214: {  	[hbm4b:s12+s5] =	stream.linear.scatter [tilespmem:s0], [sflag:$0xD], $0x2000, $0x38;
	[tilespmem:$0x1FC80] =	vst v63  }
0x215: {  	_ =	swait.ge [sflag:s16], $0x2000  }
0x216: {  	s23 =	rddreg [dreg:$0x9]  }
0x217: {  	s15 =	smov.u32 s30;
	[sflag:s16] =	ssyncset.done $0x0;
	s3 =	sadd.s32 $0xFFFFFFFF, s23  }
.LBB2_14:
0x218: {  	[sflag:s16] =	ssyncadd.s32 $0xFFFFE000;
	s12 =	sadd.s32 $0x4000, s12;
	s15 =	sadd.s32 $0x20000, s15  }
0x219: {  	[tilespmem:s0], [sflag:$0xD] =	stream.linear.gather [spmem:s15], $0x2000, $0x38;
	[tilespmem:$0x1FC80] =	vst v63  }
0x21a: {  	p1 =	sne.s32 s3, $0x1;
	s3 =	sadd.s32 $0xFFFFFFFF, s3;
	_ =	swait.ge [sflag:s16], $0x2000  }
.Ltmp8:
0x21b: {  	[sflag:s16] =	ssyncset.done $0x0;
	(pc) =	sbr.rel @p1 .LBB2_14-.Ltmp8, $4  }
0x21c: {  	[sflag:s16] =	ssyncadd.s32 $0xFFFFE000  }
0x21d: {  	[hbm4b:s12+s5] =	stream.linear.scatter [tilespmem:s0], [sflag:$0xD], $0x2000, $0x38;
	[tilespmem:$0x1FC80] =	vst v63  }
0x21e: {  	_ =	swait.ge [sflag:s16], $0x2000  }
0x21f: {  	[sflag:s16] =	ssyncset.done $0x0  }
.LBB2_15:
0x220: {  	[sflag:s16] =	ssyncadd.s32 $0xFFFFE000  }
0x221: {  	s2 =	simm.s32 @!p0 $0x400;
	s15 =	rddreg [dreg:$0x13];
	s3 =	simm.s32 @!p0 $0xD  }
0x222: {  	[tilespmem:s2], [sflag:$0xD] =	stream.linear.gather @!p0 [spmem:s15], $0x800, $0x38;
	[tilespmem:$0x1FC80] =	vst v63  }
0x223: {  	_ =	swait.ge @!p0 [sflag:s3], $0x800  }
0x224: {  	[sflag:s3] =	ssyncset.done @!p0 $0x0  }
0x225: {  	s12 =	simm.s32 @!p0 $0x0;
	s13 =	rddreg [dreg:$0x11];
	[sflag:s3] =	ssyncadd.s32 @!p0 $0xFFFFF800  }
0x226: {  	[hbm4b:s13+s12] =	stream.linear.scatter @!p0 [tilespmem:s2], [sflag:$0xD], $0x800, $0x38;
	[tilespmem:$0x1FC80] =	vst v63  }
0x227: {  	_ =	swait.ge @!p0 [sflag:s3], $0x800  }
0x228: {  	s2 =	rddreg [dreg:$0x14]  }
0x229: {  	s13 =	rddreg [dreg:$0x12];
	s12 =	sadd.s32 $0x1, s2  }
0x22a: {  	p1 =	sne.s32 s12, s13  }
.Ltmp9:
0x22b: {  	_ = 	snop;
	(pc) =	sbr.rel @p1 .LBB2_1-.Ltmp9, $3  }
0x22c: {  	_ =	sdelay $0x1  }
0x22d: {  	[sflag:s3] =	ssyncset.done @!p0 $0x0  }
0x22e: {  	[sflag:s3] =	ssyncadd.s32 @!p0 $0xFFFFF800;
	s13 =	simm.s32 $0x80  }
0x22f: {  	_ =	sfence.sel $0x180000  }
0x230: {  	[bflag:$0x0] =	sbarrier.arrive $0xFFFF  }
0x231: {  	_ =	strace $0x90000047  }
0x232: {  	s0 =	stileid.u32;
	[bflag:$0x2] =	sbarrier.arrive $0xFFFF  }
0x233: {  	p0 =	sne.s32 s0, $0x0;
	s0 =	rddreg [dreg:$0x4]  }
0x234: {  	s0 =	sadd.s32 @!p0 $0x100000, s0  }
0x235: {  	[sflag:s0] =	ssyncadd.tile.s32 @!p0 $0x1;
	_ =	shalt  }
.Lfunc_end2:
_tile_overlayer_lowered:
.L_overlay_start_2:
0x236: {  	(tag) =	ssettag $0x2  }
0x237: {  	s0 =	rddreg [dreg:$0x0];
	s2 =	stileid.u32  }
0x238: {  	s1 =	rddreg [dreg:$0x1];
	p0 =	sne.s32 s2, $0x0  }
0x239: {  	s3 =	rddreg [dreg:$0x2];
	[bflag:$0x3] =	sbarrier.arrive $0xFFFF;
	s2 =	simm.s32 @!p0 $0x1C0D  }
0x23a: {  	[timem:s3], [sflag:s2] =	dma.local @!p0 [hbm:s0], s1  }
0x23b: {  	s0 =	simm.s32 @!p0 $0xD  }
0x23c: {  	_ =	swait.ge @!p0 [sflag:s0], s1  }
0x23d: {  	s1 =	ssub.s32 @!p0 $0x0, s1;
	[sflag:s0] =	ssyncset.done @!p0 $0x0  }
0x23e: {  	[sflag:s0] =	ssyncadd.s32 @!p0 s1  }
0x23f: {  	[bflag:$0x3] =	sbarrier.arrive $0xFFFF  }
0x240: {  	_ =	shalt  }

</sc_bundles>
